<compile_context>
chip_gen: v7x
topology: tpu7x:2x2x1
jax: 0.10.2.dev20260603
libtpu: 0.0.44.dev20260713+nightly
codegen_flags: <defaults>
</compile_context>

<pallas_src>
import functools

import jax
import jax.numpy as jnp
from jax import lax
from jax.experimental import pallas as pl
from jax.experimental.pallas import tpu as pltpu
from jax.experimental.pallas import tpu_sc as plsc

_L = 16
_NW = 32
_IDX_CHUNK = 128


def _sqrt16(x):
    xs = jnp.maximum(x, jnp.float32(1e-30))
    i = lax.bitcast_convert_type(xs, jnp.int32)
    i = jnp.int32(0x5F3759DF) - lax.shift_right_arithmetic(i, jnp.int32(1))
    y = lax.bitcast_convert_type(i, jnp.float32)
    half = jnp.float32(0.5)
    three_half = jnp.float32(1.5)
    for _ in range(3):
        y = y * (three_half - half * xs * y * y)
    return x * y


def _make_sc_call(batch, dim):
    bpw = batch // _NW
    nch = bpw // _IDX_CHUNK
    ngr = bpw // _L
    hd = dim // 2

    mesh = plsc.VectorSubcoreMesh(core_axis_name="c", subcore_axis_name="s")

    @functools.partial(
        pl.kernel,
        out_type=jax.ShapeDtypeStruct((batch,), jnp.float32),
        mesh=mesh,
        compiler_params=pltpu.CompilerParams(
            needs_layout_passes=False, use_tc_tiling_on_sc=False),
        scratch_types=[
            pltpu.VMEM((nch, _IDX_CHUNK), jnp.int32),
            pltpu.VMEM((nch, _IDX_CHUNK), jnp.int32),
            pltpu.VMEM((nch, _IDX_CHUNK), jnp.int32),
            pltpu.VMEM((bpw, dim), jnp.bfloat16),
            pltpu.VMEM((bpw, dim), jnp.bfloat16),
            pltpu.VMEM((bpw, dim), jnp.bfloat16),
            pltpu.VMEM((bpw, dim), jnp.float32),
            pltpu.VMEM((bpw, dim), jnp.float32),
            pltpu.VMEM((bpw, dim), jnp.float32),
            pltpu.VMEM((bpw,), jnp.float32),
            pltpu.VMEM((dim, _L), jnp.float32),
            pltpu.VMEM((bpw,), jnp.float32),
            pltpu.SemaphoreType.DMA,
        ],
    )
    def sc_call(uid_hbm, lit_hbm, pit_hbm, uemb_hbm, iemb_hbm, gt_hbm,
                bias_hbm, out_hbm, idx_u, idx_l, idx_p, raw_u, raw_l,
                raw_p, rows_u, rows_l, rows_p, bias_v, gt_v, out_v, sem):
        wid = lax.axis_index("s") * 2 + lax.axis_index("c")
        base_row = wid * nch

        pltpu.sync_copy(uid_hbm.at[pl.ds(base_row, nch)], idx_u)
        pltpu.sync_copy(lit_hbm.at[pl.ds(base_row, nch)], idx_l)
        pltpu.sync_copy(pit_hbm.at[pl.ds(base_row, nch)], idx_p)
        pltpu.sync_copy(gt_hbm, gt_v)

        copies = []
        for j in range(nch):
            dst = pl.ds(j * _IDX_CHUNK, _IDX_CHUNK)
            copies.append(pltpu.async_copy(
                uemb_hbm.at[idx_u.at[j]], raw_u.at[dst], sem))
            copies.append(pltpu.async_copy(
                iemb_hbm.at[idx_l.at[j]], raw_l.at[dst], sem))
            copies.append(pltpu.async_copy(
                iemb_hbm.at[idx_p.at[j]], raw_p.at[dst], sem))
            copies.append(pltpu.async_copy(
                bias_hbm.at[idx_p.at[j]], bias_v.at[dst], sem))
        for c in copies:
            c.wait()

        def unpack_body(r, carry):
            for raw, rows in ((raw_u, rows_u), (raw_l, rows_l),
                              (raw_p, rows_p)):
                a, b = plsc.unpack(raw[r], format=plsc.PackFormat.INTERLEAVED)
                rows[r, pl.ds(0, hd)] = a
                rows[r, pl.ds(hd, hd)] = b
            return carry

        lax.fori_loop(0, bpw, unpack_body, jnp.int32(0))

        lane = lax.iota(jnp.int32, _L)

        def group_body(g, carry):
            rows = g * _L + lane
            acc = jnp.zeros((_L,), jnp.float32)
            for k in range(dim):
                col = jnp.full((_L,), k, jnp.int32)
                u = plsc.load_gather(rows_u, [rows, col])
                li = plsc.load_gather(rows_l, [rows, col])
                p = plsc.load_gather(rows_p, [rows, col])
                d = (u - p) + li + gt_v[k]
                acc = acc + d * d
            b = bias_v[pl.ds(g * _L, _L)]
            out_v[pl.ds(g * _L, _L)] = b - _sqrt16(acc)
            return carry

        lax.fori_loop(0, ngr, group_body, jnp.int32(0))

        pltpu.sync_copy(out_v, out_hbm.at[pl.ds(wid * bpw, bpw)])

    return sc_call


def kernel(user_ids, last_items, pre_items, user_emb, item_emb,
           global_transition, item_biases):
    batch = user_ids.shape[0]
    dim = user_emb.shape[1]
    uid2 = user_ids.astype(jnp.int32).reshape(-1, _IDX_CHUNK)
    lit2 = last_items.astype(jnp.int32).reshape(-1, _IDX_CHUNK)
    pit2 = pre_items.astype(jnp.int32).reshape(-1, _IDX_CHUNK)
    ue16 = user_emb.astype(jnp.bfloat16)
    ie16 = item_emb.astype(jnp.bfloat16)
    perm = jnp.concatenate([jnp.arange(0, dim, 2), jnp.arange(1, dim, 2)])
    gtp = global_transition.astype(jnp.float32).reshape(-1)[perm]
    gt_cols = jnp.broadcast_to(gtp.reshape(dim, 1), (dim, _L))
    bias1 = item_biases.astype(jnp.float32).reshape(-1)
    sc_call = _make_sc_call(batch, dim)
    return sc_call(uid2, lit2, pit2, ue16, ie16, gt_cols, bias1)

# --- scband reference (transcript-rebuilt; emitter-appended) ---
"""Pipeline reference for scband-trans-rec-24893630447995 (READ-ONLY COPY).

The authoritative reference and input builder live on the scoring server;
editing this copy changes nothing except your own understanding.
"""

import jax, jax.numpy as jnp
import numpy as np

NUM_USERS = 1000000
NUM_ITEMS = 1000000
EMBED_DIM = 32
BATCH = 16384


def setup_inputs(seed: int = 0) -> dict:
    key = jax.random.key(seed)
    k1, k2, k3, k4, k5, k6, k7 = jax.random.split(key, 7)
    user_ids = jax.random.randint(k1, (BATCH,), 0, NUM_USERS, dtype=jnp.int64 if jax.config.jax_enable_x64 else jnp.int32)
    last_items = jax.random.randint(k2, (BATCH,), 0, NUM_ITEMS, dtype=jnp.int64 if jax.config.jax_enable_x64 else jnp.int32)
    pre_items = jax.random.randint(k3, (BATCH,), 0, NUM_ITEMS, dtype=jnp.int64 if jax.config.jax_enable_x64 else jnp.int32)
    # learned parameters (uniform init like the torch reset_parameters; user emb / biases
    # are given small random values instead of exact zeros so outputs are nontrivial)
    user_emb = jax.random.uniform(k4, (NUM_USERS, EMBED_DIM), minval=-0.05, maxval=0.05, dtype=jnp.float32)
    item_emb = jax.random.uniform(k5, (NUM_ITEMS, EMBED_DIM), minval=-0.05, maxval=0.05, dtype=jnp.float32)
    global_transition = jax.random.uniform(k6, (1, EMBED_DIM), minval=-0.05, maxval=0.05, dtype=jnp.float32)
    item_biases = jax.random.uniform(k7, (NUM_ITEMS, 1), minval=-0.05, maxval=0.05, dtype=jnp.float32)
    return {
        "user_ids": user_ids,
        "last_items": last_items,
        "pre_items": pre_items,
        "user_emb": user_emb,
        "item_emb": item_emb,
        "global_transition": global_transition,
        "item_biases": item_biases,
    }


def _l2_distance(a, b):
    # euclidean distance along last dim (NeuRec l2_distance)
    return jnp.sqrt(jnp.sum((a - b) ** 2, axis=-1))


def reference(user_ids, last_items, pre_items, user_emb, item_emb, global_transition, item_biases):
    user_embs = jnp.take(user_emb, user_ids, axis=0)
    last_item_embs = jnp.take(item_emb, last_items, axis=0)
    pre_item_embs = jnp.take(item_emb, pre_items, axis=0)
    pre_item_bias = jnp.take(item_biases, pre_items, axis=0)
    transed_emb = user_embs + global_transition + last_item_embs
    hat_y = -_l2_distance(transed_emb, pre_item_embs) + jnp.squeeze(pre_item_bias)
    return hat_y

if __name__ == "__main__":
    import jax
    _d = setup_inputs()
    print(jax.jit(kernel)(*tuple(_d.values())))

</pallas_src>

<mosaic_0001>
#map = affine_map<(d0, d1) -> (0, 0)>
#map1 = affine_map<(d0, d1) -> (0)>
module attributes {stable_mosaic.version = 14 : i64} {
  func.func @sc_call(%arg0: i32, %arg1: i32, %arg2: memref<128x128xi32, #tpu.memory_space<hbm>>, %arg3: memref<128x128xi32, #tpu.memory_space<hbm>>, %arg4: memref<128x128xi32, #tpu.memory_space<hbm>>, %arg5: memref<1000000x32xbf16, #tpu.memory_space<hbm>>, %arg6: memref<1000000x32xbf16, #tpu.memory_space<hbm>>, %arg7: memref<32x16xf32, #tpu.memory_space<hbm>>, %arg8: memref<1000000xf32, #tpu.memory_space<hbm>>, %arg9: memref<16384xf32, #tpu.memory_space<hbm>>, %arg10: memref<4x128xi32, #tpu.memory_space<vmem>>, %arg11: memref<4x128xi32, #tpu.memory_space<vmem>>, %arg12: memref<4x128xi32, #tpu.memory_space<vmem>>, %arg13: memref<512x32xbf16, #tpu.memory_space<vmem>>, %arg14: memref<512x32xbf16, #tpu.memory_space<vmem>>, %arg15: memref<512x32xbf16, #tpu.memory_space<vmem>>, %arg16: memref<512x32xf32, #tpu.memory_space<vmem>>, %arg17: memref<512x32xf32, #tpu.memory_space<vmem>>, %arg18: memref<512x32xf32, #tpu.memory_space<vmem>>, %arg19: memref<512xf32, #tpu.memory_space<vmem>>, %arg20: memref<32x16xf32, #tpu.memory_space<vmem>>, %arg21: memref<512xf32, #tpu.memory_space<vmem>>, %arg22: memref<!tpu.dma_semaphore, #tpu.memory_space<semaphore_mem>>) attributes {dimension_semantics = [#tpu.dimension_semantics<core_parallel>, #tpu.dimension_semantics<subcore_parallel>], iteration_bounds = array<i64: 2, 16>, scalar_prefetch = 0 : i64, scratch_operands = 13 : i64, tpu.core_type = #tpu.core_type<sc_vector_subcore>, window_params = [{transform_indices = #map}, {transform_indices = #map}, {transform_indices = #map}, {transform_indices = #map}, {transform_indices = #map}, {transform_indices = #map}, {transform_indices = #map1}, {transform_indices = #map1}]} {
    %mul3A = arith.constant 2 : i32
    %mul3A_0 = arith.muli %arg1, %mul3A : i32
    %add3A = arith.addi %mul3A_0, %arg0 : i32
    %mul3A_1 = arith.constant 4 : i32
    %mul3A_2 = arith.muli %add3A, %mul3A_1 : i32
    "tpu.region"() ({
      %run_scoped3A = tpu.sem_alloc : memref<!tpu.dma_semaphore, #tpu.memory_space<semaphore_mem>>
      %dma_start3A_318 = arith.constant 0 : i32
      %dma_start3A_319 = tpu.memref_slice %arg2[%mul3A_2, %dma_start3A_318] : memref<128x128xi32, #tpu.memory_space<hbm>> -> memref<4x128xi32, #tpu.memory_space<hbm>>
      %dma_start3A_320 = arith.constant 0 : i32
      %dma_start3A_321 = tpu.memref_slice %arg2[%mul3A_2, %dma_start3A_320] : memref<128x128xi32, #tpu.memory_space<hbm>> -> memref<4x128xi32, #tpu.memory_space<hbm>>
      tpu.enqueue_dma source(%dma_start3A_321 : memref<4x128xi32, #tpu.memory_space<hbm>>) target(%arg10 : memref<4x128xi32, #tpu.memory_space<vmem>>) target_semaphore(%run_scoped3A : memref<!tpu.dma_semaphore, #tpu.memory_space<semaphore_mem>>)
      %dma_wait3A_322 = arith.constant 0 : i32
      %dma_wait3A_323 = tpu.memref_slice %arg2[%mul3A_2, %dma_wait3A_322] : memref<128x128xi32, #tpu.memory_space<hbm>> -> memref<4x128xi32, #tpu.memory_space<hbm>>
      %dma_wait3A_324 = arith.constant 0 : i32
      %dma_wait3A_325 = tpu.memref_slice %arg2[%mul3A_2, %dma_wait3A_324] : memref<128x128xi32, #tpu.memory_space<hbm>> -> memref<4x128xi32, #tpu.memory_space<hbm>>
      tpu.wait_dma2 semaphore(%run_scoped3A : memref<!tpu.dma_semaphore, #tpu.memory_space<semaphore_mem>>) src(%dma_wait3A_325 : memref<4x128xi32, #tpu.memory_space<hbm>>) dst(%arg10 : memref<4x128xi32, #tpu.memory_space<vmem>>)
      tpu.yield
    }) : () -> ()
    "tpu.region"() ({
      %run_scoped3A = tpu.sem_alloc : memref<!tpu.dma_semaphore, #tpu.memory_space<semaphore_mem>>
      %dma_start3A_318 = arith.constant 0 : i32
      %dma_start3A_319 = tpu.memref_slice %arg3[%mul3A_2, %dma_start3A_318] : memref<128x128xi32, #tpu.memory_space<hbm>> -> memref<4x128xi32, #tpu.memory_space<hbm>>
      %dma_start3A_320 = arith.constant 0 : i32
      %dma_start3A_321 = tpu.memref_slice %arg3[%mul3A_2, %dma_start3A_320] : memref<128x128xi32, #tpu.memory_space<hbm>> -> memref<4x128xi32, #tpu.memory_space<hbm>>
      tpu.enqueue_dma source(%dma_start3A_321 : memref<4x128xi32, #tpu.memory_space<hbm>>) target(%arg11 : memref<4x128xi32, #tpu.memory_space<vmem>>) target_semaphore(%run_scoped3A : memref<!tpu.dma_semaphore, #tpu.memory_space<semaphore_mem>>)
      %dma_wait3A_322 = arith.constant 0 : i32
      %dma_wait3A_323 = tpu.memref_slice %arg3[%mul3A_2, %dma_wait3A_322] : memref<128x128xi32, #tpu.memory_space<hbm>> -> memref<4x128xi32, #tpu.memory_space<hbm>>
      %dma_wait3A_324 = arith.constant 0 : i32
      %dma_wait3A_325 = tpu.memref_slice %arg3[%mul3A_2, %dma_wait3A_324] : memref<128x128xi32, #tpu.memory_space<hbm>> -> memref<4x128xi32, #tpu.memory_space<hbm>>
      tpu.wait_dma2 semaphore(%run_scoped3A : memref<!tpu.dma_semaphore, #tpu.memory_space<semaphore_mem>>) src(%dma_wait3A_325 : memref<4x128xi32, #tpu.memory_space<hbm>>) dst(%arg11 : memref<4x128xi32, #tpu.memory_space<vmem>>)
      tpu.yield
    }) : () -> ()
    "tpu.region"() ({
      %run_scoped3A = tpu.sem_alloc : memref<!tpu.dma_semaphore, #tpu.memory_space<semaphore_mem>>
      %dma_start3A_318 = arith.constant 0 : i32
      %dma_start3A_319 = tpu.memref_slice %arg4[%mul3A_2, %dma_start3A_318] : memref<128x128xi32, #tpu.memory_space<hbm>> -> memref<4x128xi32, #tpu.memory_space<hbm>>
      %dma_start3A_320 = arith.constant 0 : i32
      %dma_start3A_321 = tpu.memref_slice %arg4[%mul3A_2, %dma_start3A_320] : memref<128x128xi32, #tpu.memory_space<hbm>> -> memref<4x128xi32, #tpu.memory_space<hbm>>
      tpu.enqueue_dma source(%dma_start3A_321 : memref<4x128xi32, #tpu.memory_space<hbm>>) target(%arg12 : memref<4x128xi32, #tpu.memory_space<vmem>>) target_semaphore(%run_scoped3A : memref<!tpu.dma_semaphore, #tpu.memory_space<semaphore_mem>>)
      %dma_wait3A_322 = arith.constant 0 : i32
      %dma_wait3A_323 = tpu.memref_slice %arg4[%mul3A_2, %dma_wait3A_322] : memref<128x128xi32, #tpu.memory_space<hbm>> -> memref<4x128xi32, #tpu.memory_space<hbm>>
      %dma_wait3A_324 = arith.constant 0 : i32
      %dma_wait3A_325 = tpu.memref_slice %arg4[%mul3A_2, %dma_wait3A_324] : memref<128x128xi32, #tpu.memory_space<hbm>> -> memref<4x128xi32, #tpu.memory_space<hbm>>
      tpu.wait_dma2 semaphore(%run_scoped3A : memref<!tpu.dma_semaphore, #tpu.memory_space<semaphore_mem>>) src(%dma_wait3A_325 : memref<4x128xi32, #tpu.memory_space<hbm>>) dst(%arg12 : memref<4x128xi32, #tpu.memory_space<vmem>>)
      tpu.yield
    }) : () -> ()
    "tpu.region"() ({
      %run_scoped3A = tpu.sem_alloc : memref<!tpu.dma_semaphore, #tpu.memory_space<semaphore_mem>>
      tpu.enqueue_dma source(%arg7 : memref<32x16xf32, #tpu.memory_space<hbm>>) target(%arg20 : memref<32x16xf32, #tpu.memory_space<vmem>>) target_semaphore(%run_scoped3A : memref<!tpu.dma_semaphore, #tpu.memory_space<semaphore_mem>>)
      tpu.wait_dma2 semaphore(%run_scoped3A : memref<!tpu.dma_semaphore, #tpu.memory_space<semaphore_mem>>) src(%arg7 : memref<32x16xf32, #tpu.memory_space<hbm>>) dst(%arg20 : memref<32x16xf32, #tpu.memory_space<vmem>>)
      tpu.yield
    }) : () -> ()
    %dma_start3A = arith.constant 0 : i32
    %dma_start3A_3 = arith.constant 0 : i32
    %dma_start3A_4 = arith.constant 0 : i32
    %dma_start3A_5 = tpu.memref_slice %arg13[%dma_start3A_3, %dma_start3A_4] : memref<512x32xbf16, #tpu.memory_space<vmem>> -> memref<128x32xbf16, #tpu.memory_space<vmem>>
    %dma_start3A_6 = arith.constant 0 : i32
    %dma_start3A_7 = tpu.memref_slice %arg10[%dma_start3A, %dma_start3A_6] : memref<4x128xi32, #tpu.memory_space<vmem>> -> memref<1x128xi32, #tpu.memory_space<vmem>>
    %dma_start3A_8 = tpu.memref_squeeze %dma_start3A_7 : memref<1x128xi32, #tpu.memory_space<vmem>> -> memref<128xi32, #tpu.memory_space<vmem>>
    %dma_start3A_9 = arith.constant 0 : i32
    %dma_start3A_10 = arith.constant 0 : i32
    %dma_start3A_11 = tpu.memref_slice %arg5[%dma_start3A_9, %dma_start3A_10] : memref<1000000x32xbf16, #tpu.memory_space<hbm>> -> memref<1000000x32xbf16, #tpu.memory_space<hbm>>
    tpu.enqueue_indirect_dma source(%dma_start3A_11 : memref<1000000x32xbf16, #tpu.memory_space<hbm>>) target(%dma_start3A_5 : memref<128x32xbf16, #tpu.memory_space<vmem>>) offsets(%dma_start3A_8 : memref<128xi32, #tpu.memory_space<vmem>>) semaphore(%arg22 : memref<!tpu.dma_semaphore, #tpu.memory_space<semaphore_mem>>)
    %dma_start3A_12 = arith.constant 0 : i32
    %dma_start3A_13 = arith.constant 0 : i32
    %dma_start3A_14 = arith.constant 0 : i32
    %dma_start3A_15 = tpu.memref_slice %arg14[%dma_start3A_13, %dma_start3A_14] : memref<512x32xbf16, #tpu.memory_space<vmem>> -> memref<128x32xbf16, #tpu.memory_space<vmem>>
    %dma_start3A_16 = arith.constant 0 : i32
    %dma_start3A_17 = tpu.memref_slice %arg11[%dma_start3A_12, %dma_start3A_16] : memref<4x128xi32, #tpu.memory_space<vmem>> -> memref<1x128xi32, #tpu.memory_space<vmem>>
    %dma_start3A_18 = tpu.memref_squeeze %dma_start3A_17 : memref<1x128xi32, #tpu.memory_space<vmem>> -> memref<128xi32, #tpu.memory_space<vmem>>
    %dma_start3A_19 = arith.constant 0 : i32
    %dma_start3A_20 = arith.constant 0 : i32
    %dma_start3A_21 = tpu.memref_slice %arg6[%dma_start3A_19, %dma_start3A_20] : memref<1000000x32xbf16, #tpu.memory_space<hbm>> -> memref<1000000x32xbf16, #tpu.memory_space<hbm>>
    tpu.enqueue_indirect_dma source(%dma_start3A_21 : memref<1000000x32xbf16, #tpu.memory_space<hbm>>) target(%dma_start3A_15 : memref<128x32xbf16, #tpu.memory_space<vmem>>) offsets(%dma_start3A_18 : memref<128xi32, #tpu.memory_space<vmem>>) semaphore(%arg22 : memref<!tpu.dma_semaphore, #tpu.memory_space<semaphore_mem>>)
    %dma_start3A_22 = arith.constant 0 : i32
    %dma_start3A_23 = arith.constant 0 : i32
    %dma_start3A_24 = arith.constant 0 : i32
    %dma_start3A_25 = tpu.memref_slice %arg15[%dma_start3A_23, %dma_start3A_24] : memref<512x32xbf16, #tpu.memory_space<vmem>> -> memref<128x32xbf16, #tpu.memory_space<vmem>>
    %dma_start3A_26 = arith.constant 0 : i32
    %dma_start3A_27 = tpu.memref_slice %arg12[%dma_start3A_22, %dma_start3A_26] : memref<4x128xi32, #tpu.memory_space<vmem>> -> memref<1x128xi32, #tpu.memory_space<vmem>>
    %dma_start3A_28 = tpu.memref_squeeze %dma_start3A_27 : memref<1x128xi32, #tpu.memory_space<vmem>> -> memref<128xi32, #tpu.memory_space<vmem>>
    %dma_start3A_29 = arith.constant 0 : i32
    %dma_start3A_30 = arith.constant 0 : i32
    %dma_start3A_31 = tpu.memref_slice %arg6[%dma_start3A_29, %dma_start3A_30] : memref<1000000x32xbf16, #tpu.memory_space<hbm>> -> memref<1000000x32xbf16, #tpu.memory_space<hbm>>
    tpu.enqueue_indirect_dma source(%dma_start3A_31 : memref<1000000x32xbf16, #tpu.memory_space<hbm>>) target(%dma_start3A_25 : memref<128x32xbf16, #tpu.memory_space<vmem>>) offsets(%dma_start3A_28 : memref<128xi32, #tpu.memory_space<vmem>>) semaphore(%arg22 : memref<!tpu.dma_semaphore, #tpu.memory_space<semaphore_mem>>)
    %dma_start3A_32 = arith.constant 0 : i32
    %dma_start3A_33 = arith.constant 0 : i32
    %dma_start3A_34 = tpu.memref_slice %arg19[%dma_start3A_33] : memref<512xf32, #tpu.memory_space<vmem>> -> memref<128xf32, #tpu.memory_space<vmem>>
    %dma_start3A_35 = arith.constant 0 : i32
    %dma_start3A_36 = tpu.memref_slice %arg12[%dma_start3A_32, %dma_start3A_35] : memref<4x128xi32, #tpu.memory_space<vmem>> -> memref<1x128xi32, #tpu.memory_space<vmem>>
    %dma_start3A_37 = tpu.memref_squeeze %dma_start3A_36 : memref<1x128xi32, #tpu.memory_space<vmem>> -> memref<128xi32, #tpu.memory_space<vmem>>
    %dma_start3A_38 = arith.constant 0 : i32
    %dma_start3A_39 = tpu.memref_slice %arg8[%dma_start3A_38] : memref<1000000xf32, #tpu.memory_space<hbm>> -> memref<1000000xf32, #tpu.memory_space<hbm>>
    tpu.enqueue_indirect_dma source(%dma_start3A_39 : memref<1000000xf32, #tpu.memory_space<hbm>>) target(%dma_start3A_34 : memref<128xf32, #tpu.memory_space<vmem>>) offsets(%dma_start3A_37 : memref<128xi32, #tpu.memory_space<vmem>>) semaphore(%arg22 : memref<!tpu.dma_semaphore, #tpu.memory_space<semaphore_mem>>)
    %dma_start3A_40 = arith.constant 1 : i32
    %dma_start3A_41 = arith.constant 128 : i32
    %dma_start3A_42 = arith.constant 0 : i32
    %dma_start3A_43 = tpu.memref_slice %arg13[%dma_start3A_41, %dma_start3A_42] : memref<512x32xbf16, #tpu.memory_space<vmem>> -> memref<128x32xbf16, #tpu.memory_space<vmem>>
    %dma_start3A_44 = arith.constant 0 : i32
    %dma_start3A_45 = tpu.memref_slice %arg10[%dma_start3A_40, %dma_start3A_44] : memref<4x128xi32, #tpu.memory_space<vmem>> -> memref<1x128xi32, #tpu.memory_space<vmem>>
    %dma_start3A_46 = tpu.memref_squeeze %dma_start3A_45 : memref<1x128xi32, #tpu.memory_space<vmem>> -> memref<128xi32, #tpu.memory_space<vmem>>
    %dma_start3A_47 = arith.constant 0 : i32
    %dma_start3A_48 = arith.constant 0 : i32
    %dma_start3A_49 = tpu.memref_slice %arg5[%dma_start3A_47, %dma_start3A_48] : memref<1000000x32xbf16, #tpu.memory_space<hbm>> -> memref<1000000x32xbf16, #tpu.memory_space<hbm>>
    tpu.enqueue_indirect_dma source(%dma_start3A_49 : memref<1000000x32xbf16, #tpu.memory_space<hbm>>) target(%dma_start3A_43 : memref<128x32xbf16, #tpu.memory_space<vmem>>) offsets(%dma_start3A_46 : memref<128xi32, #tpu.memory_space<vmem>>) semaphore(%arg22 : memref<!tpu.dma_semaphore, #tpu.memory_space<semaphore_mem>>)
    %dma_start3A_50 = arith.constant 1 : i32
    %dma_start3A_51 = arith.constant 128 : i32
    %dma_start3A_52 = arith.constant 0 : i32
    %dma_start3A_53 = tpu.memref_slice %arg14[%dma_start3A_51, %dma_start3A_52] : memref<512x32xbf16, #tpu.memory_space<vmem>> -> memref<128x32xbf16, #tpu.memory_space<vmem>>
    %dma_start3A_54 = arith.constant 0 : i32
    %dma_start3A_55 = tpu.memref_slice %arg11[%dma_start3A_50, %dma_start3A_54] : memref<4x128xi32, #tpu.memory_space<vmem>> -> memref<1x128xi32, #tpu.memory_space<vmem>>
    %dma_start3A_56 = tpu.memref_squeeze %dma_start3A_55 : memref<1x128xi32, #tpu.memory_space<vmem>> -> memref<128xi32, #tpu.memory_space<vmem>>
    %dma_start3A_57 = arith.constant 0 : i32
    %dma_start3A_58 = arith.constant 0 : i32
    %dma_start3A_59 = tpu.memref_slice %arg6[%dma_start3A_57, %dma_start3A_58] : memref<1000000x32xbf16, #tpu.memory_space<hbm>> -> memref<1000000x32xbf16, #tpu.memory_space<hbm>>
    tpu.enqueue_indirect_dma source(%dma_start3A_59 : memref<1000000x32xbf16, #tpu.memory_space<hbm>>) target(%dma_start3A_53 : memref<128x32xbf16, #tpu.memory_space<vmem>>) offsets(%dma_start3A_56 : memref<128xi32, #tpu.memory_space<vmem>>) semaphore(%arg22 : memref<!tpu.dma_semaphore, #tpu.memory_space<semaphore_mem>>)
    %dma_start3A_60 = arith.constant 1 : i32
    %dma_start3A_61 = arith.constant 128 : i32
    %dma_start3A_62 = arith.constant 0 : i32
    %dma_start3A_63 = tpu.memref_slice %arg15[%dma_start3A_61, %dma_start3A_62] : memref<512x32xbf16, #tpu.memory_space<vmem>> -> memref<128x32xbf16, #tpu.memory_space<vmem>>
    %dma_start3A_64 = arith.constant 0 : i32
    %dma_start3A_65 = tpu.memref_slice %arg12[%dma_start3A_60, %dma_start3A_64] : memref<4x128xi32, #tpu.memory_space<vmem>> -> memref<1x128xi32, #tpu.memory_space<vmem>>
    %dma_start3A_66 = tpu.memref_squeeze %dma_start3A_65 : memref<1x128xi32, #tpu.memory_space<vmem>> -> memref<128xi32, #tpu.memory_space<vmem>>
    %dma_start3A_67 = arith.constant 0 : i32
    %dma_start3A_68 = arith.constant 0 : i32
    %dma_start3A_69 = tpu.memref_slice %arg6[%dma_start3A_67, %dma_start3A_68] : memref<1000000x32xbf16, #tpu.memory_space<hbm>> -> memref<1000000x32xbf16, #tpu.memory_space<hbm>>
    tpu.enqueue_indirect_dma source(%dma_start3A_69 : memref<1000000x32xbf16, #tpu.memory_space<hbm>>) target(%dma_start3A_63 : memref<128x32xbf16, #tpu.memory_space<vmem>>) offsets(%dma_start3A_66 : memref<128xi32, #tpu.memory_space<vmem>>) semaphore(%arg22 : memref<!tpu.dma_semaphore, #tpu.memory_space<semaphore_mem>>)
    %dma_start3A_70 = arith.constant 1 : i32
    %dma_start3A_71 = arith.constant 128 : i32
    %dma_start3A_72 = tpu.memref_slice %arg19[%dma_start3A_71] : memref<512xf32, #tpu.memory_space<vmem>> -> memref<128xf32, #tpu.memory_space<vmem>>
    %dma_start3A_73 = arith.constant 0 : i32
    %dma_start3A_74 = tpu.memref_slice %arg12[%dma_start3A_70, %dma_start3A_73] : memref<4x128xi32, #tpu.memory_space<vmem>> -> memref<1x128xi32, #tpu.memory_space<vmem>>
    %dma_start3A_75 = tpu.memref_squeeze %dma_start3A_74 : memref<1x128xi32, #tpu.memory_space<vmem>> -> memref<128xi32, #tpu.memory_space<vmem>>
    %dma_start3A_76 = arith.constant 0 : i32
    %dma_start3A_77 = tpu.memref_slice %arg8[%dma_start3A_76] : memref<1000000xf32, #tpu.memory_space<hbm>> -> memref<1000000xf32, #tpu.memory_space<hbm>>
    tpu.enqueue_indirect_dma source(%dma_start3A_77 : memref<1000000xf32, #tpu.memory_space<hbm>>) target(%dma_start3A_72 : memref<128xf32, #tpu.memory_space<vmem>>) offsets(%dma_start3A_75 : memref<128xi32, #tpu.memory_space<vmem>>) semaphore(%arg22 : memref<!tpu.dma_semaphore, #tpu.memory_space<semaphore_mem>>)
    %dma_start3A_78 = arith.constant 2 : i32
    %dma_start3A_79 = arith.constant 256 : i32
    %dma_start3A_80 = arith.constant 0 : i32
    %dma_start3A_81 = tpu.memref_slice %arg13[%dma_start3A_79, %dma_start3A_80] : memref<512x32xbf16, #tpu.memory_space<vmem>> -> memref<128x32xbf16, #tpu.memory_space<vmem>>
    %dma_start3A_82 = arith.constant 0 : i32
    %dma_start3A_83 = tpu.memref_slice %arg10[%dma_start3A_78, %dma_start3A_82] : memref<4x128xi32, #tpu.memory_space<vmem>> -> memref<1x128xi32, #tpu.memory_space<vmem>>
    %dma_start3A_84 = tpu.memref_squeeze %dma_start3A_83 : memref<1x128xi32, #tpu.memory_space<vmem>> -> memref<128xi32, #tpu.memory_space<vmem>>
    %dma_start3A_85 = arith.constant 0 : i32
    %dma_start3A_86 = arith.constant 0 : i32
    %dma_start3A_87 = tpu.memref_slice %arg5[%dma_start3A_85, %dma_start3A_86] : memref<1000000x32xbf16, #tpu.memory_space<hbm>> -> memref<1000000x32xbf16, #tpu.memory_space<hbm>>
    tpu.enqueue_indirect_dma source(%dma_start3A_87 : memref<1000000x32xbf16, #tpu.memory_space<hbm>>) target(%dma_start3A_81 : memref<128x32xbf16, #tpu.memory_space<vmem>>) offsets(%dma_start3A_84 : memref<128xi32, #tpu.memory_space<vmem>>) semaphore(%arg22 : memref<!tpu.dma_semaphore, #tpu.memory_space<semaphore_mem>>)
    %dma_start3A_88 = arith.constant 2 : i32
    %dma_start3A_89 = arith.constant 256 : i32
    %dma_start3A_90 = arith.constant 0 : i32
    %dma_start3A_91 = tpu.memref_slice %arg14[%dma_start3A_89, %dma_start3A_90] : memref<512x32xbf16, #tpu.memory_space<vmem>> -> memref<128x32xbf16, #tpu.memory_space<vmem>>
    %dma_start3A_92 = arith.constant 0 : i32
    %dma_start3A_93 = tpu.memref_slice %arg11[%dma_start3A_88, %dma_start3A_92] : memref<4x128xi32, #tpu.memory_space<vmem>> -> memref<1x128xi32, #tpu.memory_space<vmem>>
    %dma_start3A_94 = tpu.memref_squeeze %dma_start3A_93 : memref<1x128xi32, #tpu.memory_space<vmem>> -> memref<128xi32, #tpu.memory_space<vmem>>
    %dma_start3A_95 = arith.constant 0 : i32
    %dma_start3A_96 = arith.constant 0 : i32
    %dma_start3A_97 = tpu.memref_slice %arg6[%dma_start3A_95, %dma_start3A_96] : memref<1000000x32xbf16, #tpu.memory_space<hbm>> -> memref<1000000x32xbf16, #tpu.memory_space<hbm>>
    tpu.enqueue_indirect_dma source(%dma_start3A_97 : memref<1000000x32xbf16, #tpu.memory_space<hbm>>) target(%dma_start3A_91 : memref<128x32xbf16, #tpu.memory_space<vmem>>) offsets(%dma_start3A_94 : memref<128xi32, #tpu.memory_space<vmem>>) semaphore(%arg22 : memref<!tpu.dma_semaphore, #tpu.memory_space<semaphore_mem>>)
    %dma_start3A_98 = arith.constant 2 : i32
    %dma_start3A_99 = arith.constant 256 : i32
    %dma_start3A_100 = arith.constant 0 : i32
    %dma_start3A_101 = tpu.memref_slice %arg15[%dma_start3A_99, %dma_start3A_100] : memref<512x32xbf16, #tpu.memory_space<vmem>> -> memref<128x32xbf16, #tpu.memory_space<vmem>>
    %dma_start3A_102 = arith.constant 0 : i32
    %dma_start3A_103 = tpu.memref_slice %arg12[%dma_start3A_98, %dma_start3A_102] : memref<4x128xi32, #tpu.memory_space<vmem>> -> memref<1x128xi32, #tpu.memory_space<vmem>>
    %dma_start3A_104 = tpu.memref_squeeze %dma_start3A_103 : memref<1x128xi32, #tpu.memory_space<vmem>> -> memref<128xi32, #tpu.memory_space<vmem>>
    %dma_start3A_105 = arith.constant 0 : i32
    %dma_start3A_106 = arith.constant 0 : i32
    %dma_start3A_107 = tpu.memref_slice %arg6[%dma_start3A_105, %dma_start3A_106] : memref<1000000x32xbf16, #tpu.memory_space<hbm>> -> memref<1000000x32xbf16, #tpu.memory_space<hbm>>
    tpu.enqueue_indirect_dma source(%dma_start3A_107 : memref<1000000x32xbf16, #tpu.memory_space<hbm>>) target(%dma_start3A_101 : memref<128x32xbf16, #tpu.memory_space<vmem>>) offsets(%dma_start3A_104 : memref<128xi32, #tpu.memory_space<vmem>>) semaphore(%arg22 : memref<!tpu.dma_semaphore, #tpu.memory_space<semaphore_mem>>)
    %dma_start3A_108 = arith.constant 2 : i32
    %dma_start3A_109 = arith.constant 256 : i32
    %dma_start3A_110 = tpu.memref_slice %arg19[%dma_start3A_109] : memref<512xf32, #tpu.memory_space<vmem>> -> memref<128xf32, #tpu.memory_space<vmem>>
    %dma_start3A_111 = arith.constant 0 : i32
    %dma_start3A_112 = tpu.memref_slice %arg12[%dma_start3A_108, %dma_start3A_111] : memref<4x128xi32, #tpu.memory_space<vmem>> -> memref<1x128xi32, #tpu.memory_space<vmem>>
    %dma_start3A_113 = tpu.memref_squeeze %dma_start3A_112 : memref<1x128xi32, #tpu.memory_space<vmem>> -> memref<128xi32, #tpu.memory_space<vmem>>
    %dma_start3A_114 = arith.constant 0 : i32
    %dma_start3A_115 = tpu.memref_slice %arg8[%dma_start3A_114] : memref<1000000xf32, #tpu.memory_space<hbm>> -> memref<1000000xf32, #tpu.memory_space<hbm>>
    tpu.enqueue_indirect_dma source(%dma_start3A_115 : memref<1000000xf32, #tpu.memory_space<hbm>>) target(%dma_start3A_110 : memref<128xf32, #tpu.memory_space<vmem>>) offsets(%dma_start3A_113 : memref<128xi32, #tpu.memory_space<vmem>>) semaphore(%arg22 : memref<!tpu.dma_semaphore, #tpu.memory_space<semaphore_mem>>)
    %dma_start3A_116 = arith.constant 3 : i32
    %dma_start3A_117 = arith.constant 384 : i32
    %dma_start3A_118 = arith.constant 0 : i32
    %dma_start3A_119 = tpu.memref_slice %arg13[%dma_start3A_117, %dma_start3A_118] : memref<512x32xbf16, #tpu.memory_space<vmem>> -> memref<128x32xbf16, #tpu.memory_space<vmem>>
    %dma_start3A_120 = arith.constant 0 : i32
    %dma_start3A_121 = tpu.memref_slice %arg10[%dma_start3A_116, %dma_start3A_120] : memref<4x128xi32, #tpu.memory_space<vmem>> -> memref<1x128xi32, #tpu.memory_space<vmem>>
    %dma_start3A_122 = tpu.memref_squeeze %dma_start3A_121 : memref<1x128xi32, #tpu.memory_space<vmem>> -> memref<128xi32, #tpu.memory_space<vmem>>
    %dma_start3A_123 = arith.constant 0 : i32
    %dma_start3A_124 = arith.constant 0 : i32
    %dma_start3A_125 = tpu.memref_slice %arg5[%dma_start3A_123, %dma_start3A_124] : memref<1000000x32xbf16, #tpu.memory_space<hbm>> -> memref<1000000x32xbf16, #tpu.memory_space<hbm>>
    tpu.enqueue_indirect_dma source(%dma_start3A_125 : memref<1000000x32xbf16, #tpu.memory_space<hbm>>) target(%dma_start3A_119 : memref<128x32xbf16, #tpu.memory_space<vmem>>) offsets(%dma_start3A_122 : memref<128xi32, #tpu.memory_space<vmem>>) semaphore(%arg22 : memref<!tpu.dma_semaphore, #tpu.memory_space<semaphore_mem>>)
    %dma_start3A_126 = arith.constant 3 : i32
    %dma_start3A_127 = arith.constant 384 : i32
    %dma_start3A_128 = arith.constant 0 : i32
    %dma_start3A_129 = tpu.memref_slice %arg14[%dma_start3A_127, %dma_start3A_128] : memref<512x32xbf16, #tpu.memory_space<vmem>> -> memref<128x32xbf16, #tpu.memory_space<vmem>>
    %dma_start3A_130 = arith.constant 0 : i32
    %dma_start3A_131 = tpu.memref_slice %arg11[%dma_start3A_126, %dma_start3A_130] : memref<4x128xi32, #tpu.memory_space<vmem>> -> memref<1x128xi32, #tpu.memory_space<vmem>>
    %dma_start3A_132 = tpu.memref_squeeze %dma_start3A_131 : memref<1x128xi32, #tpu.memory_space<vmem>> -> memref<128xi32, #tpu.memory_space<vmem>>
    %dma_start3A_133 = arith.constant 0 : i32
    %dma_start3A_134 = arith.constant 0 : i32
    %dma_start3A_135 = tpu.memref_slice %arg6[%dma_start3A_133, %dma_start3A_134] : memref<1000000x32xbf16, #tpu.memory_space<hbm>> -> memref<1000000x32xbf16, #tpu.memory_space<hbm>>
    tpu.enqueue_indirect_dma source(%dma_start3A_135 : memref<1000000x32xbf16, #tpu.memory_space<hbm>>) target(%dma_start3A_129 : memref<128x32xbf16, #tpu.memory_space<vmem>>) offsets(%dma_start3A_132 : memref<128xi32, #tpu.memory_space<vmem>>) semaphore(%arg22 : memref<!tpu.dma_semaphore, #tpu.memory_space<semaphore_mem>>)
    %dma_start3A_136 = arith.constant 3 : i32
    %dma_start3A_137 = arith.constant 384 : i32
    %dma_start3A_138 = arith.constant 0 : i32
    %dma_start3A_139 = tpu.memref_slice %arg15[%dma_start3A_137, %dma_start3A_138] : memref<512x32xbf16, #tpu.memory_space<vmem>> -> memref<128x32xbf16, #tpu.memory_space<vmem>>
    %dma_start3A_140 = arith.constant 0 : i32
    %dma_start3A_141 = tpu.memref_slice %arg12[%dma_start3A_136, %dma_start3A_140] : memref<4x128xi32, #tpu.memory_space<vmem>> -> memref<1x128xi32, #tpu.memory_space<vmem>>
    %dma_start3A_142 = tpu.memref_squeeze %dma_start3A_141 : memref<1x128xi32, #tpu.memory_space<vmem>> -> memref<128xi32, #tpu.memory_space<vmem>>
    %dma_start3A_143 = arith.constant 0 : i32
    %dma_start3A_144 = arith.constant 0 : i32
    %dma_start3A_145 = tpu.memref_slice %arg6[%dma_start3A_143, %dma_start3A_144] : memref<1000000x32xbf16, #tpu.memory_space<hbm>> -> memref<1000000x32xbf16, #tpu.memory_space<hbm>>
    tpu.enqueue_indirect_dma source(%dma_start3A_145 : memref<1000000x32xbf16, #tpu.memory_space<hbm>>) target(%dma_start3A_139 : memref<128x32xbf16, #tpu.memory_space<vmem>>) offsets(%dma_start3A_142 : memref<128xi32, #tpu.memory_space<vmem>>) semaphore(%arg22 : memref<!tpu.dma_semaphore, #tpu.memory_space<semaphore_mem>>)
    %dma_start3A_146 = arith.constant 3 : i32
    %dma_start3A_147 = arith.constant 384 : i32
    %dma_start3A_148 = tpu.memref_slice %arg19[%dma_start3A_147] : memref<512xf32, #tpu.memory_space<vmem>> -> memref<128xf32, #tpu.memory_space<vmem>>
    %dma_start3A_149 = arith.constant 0 : i32
    %dma_start3A_150 = tpu.memref_slice %arg12[%dma_start3A_146, %dma_start3A_149] : memref<4x128xi32, #tpu.memory_space<vmem>> -> memref<1x128xi32, #tpu.memory_space<vmem>>
    %dma_start3A_151 = tpu.memref_squeeze %dma_start3A_150 : memref<1x128xi32, #tpu.memory_space<vmem>> -> memref<128xi32, #tpu.memory_space<vmem>>
    %dma_start3A_152 = arith.constant 0 : i32
    %dma_start3A_153 = tpu.memref_slice %arg8[%dma_start3A_152] : memref<1000000xf32, #tpu.memory_space<hbm>> -> memref<1000000xf32, #tpu.memory_space<hbm>>
    tpu.enqueue_indirect_dma source(%dma_start3A_153 : memref<1000000xf32, #tpu.memory_space<hbm>>) target(%dma_start3A_148 : memref<128xf32, #tpu.memory_space<vmem>>) offsets(%dma_start3A_151 : memref<128xi32, #tpu.memory_space<vmem>>) semaphore(%arg22 : memref<!tpu.dma_semaphore, #tpu.memory_space<semaphore_mem>>)
    %dma_wait3A = arith.constant 0 : i32
    %dma_wait3A_154 = arith.constant 0 : i32
    %dma_wait3A_155 = arith.constant 0 : i32
    %dma_wait3A_156 = tpu.memref_slice %arg13[%dma_wait3A_154, %dma_wait3A_155] : memref<512x32xbf16, #tpu.memory_space<vmem>> -> memref<128x32xbf16, #tpu.memory_space<vmem>>
    %dma_wait3A_157 = arith.constant 0 : i32
    %dma_wait3A_158 = tpu.memref_slice %arg10[%dma_wait3A, %dma_wait3A_157] : memref<4x128xi32, #tpu.memory_space<vmem>> -> memref<1x128xi32, #tpu.memory_space<vmem>>
    %dma_wait3A_159 = tpu.memref_squeeze %dma_wait3A_158 : memref<1x128xi32, #tpu.memory_space<vmem>> -> memref<128xi32, #tpu.memory_space<vmem>>
    %dma_wait3A_160 = arith.constant 0 : i32
    %dma_wait3A_161 = arith.constant 0 : i32
    %dma_wait3A_162 = tpu.memref_slice %arg5[%dma_wait3A_160, %dma_wait3A_161] : memref<1000000x32xbf16, #tpu.memory_space<hbm>> -> memref<1000000x32xbf16, #tpu.memory_space<hbm>>
    tpu.wait_indirect_dma semaphore(%arg22 : memref<!tpu.dma_semaphore, #tpu.memory_space<semaphore_mem>>) src(%dma_wait3A_162 : memref<1000000x32xbf16, #tpu.memory_space<hbm>>) dst(%dma_wait3A_156 : memref<128x32xbf16, #tpu.memory_space<vmem>>)
    %dma_wait3A_163 = arith.constant 0 : i32
    %dma_wait3A_164 = arith.constant 0 : i32
    %dma_wait3A_165 = arith.constant 0 : i32
    %dma_wait3A_166 = tpu.memref_slice %arg14[%dma_wait3A_164, %dma_wait3A_165] : memref<512x32xbf16, #tpu.memory_space<vmem>> -> memref<128x32xbf16, #tpu.memory_space<vmem>>
    %dma_wait3A_167 = arith.constant 0 : i32
    %dma_wait3A_168 = tpu.memref_slice %arg11[%dma_wait3A_163, %dma_wait3A_167] : memref<4x128xi32, #tpu.memory_space<vmem>> -> memref<1x128xi32, #tpu.memory_space<vmem>>
    %dma_wait3A_169 = tpu.memref_squeeze %dma_wait3A_168 : memref<1x128xi32, #tpu.memory_space<vmem>> -> memref<128xi32, #tpu.memory_space<vmem>>
    %dma_wait3A_170 = arith.constant 0 : i32
    %dma_wait3A_171 = arith.constant 0 : i32
    %dma_wait3A_172 = tpu.memref_slice %arg6[%dma_wait3A_170, %dma_wait3A_171] : memref<1000000x32xbf16, #tpu.memory_space<hbm>> -> memref<1000000x32xbf16, #tpu.memory_space<hbm>>
    tpu.wait_indirect_dma semaphore(%arg22 : memref<!tpu.dma_semaphore, #tpu.memory_space<semaphore_mem>>) src(%dma_wait3A_172 : memref<1000000x32xbf16, #tpu.memory_space<hbm>>) dst(%dma_wait3A_166 : memref<128x32xbf16, #tpu.memory_space<vmem>>)
    %dma_wait3A_173 = arith.constant 0 : i32
    %dma_wait3A_174 = arith.constant 0 : i32
    %dma_wait3A_175 = arith.constant 0 : i32
    %dma_wait3A_176 = tpu.memref_slice %arg15[%dma_wait3A_174, %dma_wait3A_175] : memref<512x32xbf16, #tpu.memory_space<vmem>> -> memref<128x32xbf16, #tpu.memory_space<vmem>>
    %dma_wait3A_177 = arith.constant 0 : i32
    %dma_wait3A_178 = tpu.memref_slice %arg12[%dma_wait3A_173, %dma_wait3A_177] : memref<4x128xi32, #tpu.memory_space<vmem>> -> memref<1x128xi32, #tpu.memory_space<vmem>>
    %dma_wait3A_179 = tpu.memref_squeeze %dma_wait3A_178 : memref<1x128xi32, #tpu.memory_space<vmem>> -> memref<128xi32, #tpu.memory_space<vmem>>
    %dma_wait3A_180 = arith.constant 0 : i32
    %dma_wait3A_181 = arith.constant 0 : i32
    %dma_wait3A_182 = tpu.memref_slice %arg6[%dma_wait3A_180, %dma_wait3A_181] : memref<1000000x32xbf16, #tpu.memory_space<hbm>> -> memref<1000000x32xbf16, #tpu.memory_space<hbm>>
    tpu.wait_indirect_dma semaphore(%arg22 : memref<!tpu.dma_semaphore, #tpu.memory_space<semaphore_mem>>) src(%dma_wait3A_182 : memref<1000000x32xbf16, #tpu.memory_space<hbm>>) dst(%dma_wait3A_176 : memref<128x32xbf16, #tpu.memory_space<vmem>>)
    %dma_wait3A_183 = arith.constant 0 : i32
    %dma_wait3A_184 = arith.constant 0 : i32
    %dma_wait3A_185 = tpu.memref_slice %arg19[%dma_wait3A_184] : memref<512xf32, #tpu.memory_space<vmem>> -> memref<128xf32, #tpu.memory_space<vmem>>
    %dma_wait3A_186 = arith.constant 0 : i32
    %dma_wait3A_187 = tpu.memref_slice %arg12[%dma_wait3A_183, %dma_wait3A_186] : memref<4x128xi32, #tpu.memory_space<vmem>> -> memref<1x128xi32, #tpu.memory_space<vmem>>
    %dma_wait3A_188 = tpu.memref_squeeze %dma_wait3A_187 : memref<1x128xi32, #tpu.memory_space<vmem>> -> memref<128xi32, #tpu.memory_space<vmem>>
    %dma_wait3A_189 = arith.constant 0 : i32
    %dma_wait3A_190 = tpu.memref_slice %arg8[%dma_wait3A_189] : memref<1000000xf32, #tpu.memory_space<hbm>> -> memref<1000000xf32, #tpu.memory_space<hbm>>
    tpu.wait_indirect_dma semaphore(%arg22 : memref<!tpu.dma_semaphore, #tpu.memory_space<semaphore_mem>>) src(%dma_wait3A_190 : memref<1000000xf32, #tpu.memory_space<hbm>>) dst(%dma_wait3A_185 : memref<128xf32, #tpu.memory_space<vmem>>)
    %dma_wait3A_191 = arith.constant 1 : i32
    %dma_wait3A_192 = arith.constant 128 : i32
    %dma_wait3A_193 = arith.constant 0 : i32
    %dma_wait3A_194 = tpu.memref_slice %arg13[%dma_wait3A_192, %dma_wait3A_193] : memref<512x32xbf16, #tpu.memory_space<vmem>> -> memref<128x32xbf16, #tpu.memory_space<vmem>>
    %dma_wait3A_195 = arith.constant 0 : i32
    %dma_wait3A_196 = tpu.memref_slice %arg10[%dma_wait3A_191, %dma_wait3A_195] : memref<4x128xi32, #tpu.memory_space<vmem>> -> memref<1x128xi32, #tpu.memory_space<vmem>>
    %dma_wait3A_197 = tpu.memref_squeeze %dma_wait3A_196 : memref<1x128xi32, #tpu.memory_space<vmem>> -> memref<128xi32, #tpu.memory_space<vmem>>
    %dma_wait3A_198 = arith.constant 0 : i32
    %dma_wait3A_199 = arith.constant 0 : i32
    %dma_wait3A_200 = tpu.memref_slice %arg5[%dma_wait3A_198, %dma_wait3A_199] : memref<1000000x32xbf16, #tpu.memory_space<hbm>> -> memref<1000000x32xbf16, #tpu.memory_space<hbm>>
    tpu.wait_indirect_dma semaphore(%arg22 : memref<!tpu.dma_semaphore, #tpu.memory_space<semaphore_mem>>) src(%dma_wait3A_200 : memref<1000000x32xbf16, #tpu.memory_space<hbm>>) dst(%dma_wait3A_194 : memref<128x32xbf16, #tpu.memory_space<vmem>>)
    %dma_wait3A_201 = arith.constant 1 : i32
    %dma_wait3A_202 = arith.constant 128 : i32
    %dma_wait3A_203 = arith.constant 0 : i32
    %dma_wait3A_204 = tpu.memref_slice %arg14[%dma_wait3A_202, %dma_wait3A_203] : memref<512x32xbf16, #tpu.memory_space<vmem>> -> memref<128x32xbf16, #tpu.memory_space<vmem>>
    %dma_wait3A_205 = arith.constant 0 : i32
    %dma_wait3A_206 = tpu.memref_slice %arg11[%dma_wait3A_201, %dma_wait3A_205] : memref<4x128xi32, #tpu.memory_space<vmem>> -> memref<1x128xi32, #tpu.memory_space<vmem>>
    %dma_wait3A_207 = tpu.memref_squeeze %dma_wait3A_206 : memref<1x128xi32, #tpu.memory_space<vmem>> -> memref<128xi32, #tpu.memory_space<vmem>>
    %dma_wait3A_208 = arith.constant 0 : i32
    %dma_wait3A_209 = arith.constant 0 : i32
    %dma_wait3A_210 = tpu.memref_slice %arg6[%dma_wait3A_208, %dma_wait3A_209] : memref<1000000x32xbf16, #tpu.memory_space<hbm>> -> memref<1000000x32xbf16, #tpu.memory_space<hbm>>
    tpu.wait_indirect_dma semaphore(%arg22 : memref<!tpu.dma_semaphore, #tpu.memory_space<semaphore_mem>>) src(%dma_wait3A_210 : memref<1000000x32xbf16, #tpu.memory_space<hbm>>) dst(%dma_wait3A_204 : memref<128x32xbf16, #tpu.memory_space<vmem>>)
    %dma_wait3A_211 = arith.constant 1 : i32
    %dma_wait3A_212 = arith.constant 128 : i32
    %dma_wait3A_213 = arith.constant 0 : i32
    %dma_wait3A_214 = tpu.memref_slice %arg15[%dma_wait3A_212, %dma_wait3A_213] : memref<512x32xbf16, #tpu.memory_space<vmem>> -> memref<128x32xbf16, #tpu.memory_space<vmem>>
    %dma_wait3A_215 = arith.constant 0 : i32
    %dma_wait3A_216 = tpu.memref_slice %arg12[%dma_wait3A_211, %dma_wait3A_215] : memref<4x128xi32, #tpu.memory_space<vmem>> -> memref<1x128xi32, #tpu.memory_space<vmem>>
    %dma_wait3A_217 = tpu.memref_squeeze %dma_wait3A_216 : memref<1x128xi32, #tpu.memory_space<vmem>> -> memref<128xi32, #tpu.memory_space<vmem>>
    %dma_wait3A_218 = arith.constant 0 : i32
    %dma_wait3A_219 = arith.constant 0 : i32
    %dma_wait3A_220 = tpu.memref_slice %arg6[%dma_wait3A_218, %dma_wait3A_219] : memref<1000000x32xbf16, #tpu.memory_space<hbm>> -> memref<1000000x32xbf16, #tpu.memory_space<hbm>>
    tpu.wait_indirect_dma semaphore(%arg22 : memref<!tpu.dma_semaphore, #tpu.memory_space<semaphore_mem>>) src(%dma_wait3A_220 : memref<1000000x32xbf16, #tpu.memory_space<hbm>>) dst(%dma_wait3A_214 : memref<128x32xbf16, #tpu.memory_space<vmem>>)
    %dma_wait3A_221 = arith.constant 1 : i32
    %dma_wait3A_222 = arith.constant 128 : i32
    %dma_wait3A_223 = tpu.memref_slice %arg19[%dma_wait3A_222] : memref<512xf32, #tpu.memory_space<vmem>> -> memref<128xf32, #tpu.memory_space<vmem>>
    %dma_wait3A_224 = arith.constant 0 : i32
    %dma_wait3A_225 = tpu.memref_slice %arg12[%dma_wait3A_221, %dma_wait3A_224] : memref<4x128xi32, #tpu.memory_space<vmem>> -> memref<1x128xi32, #tpu.memory_space<vmem>>
    %dma_wait3A_226 = tpu.memref_squeeze %dma_wait3A_225 : memref<1x128xi32, #tpu.memory_space<vmem>> -> memref<128xi32, #tpu.memory_space<vmem>>
    %dma_wait3A_227 = arith.constant 0 : i32
    %dma_wait3A_228 = tpu.memref_slice %arg8[%dma_wait3A_227] : memref<1000000xf32, #tpu.memory_space<hbm>> -> memref<1000000xf32, #tpu.memory_space<hbm>>
    tpu.wait_indirect_dma semaphore(%arg22 : memref<!tpu.dma_semaphore, #tpu.memory_space<semaphore_mem>>) src(%dma_wait3A_228 : memref<1000000xf32, #tpu.memory_space<hbm>>) dst(%dma_wait3A_223 : memref<128xf32, #tpu.memory_space<vmem>>)
    %dma_wait3A_229 = arith.constant 2 : i32
    %dma_wait3A_230 = arith.constant 256 : i32
    %dma_wait3A_231 = arith.constant 0 : i32
    %dma_wait3A_232 = tpu.memref_slice %arg13[%dma_wait3A_230, %dma_wait3A_231] : memref<512x32xbf16, #tpu.memory_space<vmem>> -> memref<128x32xbf16, #tpu.memory_space<vmem>>
    %dma_wait3A_233 = arith.constant 0 : i32
    %dma_wait3A_234 = tpu.memref_slice %arg10[%dma_wait3A_229, %dma_wait3A_233] : memref<4x128xi32, #tpu.memory_space<vmem>> -> memref<1x128xi32, #tpu.memory_space<vmem>>
    %dma_wait3A_235 = tpu.memref_squeeze %dma_wait3A_234 : memref<1x128xi32, #tpu.memory_space<vmem>> -> memref<128xi32, #tpu.memory_space<vmem>>
    %dma_wait3A_236 = arith.constant 0 : i32
    %dma_wait3A_237 = arith.constant 0 : i32
    %dma_wait3A_238 = tpu.memref_slice %arg5[%dma_wait3A_236, %dma_wait3A_237] : memref<1000000x32xbf16, #tpu.memory_space<hbm>> -> memref<1000000x32xbf16, #tpu.memory_space<hbm>>
    tpu.wait_indirect_dma semaphore(%arg22 : memref<!tpu.dma_semaphore, #tpu.memory_space<semaphore_mem>>) src(%dma_wait3A_238 : memref<1000000x32xbf16, #tpu.memory_space<hbm>>) dst(%dma_wait3A_232 : memref<128x32xbf16, #tpu.memory_space<vmem>>)
    %dma_wait3A_239 = arith.constant 2 : i32
    %dma_wait3A_240 = arith.constant 256 : i32
    %dma_wait3A_241 = arith.constant 0 : i32
    %dma_wait3A_242 = tpu.memref_slice %arg14[%dma_wait3A_240, %dma_wait3A_241] : memref<512x32xbf16, #tpu.memory_space<vmem>> -> memref<128x32xbf16, #tpu.memory_space<vmem>>
    %dma_wait3A_243 = arith.constant 0 : i32
    %dma_wait3A_244 = tpu.memref_slice %arg11[%dma_wait3A_239, %dma_wait3A_243] : memref<4x128xi32, #tpu.memory_space<vmem>> -> memref<1x128xi32, #tpu.memory_space<vmem>>
    %dma_wait3A_245 = tpu.memref_squeeze %dma_wait3A_244 : memref<1x128xi32, #tpu.memory_space<vmem>> -> memref<128xi32, #tpu.memory_space<vmem>>
    %dma_wait3A_246 = arith.constant 0 : i32
    %dma_wait3A_247 = arith.constant 0 : i32
    %dma_wait3A_248 = tpu.memref_slice %arg6[%dma_wait3A_246, %dma_wait3A_247] : memref<1000000x32xbf16, #tpu.memory_space<hbm>> -> memref<1000000x32xbf16, #tpu.memory_space<hbm>>
    tpu.wait_indirect_dma semaphore(%arg22 : memref<!tpu.dma_semaphore, #tpu.memory_space<semaphore_mem>>) src(%dma_wait3A_248 : memref<1000000x32xbf16, #tpu.memory_space<hbm>>) dst(%dma_wait3A_242 : memref<128x32xbf16, #tpu.memory_space<vmem>>)
    %dma_wait3A_249 = arith.constant 2 : i32
    %dma_wait3A_250 = arith.constant 256 : i32
    %dma_wait3A_251 = arith.constant 0 : i32
    %dma_wait3A_252 = tpu.memref_slice %arg15[%dma_wait3A_250, %dma_wait3A_251] : memref<512x32xbf16, #tpu.memory_space<vmem>> -> memref<128x32xbf16, #tpu.memory_space<vmem>>
    %dma_wait3A_253 = arith.constant 0 : i32
    %dma_wait3A_254 = tpu.memref_slice %arg12[%dma_wait3A_249, %dma_wait3A_253] : memref<4x128xi32, #tpu.memory_space<vmem>> -> memref<1x128xi32, #tpu.memory_space<vmem>>
    %dma_wait3A_255 = tpu.memref_squeeze %dma_wait3A_254 : memref<1x128xi32, #tpu.memory_space<vmem>> -> memref<128xi32, #tpu.memory_space<vmem>>
    %dma_wait3A_256 = arith.constant 0 : i32
    %dma_wait3A_257 = arith.constant 0 : i32
    %dma_wait3A_258 = tpu.memref_slice %arg6[%dma_wait3A_256, %dma_wait3A_257] : memref<1000000x32xbf16, #tpu.memory_space<hbm>> -> memref<1000000x32xbf16, #tpu.memory_space<hbm>>
    tpu.wait_indirect_dma semaphore(%arg22 : memref<!tpu.dma_semaphore, #tpu.memory_space<semaphore_mem>>) src(%dma_wait3A_258 : memref<1000000x32xbf16, #tpu.memory_space<hbm>>) dst(%dma_wait3A_252 : memref<128x32xbf16, #tpu.memory_space<vmem>>)
    %dma_wait3A_259 = arith.constant 2 : i32
    %dma_wait3A_260 = arith.constant 256 : i32
    %dma_wait3A_261 = tpu.memref_slice %arg19[%dma_wait3A_260] : memref<512xf32, #tpu.memory_space<vmem>> -> memref<128xf32, #tpu.memory_space<vmem>>
    %dma_wait3A_262 = arith.constant 0 : i32
    %dma_wait3A_263 = tpu.memref_slice %arg12[%dma_wait3A_259, %dma_wait3A_262] : memref<4x128xi32, #tpu.memory_space<vmem>> -> memref<1x128xi32, #tpu.memory_space<vmem>>
    %dma_wait3A_264 = tpu.memref_squeeze %dma_wait3A_263 : memref<1x128xi32, #tpu.memory_space<vmem>> -> memref<128xi32, #tpu.memory_space<vmem>>
    %dma_wait3A_265 = arith.constant 0 : i32
    %dma_wait3A_266 = tpu.memref_slice %arg8[%dma_wait3A_265] : memref<1000000xf32, #tpu.memory_space<hbm>> -> memref<1000000xf32, #tpu.memory_space<hbm>>
    tpu.wait_indirect_dma semaphore(%arg22 : memref<!tpu.dma_semaphore, #tpu.memory_space<semaphore_mem>>) src(%dma_wait3A_266 : memref<1000000xf32, #tpu.memory_space<hbm>>) dst(%dma_wait3A_261 : memref<128xf32, #tpu.memory_space<vmem>>)
    %dma_wait3A_267 = arith.constant 3 : i32
    %dma_wait3A_268 = arith.constant 384 : i32
    %dma_wait3A_269 = arith.constant 0 : i32
    %dma_wait3A_270 = tpu.memref_slice %arg13[%dma_wait3A_268, %dma_wait3A_269] : memref<512x32xbf16, #tpu.memory_space<vmem>> -> memref<128x32xbf16, #tpu.memory_space<vmem>>
    %dma_wait3A_271 = arith.constant 0 : i32
    %dma_wait3A_272 = tpu.memref_slice %arg10[%dma_wait3A_267, %dma_wait3A_271] : memref<4x128xi32, #tpu.memory_space<vmem>> -> memref<1x128xi32, #tpu.memory_space<vmem>>
    %dma_wait3A_273 = tpu.memref_squeeze %dma_wait3A_272 : memref<1x128xi32, #tpu.memory_space<vmem>> -> memref<128xi32, #tpu.memory_space<vmem>>
    %dma_wait3A_274 = arith.constant 0 : i32
    %dma_wait3A_275 = arith.constant 0 : i32
    %dma_wait3A_276 = tpu.memref_slice %arg5[%dma_wait3A_274, %dma_wait3A_275] : memref<1000000x32xbf16, #tpu.memory_space<hbm>> -> memref<1000000x32xbf16, #tpu.memory_space<hbm>>
    tpu.wait_indirect_dma semaphore(%arg22 : memref<!tpu.dma_semaphore, #tpu.memory_space<semaphore_mem>>) src(%dma_wait3A_276 : memref<1000000x32xbf16, #tpu.memory_space<hbm>>) dst(%dma_wait3A_270 : memref<128x32xbf16, #tpu.memory_space<vmem>>)
    %dma_wait3A_277 = arith.constant 3 : i32
    %dma_wait3A_278 = arith.constant 384 : i32
    %dma_wait3A_279 = arith.constant 0 : i32
    %dma_wait3A_280 = tpu.memref_slice %arg14[%dma_wait3A_278, %dma_wait3A_279] : memref<512x32xbf16, #tpu.memory_space<vmem>> -> memref<128x32xbf16, #tpu.memory_space<vmem>>
    %dma_wait3A_281 = arith.constant 0 : i32
    %dma_wait3A_282 = tpu.memref_slice %arg11[%dma_wait3A_277, %dma_wait3A_281] : memref<4x128xi32, #tpu.memory_space<vmem>> -> memref<1x128xi32, #tpu.memory_space<vmem>>
    %dma_wait3A_283 = tpu.memref_squeeze %dma_wait3A_282 : memref<1x128xi32, #tpu.memory_space<vmem>> -> memref<128xi32, #tpu.memory_space<vmem>>
    %dma_wait3A_284 = arith.constant 0 : i32
    %dma_wait3A_285 = arith.constant 0 : i32
    %dma_wait3A_286 = tpu.memref_slice %arg6[%dma_wait3A_284, %dma_wait3A_285] : memref<1000000x32xbf16, #tpu.memory_space<hbm>> -> memref<1000000x32xbf16, #tpu.memory_space<hbm>>
    tpu.wait_indirect_dma semaphore(%arg22 : memref<!tpu.dma_semaphore, #tpu.memory_space<semaphore_mem>>) src(%dma_wait3A_286 : memref<1000000x32xbf16, #tpu.memory_space<hbm>>) dst(%dma_wait3A_280 : memref<128x32xbf16, #tpu.memory_space<vmem>>)
    %dma_wait3A_287 = arith.constant 3 : i32
    %dma_wait3A_288 = arith.constant 384 : i32
    %dma_wait3A_289 = arith.constant 0 : i32
    %dma_wait3A_290 = tpu.memref_slice %arg15[%dma_wait3A_288, %dma_wait3A_289] : memref<512x32xbf16, #tpu.memory_space<vmem>> -> memref<128x32xbf16, #tpu.memory_space<vmem>>
    %dma_wait3A_291 = arith.constant 0 : i32
    %dma_wait3A_292 = tpu.memref_slice %arg12[%dma_wait3A_287, %dma_wait3A_291] : memref<4x128xi32, #tpu.memory_space<vmem>> -> memref<1x128xi32, #tpu.memory_space<vmem>>
    %dma_wait3A_293 = tpu.memref_squeeze %dma_wait3A_292 : memref<1x128xi32, #tpu.memory_space<vmem>> -> memref<128xi32, #tpu.memory_space<vmem>>
    %dma_wait3A_294 = arith.constant 0 : i32
    %dma_wait3A_295 = arith.constant 0 : i32
    %dma_wait3A_296 = tpu.memref_slice %arg6[%dma_wait3A_294, %dma_wait3A_295] : memref<1000000x32xbf16, #tpu.memory_space<hbm>> -> memref<1000000x32xbf16, #tpu.memory_space<hbm>>
    tpu.wait_indirect_dma semaphore(%arg22 : memref<!tpu.dma_semaphore, #tpu.memory_space<semaphore_mem>>) src(%dma_wait3A_296 : memref<1000000x32xbf16, #tpu.memory_space<hbm>>) dst(%dma_wait3A_290 : memref<128x32xbf16, #tpu.memory_space<vmem>>)
    %dma_wait3A_297 = arith.constant 3 : i32
    %dma_wait3A_298 = arith.constant 384 : i32
    %dma_wait3A_299 = tpu.memref_slice %arg19[%dma_wait3A_298] : memref<512xf32, #tpu.memory_space<vmem>> -> memref<128xf32, #tpu.memory_space<vmem>>
    %dma_wait3A_300 = arith.constant 0 : i32
    %dma_wait3A_301 = tpu.memref_slice %arg12[%dma_wait3A_297, %dma_wait3A_300] : memref<4x128xi32, #tpu.memory_space<vmem>> -> memref<1x128xi32, #tpu.memory_space<vmem>>
    %dma_wait3A_302 = tpu.memref_squeeze %dma_wait3A_301 : memref<1x128xi32, #tpu.memory_space<vmem>> -> memref<128xi32, #tpu.memory_space<vmem>>
    %dma_wait3A_303 = arith.constant 0 : i32
    %dma_wait3A_304 = tpu.memref_slice %arg8[%dma_wait3A_303] : memref<1000000xf32, #tpu.memory_space<hbm>> -> memref<1000000xf32, #tpu.memory_space<hbm>>
    tpu.wait_indirect_dma semaphore(%arg22 : memref<!tpu.dma_semaphore, #tpu.memory_space<semaphore_mem>>) src(%dma_wait3A_304 : memref<1000000xf32, #tpu.memory_space<hbm>>) dst(%dma_wait3A_299 : memref<128xf32, #tpu.memory_space<vmem>>)
    %scan3A = arith.constant 0 : i32
    %scan3A_305 = arith.constant 0 : i32
    %scan3A_306 = arith.constant 512 : i32
    %scan3A_307 = arith.addi %scan3A_305, %scan3A_306 : i32
    %scan3A_308 = arith.constant 1 : i32
    scf.for %scan3A_318 = %scan3A_305 to %scan3A_307 step %scan3A_308  : i32 {
      %get3A = arith.index_cast %scan3A_318 : i32 to index
      %get3A_319 = arith.constant 0 : index
      %get3A_320 = tpu.vector_load %arg13[%get3A, %get3A_319] {strides = array<i32>} : memref<512x32xbf16, #tpu.memory_space<vmem>>, vector<32xbf16>,
      %unpack3A = tpu.unpack_subelements %get3A_320, 0 {pack_format = #tpu.pack_format<interleaved>} : vector<32xbf16> -> vector<16xf32>
      %unpack3A_321 = tpu.unpack_subelements %get3A_320, 1 {pack_format = #tpu.pack_format<interleaved>} : vector<32xbf16> -> vector<16xf32>
      %swap3A = arith.index_cast %scan3A_318 : i32 to index
      %swap3A_322 = arith.constant 0 : index
      %swap3A_323 = tpu.vector_load %arg16[%swap3A, %swap3A_322] {strides = array<i32>} : memref<512x32xf32, #tpu.memory_space<vmem>>, vector<16xf32>,
      tpu.vector_store %arg16[%swap3A, %swap3A_322], %unpack3A {strides = array<i32>} : memref<512x32xf32, #tpu.memory_space<vmem>>, vector<16xf32>,
      %swap3A_324 = arith.index_cast %scan3A_318 : i32 to index
      %swap3A_325 = arith.constant 16 : index
      %swap3A_326 = tpu.vector_load %arg16[%swap3A_324, %swap3A_325] {strides = array<i32>} : memref<512x32xf32, #tpu.memory_space<vmem>>, vector<16xf32>,
      tpu.vector_store %arg16[%swap3A_324, %swap3A_325], %unpack3A_321 {strides = array<i32>} : memref<512x32xf32, #tpu.memory_space<vmem>>, vector<16xf32>,
      %get3A_327 = arith.index_cast %scan3A_318 : i32 to index
      %get3A_328 = arith.constant 0 : index
      %get3A_329 = tpu.vector_load %arg14[%get3A_327, %get3A_328] {strides = array<i32>} : memref<512x32xbf16, #tpu.memory_space<vmem>>, vector<32xbf16>,
      %unpack3A_330 = tpu.unpack_subelements %get3A_329, 0 {pack_format = #tpu.pack_format<interleaved>} : vector<32xbf16> -> vector<16xf32>
      %unpack3A_331 = tpu.unpack_subelements %get3A_329, 1 {pack_format = #tpu.pack_format<interleaved>} : vector<32xbf16> -> vector<16xf32>
      %swap3A_332 = arith.index_cast %scan3A_318 : i32 to index
      %swap3A_333 = arith.constant 0 : index
      %swap3A_334 = tpu.vector_load %arg17[%swap3A_332, %swap3A_333] {strides = array<i32>} : memref<512x32xf32, #tpu.memory_space<vmem>>, vector<16xf32>,
      tpu.vector_store %arg17[%swap3A_332, %swap3A_333], %unpack3A_330 {strides = array<i32>} : memref<512x32xf32, #tpu.memory_space<vmem>>, vector<16xf32>,
      %swap3A_335 = arith.index_cast %scan3A_318 : i32 to index
      %swap3A_336 = arith.constant 16 : index
      %swap3A_337 = tpu.vector_load %arg17[%swap3A_335, %swap3A_336] {strides = array<i32>} : memref<512x32xf32, #tpu.memory_space<vmem>>, vector<16xf32>,
      tpu.vector_store %arg17[%swap3A_335, %swap3A_336], %unpack3A_331 {strides = array<i32>} : memref<512x32xf32, #tpu.memory_space<vmem>>, vector<16xf32>,
      %get3A_338 = arith.index_cast %scan3A_318 : i32 to index
      %get3A_339 = arith.constant 0 : index
      %get3A_340 = tpu.vector_load %arg15[%get3A_338, %get3A_339] {strides = array<i32>} : memref<512x32xbf16, #tpu.memory_space<vmem>>, vector<32xbf16>,
      %unpack3A_341 = tpu.unpack_subelements %get3A_340, 0 {pack_format = #tpu.pack_format<interleaved>} : vector<32xbf16> -> vector<16xf32>
      %unpack3A_342 = tpu.unpack_subelements %get3A_340, 1 {pack_format = #tpu.pack_format<interleaved>} : vector<32xbf16> -> vector<16xf32>
      %swap3A_343 = arith.index_cast %scan3A_318 : i32 to index
      %swap3A_344 = arith.constant 0 : index
      %swap3A_345 = tpu.vector_load %arg18[%swap3A_343, %swap3A_344] {strides = array<i32>} : memref<512x32xf32, #tpu.memory_space<vmem>>, vector<16xf32>,
      tpu.vector_store %arg18[%swap3A_343, %swap3A_344], %unpack3A_341 {strides = array<i32>} : memref<512x32xf32, #tpu.memory_space<vmem>>, vector<16xf32>,
      %swap3A_346 = arith.index_cast %scan3A_318 : i32 to index
      %swap3A_347 = arith.constant 16 : index
      %swap3A_348 = tpu.vector_load %arg18[%swap3A_346, %swap3A_347] {strides = array<i32>} : memref<512x32xf32, #tpu.memory_space<vmem>>, vector<16xf32>,
      tpu.vector_store %arg18[%swap3A_346, %swap3A_347], %unpack3A_342 {strides = array<i32>} : memref<512x32xf32, #tpu.memory_space<vmem>>, vector<16xf32>,
    }
    %scan3A_309 = arith.constant 512 : i32
    %iota3A = tpu.iota {dimensions = array<i32: 0>} : vector<16xi32>
    %scan3A_310 = arith.constant 0 : i32
    %scan3A_311 = arith.constant 0 : i32
    %scan3A_312 = arith.constant 32 : i32
    %scan3A_313 = arith.addi %scan3A_311, %scan3A_312 : i32
    %scan3A_314 = arith.constant 1 : i32
    scf.for %scan3A_318 = %scan3A_311 to %scan3A_313 step %scan3A_314  : i32 {
      %mul3A_319 = arith.constant 16 : i32
      %mul3A_320 = arith.muli %scan3A_318, %mul3A_319 : i32
      %add3A_321 = vector.broadcast %mul3A_320 : i32 to vector<16xi32>
      %add3A_322 = arith.addi %add3A_321, %iota3A : vector<16xi32>
      %broadcast_in_dim3A = arith.constant 0.000000e+00 : f32
      %broadcast_in_dim3A_323 = vector.broadcast %broadcast_in_dim3A : f32 to vector<16xf32>
      %broadcast_in_dim3A_324 = arith.constant 0 : i32
      %broadcast_in_dim3A_325 = vector.broadcast %broadcast_in_dim3A_324 : i32 to vector<16xi32>
      %gather3A = tpu.vector_load_idx %arg16[%add3A_322, %broadcast_in_dim3A_325] : memref<512x32xf32, #tpu.memory_space<vmem>>[vector<16xi32>, vector<16xi32>], vector<16xf32>,
      %gather3A_326 = tpu.vector_load_idx %arg17[%add3A_322, %broadcast_in_dim3A_325] : memref<512x32xf32, #tpu.memory_space<vmem>>[vector<16xi32>, vector<16xi32>], vector<16xf32>,
      %gather3A_327 = tpu.vector_load_idx %arg18[%add3A_322, %broadcast_in_dim3A_325] : memref<512x32xf32, #tpu.memory_space<vmem>>[vector<16xi32>, vector<16xi32>], vector<16xf32>,
      %sub3A = arith.subf %gather3A, %gather3A_327 : vector<16xf32>
      %add3A_328 = arith.addf %sub3A, %gather3A_326 : vector<16xf32>
      %get3A = arith.constant 0 : i32
      %get3A_329 = arith.index_cast %get3A : i32 to index
      %get3A_330 = arith.constant 0 : index
      %get3A_331 = tpu.vector_load %arg20[%get3A_329, %get3A_330] {strides = array<i32>} : memref<32x16xf32, #tpu.memory_space<vmem>>, vector<16xf32>,
      %add3A_332 = arith.addf %add3A_328, %get3A_331 : vector<16xf32>
      %mul3A_333 = arith.mulf %add3A_332, %add3A_332 : vector<16xf32>
      %add3A_334 = arith.addf %broadcast_in_dim3A_323, %mul3A_333 : vector<16xf32>
      %broadcast_in_dim3A_335 = arith.constant 1 : i32
      %broadcast_in_dim3A_336 = vector.broadcast %broadcast_in_dim3A_335 : i32 to vector<16xi32>
      %gather3A_337 = tpu.vector_load_idx %arg16[%add3A_322, %broadcast_in_dim3A_336] : memref<512x32xf32, #tpu.memory_space<vmem>>[vector<16xi32>, vector<16xi32>], vector<16xf32>,
      %gather3A_338 = tpu.vector_load_idx %arg17[%add3A_322, %broadcast_in_dim3A_336] : memref<512x32xf32, #tpu.memory_space<vmem>>[vector<16xi32>, vector<16xi32>], vector<16xf32>,
      %gather3A_339 = tpu.vector_load_idx %arg18[%add3A_322, %broadcast_in_dim3A_336] : memref<512x32xf32, #tpu.memory_space<vmem>>[vector<16xi32>, vector<16xi32>], vector<16xf32>,
      %sub3A_340 = arith.subf %gather3A_337, %gather3A_339 : vector<16xf32>
      %add3A_341 = arith.addf %sub3A_340, %gather3A_338 : vector<16xf32>
      %get3A_342 = arith.constant 1 : i32
      %get3A_343 = arith.index_cast %get3A_342 : i32 to index
      %get3A_344 = arith.constant 0 : index
      %get3A_345 = tpu.vector_load %arg20[%get3A_343, %get3A_344] {strides = array<i32>} : memref<32x16xf32, #tpu.memory_space<vmem>>, vector<16xf32>,
      %add3A_346 = arith.addf %add3A_341, %get3A_345 : vector<16xf32>
      %mul3A_347 = arith.mulf %add3A_346, %add3A_346 : vector<16xf32>
      %add3A_348 = arith.addf %add3A_334, %mul3A_347 : vector<16xf32>
      %broadcast_in_dim3A_349 = arith.constant 2 : i32
      %broadcast_in_dim3A_350 = vector.broadcast %broadcast_in_dim3A_349 : i32 to vector<16xi32>
      %gather3A_351 = tpu.vector_load_idx %arg16[%add3A_322, %broadcast_in_dim3A_350] : memref<512x32xf32, #tpu.memory_space<vmem>>[vector<16xi32>, vector<16xi32>], vector<16xf32>,
      %gather3A_352 = tpu.vector_load_idx %arg17[%add3A_322, %broadcast_in_dim3A_350] : memref<512x32xf32, #tpu.memory_space<vmem>>[vector<16xi32>, vector<16xi32>], vector<16xf32>,
      %gather3A_353 = tpu.vector_load_idx %arg18[%add3A_322, %broadcast_in_dim3A_350] : memref<512x32xf32, #tpu.memory_space<vmem>>[vector<16xi32>, vector<16xi32>], vector<16xf32>,
      %sub3A_354 = arith.subf %gather3A_351, %gather3A_353 : vector<16xf32>
      %add3A_355 = arith.addf %sub3A_354, %gather3A_352 : vector<16xf32>
      %get3A_356 = arith.constant 2 : i32
      %get3A_357 = arith.index_cast %get3A_356 : i32 to index
      %get3A_358 = arith.constant 0 : index
      %get3A_359 = tpu.vector_load %arg20[%get3A_357, %get3A_358] {strides = array<i32>} : memref<32x16xf32, #tpu.memory_space<vmem>>, vector<16xf32>,
      %add3A_360 = arith.addf %add3A_355, %get3A_359 : vector<16xf32>
      %mul3A_361 = arith.mulf %add3A_360, %add3A_360 : vector<16xf32>
      %add3A_362 = arith.addf %add3A_348, %mul3A_361 : vector<16xf32>
      %broadcast_in_dim3A_363 = arith.constant 3 : i32
      %broadcast_in_dim3A_364 = vector.broadcast %broadcast_in_dim3A_363 : i32 to vector<16xi32>
      %gather3A_365 = tpu.vector_load_idx %arg16[%add3A_322, %broadcast_in_dim3A_364] : memref<512x32xf32, #tpu.memory_space<vmem>>[vector<16xi32>, vector<16xi32>], vector<16xf32>,
      %gather3A_366 = tpu.vector_load_idx %arg17[%add3A_322, %broadcast_in_dim3A_364] : memref<512x32xf32, #tpu.memory_space<vmem>>[vector<16xi32>, vector<16xi32>], vector<16xf32>,
      %gather3A_367 = tpu.vector_load_idx %arg18[%add3A_322, %broadcast_in_dim3A_364] : memref<512x32xf32, #tpu.memory_space<vmem>>[vector<16xi32>, vector<16xi32>], vector<16xf32>,
      %sub3A_368 = arith.subf %gather3A_365, %gather3A_367 : vector<16xf32>
      %add3A_369 = arith.addf %sub3A_368, %gather3A_366 : vector<16xf32>
      %get3A_370 = arith.constant 3 : i32
      %get3A_371 = arith.index_cast %get3A_370 : i32 to index
      %get3A_372 = arith.constant 0 : index
      %get3A_373 = tpu.vector_load %arg20[%get3A_371, %get3A_372] {strides = array<i32>} : memref<32x16xf32, #tpu.memory_space<vmem>>, vector<16xf32>,
      %add3A_374 = arith.addf %add3A_369, %get3A_373 : vector<16xf32>
      %mul3A_375 = arith.mulf %add3A_374, %add3A_374 : vector<16xf32>
      %add3A_376 = arith.addf %add3A_362, %mul3A_375 : vector<16xf32>
      %broadcast_in_dim3A_377 = arith.constant 4 : i32
      %broadcast_in_dim3A_378 = vector.broadcast %broadcast_in_dim3A_377 : i32 to vector<16xi32>
      %gather3A_379 = tpu.vector_load_idx %arg16[%add3A_322, %broadcast_in_dim3A_378] : memref<512x32xf32, #tpu.memory_space<vmem>>[vector<16xi32>, vector<16xi32>], vector<16xf32>,
      %gather3A_380 = tpu.vector_load_idx %arg17[%add3A_322, %broadcast_in_dim3A_378] : memref<512x32xf32, #tpu.memory_space<vmem>>[vector<16xi32>, vector<16xi32>], vector<16xf32>,
      %gather3A_381 = tpu.vector_load_idx %arg18[%add3A_322, %broadcast_in_dim3A_378] : memref<512x32xf32, #tpu.memory_space<vmem>>[vector<16xi32>, vector<16xi32>], vector<16xf32>,
      %sub3A_382 = arith.subf %gather3A_379, %gather3A_381 : vector<16xf32>
      %add3A_383 = arith.addf %sub3A_382, %gather3A_380 : vector<16xf32>
      %get3A_384 = arith.constant 4 : i32
      %get3A_385 = arith.index_cast %get3A_384 : i32 to index
      %get3A_386 = arith.constant 0 : index
      %get3A_387 = tpu.vector_load %arg20[%get3A_385, %get3A_386] {strides = array<i32>} : memref<32x16xf32, #tpu.memory_space<vmem>>, vector<16xf32>,
      %add3A_388 = arith.addf %add3A_383, %get3A_387 : vector<16xf32>
      %mul3A_389 = arith.mulf %add3A_388, %add3A_388 : vector<16xf32>
      %add3A_390 = arith.addf %add3A_376, %mul3A_389 : vector<16xf32>
      %broadcast_in_dim3A_391 = arith.constant 5 : i32
      %broadcast_in_dim3A_392 = vector.broadcast %broadcast_in_dim3A_391 : i32 to vector<16xi32>
      %gather3A_393 = tpu.vector_load_idx %arg16[%add3A_322, %broadcast_in_dim3A_392] : memref<512x32xf32, #tpu.memory_space<vmem>>[vector<16xi32>, vector<16xi32>], vector<16xf32>,
      %gather3A_394 = tpu.vector_load_idx %arg17[%add3A_322, %broadcast_in_dim3A_392] : memref<512x32xf32, #tpu.memory_space<vmem>>[vector<16xi32>, vector<16xi32>], vector<16xf32>,
      %gather3A_395 = tpu.vector_load_idx %arg18[%add3A_322, %broadcast_in_dim3A_392] : memref<512x32xf32, #tpu.memory_space<vmem>>[vector<16xi32>, vector<16xi32>], vector<16xf32>,
      %sub3A_396 = arith.subf %gather3A_393, %gather3A_395 : vector<16xf32>
      %add3A_397 = arith.addf %sub3A_396, %gather3A_394 : vector<16xf32>
      %get3A_398 = arith.constant 5 : i32
      %get3A_399 = arith.index_cast %get3A_398 : i32 to index
      %get3A_400 = arith.constant 0 : index
      %get3A_401 = tpu.vector_load %arg20[%get3A_399, %get3A_400] {strides = array<i32>} : memref<32x16xf32, #tpu.memory_space<vmem>>, vector<16xf32>,
      %add3A_402 = arith.addf %add3A_397, %get3A_401 : vector<16xf32>
      %mul3A_403 = arith.mulf %add3A_402, %add3A_402 : vector<16xf32>
      %add3A_404 = arith.addf %add3A_390, %mul3A_403 : vector<16xf32>
      %broadcast_in_dim3A_405 = arith.constant 6 : i32
      %broadcast_in_dim3A_406 = vector.broadcast %broadcast_in_dim3A_405 : i32 to vector<16xi32>
      %gather3A_407 = tpu.vector_load_idx %arg16[%add3A_322, %broadcast_in_dim3A_406] : memref<512x32xf32, #tpu.memory_space<vmem>>[vector<16xi32>, vector<16xi32>], vector<16xf32>,
      %gather3A_408 = tpu.vector_load_idx %arg17[%add3A_322, %broadcast_in_dim3A_406] : memref<512x32xf32, #tpu.memory_space<vmem>>[vector<16xi32>, vector<16xi32>], vector<16xf32>,
      %gather3A_409 = tpu.vector_load_idx %arg18[%add3A_322, %broadcast_in_dim3A_406] : memref<512x32xf32, #tpu.memory_space<vmem>>[vector<16xi32>, vector<16xi32>], vector<16xf32>,
      %sub3A_410 = arith.subf %gather3A_407, %gather3A_409 : vector<16xf32>
      %add3A_411 = arith.addf %sub3A_410, %gather3A_408 : vector<16xf32>
      %get3A_412 = arith.constant 6 : i32
      %get3A_413 = arith.index_cast %get3A_412 : i32 to index
      %get3A_414 = arith.constant 0 : index
      %get3A_415 = tpu.vector_load %arg20[%get3A_413, %get3A_414] {strides = array<i32>} : memref<32x16xf32, #tpu.memory_space<vmem>>, vector<16xf32>,
      %add3A_416 = arith.addf %add3A_411, %get3A_415 : vector<16xf32>
      %mul3A_417 = arith.mulf %add3A_416, %add3A_416 : vector<16xf32>
      %add3A_418 = arith.addf %add3A_404, %mul3A_417 : vector<16xf32>
      %broadcast_in_dim3A_419 = arith.constant 7 : i32
      %broadcast_in_dim3A_420 = vector.broadcast %broadcast_in_dim3A_419 : i32 to vector<16xi32>
      %gather3A_421 = tpu.vector_load_idx %arg16[%add3A_322, %broadcast_in_dim3A_420] : memref<512x32xf32, #tpu.memory_space<vmem>>[vector<16xi32>, vector<16xi32>], vector<16xf32>,
      %gather3A_422 = tpu.vector_load_idx %arg17[%add3A_322, %broadcast_in_dim3A_420] : memref<512x32xf32, #tpu.memory_space<vmem>>[vector<16xi32>, vector<16xi32>], vector<16xf32>,
      %gather3A_423 = tpu.vector_load_idx %arg18[%add3A_322, %broadcast_in_dim3A_420] : memref<512x32xf32, #tpu.memory_space<vmem>>[vector<16xi32>, vector<16xi32>], vector<16xf32>,
      %sub3A_424 = arith.subf %gather3A_421, %gather3A_423 : vector<16xf32>
      %add3A_425 = arith.addf %sub3A_424, %gather3A_422 : vector<16xf32>
      %get3A_426 = arith.constant 7 : i32
      %get3A_427 = arith.index_cast %get3A_426 : i32 to index
      %get3A_428 = arith.constant 0 : index
      %get3A_429 = tpu.vector_load %arg20[%get3A_427, %get3A_428] {strides = array<i32>} : memref<32x16xf32, #tpu.memory_space<vmem>>, vector<16xf32>,
      %add3A_430 = arith.addf %add3A_425, %get3A_429 : vector<16xf32>
      %mul3A_431 = arith.mulf %add3A_430, %add3A_430 : vector<16xf32>
      %add3A_432 = arith.addf %add3A_418, %mul3A_431 : vector<16xf32>
      %broadcast_in_dim3A_433 = arith.constant 8 : i32
      %broadcast_in_dim3A_434 = vector.broadcast %broadcast_in_dim3A_433 : i32 to vector<16xi32>
      %gather3A_435 = tpu.vector_load_idx %arg16[%add3A_322, %broadcast_in_dim3A_434] : memref<512x32xf32, #tpu.memory_space<vmem>>[vector<16xi32>, vector<16xi32>], vector<16xf32>,
      %gather3A_436 = tpu.vector_load_idx %arg17[%add3A_322, %broadcast_in_dim3A_434] : memref<512x32xf32, #tpu.memory_space<vmem>>[vector<16xi32>, vector<16xi32>], vector<16xf32>,
      %gather3A_437 = tpu.vector_load_idx %arg18[%add3A_322, %broadcast_in_dim3A_434] : memref<512x32xf32, #tpu.memory_space<vmem>>[vector<16xi32>, vector<16xi32>], vector<16xf32>,
      %sub3A_438 = arith.subf %gather3A_435, %gather3A_437 : vector<16xf32>
      %add3A_439 = arith.addf %sub3A_438, %gather3A_436 : vector<16xf32>
      %get3A_440 = arith.constant 8 : i32
      %get3A_441 = arith.index_cast %get3A_440 : i32 to index
      %get3A_442 = arith.constant 0 : index
      %get3A_443 = tpu.vector_load %arg20[%get3A_441, %get3A_442] {strides = array<i32>} : memref<32x16xf32, #tpu.memory_space<vmem>>, vector<16xf32>,
      %add3A_444 = arith.addf %add3A_439, %get3A_443 : vector<16xf32>
      %mul3A_445 = arith.mulf %add3A_444, %add3A_444 : vector<16xf32>
      %add3A_446 = arith.addf %add3A_432, %mul3A_445 : vector<16xf32>
      %broadcast_in_dim3A_447 = arith.constant 9 : i32
      %broadcast_in_dim3A_448 = vector.broadcast %broadcast_in_dim3A_447 : i32 to vector<16xi32>
      %gather3A_449 = tpu.vector_load_idx %arg16[%add3A_322, %broadcast_in_dim3A_448] : memref<512x32xf32, #tpu.memory_space<vmem>>[vector<16xi32>, vector<16xi32>], vector<16xf32>,
      %gather3A_450 = tpu.vector_load_idx %arg17[%add3A_322, %broadcast_in_dim3A_448] : memref<512x32xf32, #tpu.memory_space<vmem>>[vector<16xi32>, vector<16xi32>], vector<16xf32>,
      %gather3A_451 = tpu.vector_load_idx %arg18[%add3A_322, %broadcast_in_dim3A_448] : memref<512x32xf32, #tpu.memory_space<vmem>>[vector<16xi32>, vector<16xi32>], vector<16xf32>,
      %sub3A_452 = arith.subf %gather3A_449, %gather3A_451 : vector<16xf32>
      %add3A_453 = arith.addf %sub3A_452, %gather3A_450 : vector<16xf32>
      %get3A_454 = arith.constant 9 : i32
      %get3A_455 = arith.index_cast %get3A_454 : i32 to index
      %get3A_456 = arith.constant 0 : index
      %get3A_457 = tpu.vector_load %arg20[%get3A_455, %get3A_456] {strides = array<i32>} : memref<32x16xf32, #tpu.memory_space<vmem>>, vector<16xf32>,
      %add3A_458 = arith.addf %add3A_453, %get3A_457 : vector<16xf32>
      %mul3A_459 = arith.mulf %add3A_458, %add3A_458 : vector<16xf32>
      %add3A_460 = arith.addf %add3A_446, %mul3A_459 : vector<16xf32>
      %broadcast_in_dim3A_461 = arith.constant 10 : i32
      %broadcast_in_dim3A_462 = vector.broadcast %broadcast_in_dim3A_461 : i32 to vector<16xi32>
      %gather3A_463 = tpu.vector_load_idx %arg16[%add3A_322, %broadcast_in_dim3A_462] : memref<512x32xf32, #tpu.memory_space<vmem>>[vector<16xi32>, vector<16xi32>], vector<16xf32>,
      %gather3A_464 = tpu.vector_load_idx %arg17[%add3A_322, %broadcast_in_dim3A_462] : memref<512x32xf32, #tpu.memory_space<vmem>>[vector<16xi32>, vector<16xi32>], vector<16xf32>,
      %gather3A_465 = tpu.vector_load_idx %arg18[%add3A_322, %broadcast_in_dim3A_462] : memref<512x32xf32, #tpu.memory_space<vmem>>[vector<16xi32>, vector<16xi32>], vector<16xf32>,
      %sub3A_466 = arith.subf %gather3A_463, %gather3A_465 : vector<16xf32>
      %add3A_467 = arith.addf %sub3A_466, %gather3A_464 : vector<16xf32>
      %get3A_468 = arith.constant 10 : i32
      %get3A_469 = arith.index_cast %get3A_468 : i32 to index
      %get3A_470 = arith.constant 0 : index
      %get3A_471 = tpu.vector_load %arg20[%get3A_469, %get3A_470] {strides = array<i32>} : memref<32x16xf32, #tpu.memory_space<vmem>>, vector<16xf32>,
      %add3A_472 = arith.addf %add3A_467, %get3A_471 : vector<16xf32>
      %mul3A_473 = arith.mulf %add3A_472, %add3A_472 : vector<16xf32>
      %add3A_474 = arith.addf %add3A_460, %mul3A_473 : vector<16xf32>
      %broadcast_in_dim3A_475 = arith.constant 11 : i32
      %broadcast_in_dim3A_476 = vector.broadcast %broadcast_in_dim3A_475 : i32 to vector<16xi32>
      %gather3A_477 = tpu.vector_load_idx %arg16[%add3A_322, %broadcast_in_dim3A_476] : memref<512x32xf32, #tpu.memory_space<vmem>>[vector<16xi32>, vector<16xi32>], vector<16xf32>,
      %gather3A_478 = tpu.vector_load_idx %arg17[%add3A_322, %broadcast_in_dim3A_476] : memref<512x32xf32, #tpu.memory_space<vmem>>[vector<16xi32>, vector<16xi32>], vector<16xf32>,
      %gather3A_479 = tpu.vector_load_idx %arg18[%add3A_322, %broadcast_in_dim3A_476] : memref<512x32xf32, #tpu.memory_space<vmem>>[vector<16xi32>, vector<16xi32>], vector<16xf32>,
      %sub3A_480 = arith.subf %gather3A_477, %gather3A_479 : vector<16xf32>
      %add3A_481 = arith.addf %sub3A_480, %gather3A_478 : vector<16xf32>
      %get3A_482 = arith.constant 11 : i32
      %get3A_483 = arith.index_cast %get3A_482 : i32 to index
      %get3A_484 = arith.constant 0 : index
      %get3A_485 = tpu.vector_load %arg20[%get3A_483, %get3A_484] {strides = array<i32>} : memref<32x16xf32, #tpu.memory_space<vmem>>, vector<16xf32>,
      %add3A_486 = arith.addf %add3A_481, %get3A_485 : vector<16xf32>
      %mul3A_487 = arith.mulf %add3A_486, %add3A_486 : vector<16xf32>
      %add3A_488 = arith.addf %add3A_474, %mul3A_487 : vector<16xf32>
      %broadcast_in_dim3A_489 = arith.constant 12 : i32
      %broadcast_in_dim3A_490 = vector.broadcast %broadcast_in_dim3A_489 : i32 to vector<16xi32>
      %gather3A_491 = tpu.vector_load_idx %arg16[%add3A_322, %broadcast_in_dim3A_490] : memref<512x32xf32, #tpu.memory_space<vmem>>[vector<16xi32>, vector<16xi32>], vector<16xf32>,
      %gather3A_492 = tpu.vector_load_idx %arg17[%add3A_322, %broadcast_in_dim3A_490] : memref<512x32xf32, #tpu.memory_space<vmem>>[vector<16xi32>, vector<16xi32>], vector<16xf32>,
      %gather3A_493 = tpu.vector_load_idx %arg18[%add3A_322, %broadcast_in_dim3A_490] : memref<512x32xf32, #tpu.memory_space<vmem>>[vector<16xi32>, vector<16xi32>], vector<16xf32>,
      %sub3A_494 = arith.subf %gather3A_491, %gather3A_493 : vector<16xf32>
      %add3A_495 = arith.addf %sub3A_494, %gather3A_492 : vector<16xf32>
      %get3A_496 = arith.constant 12 : i32
      %get3A_497 = arith.index_cast %get3A_496 : i32 to index
      %get3A_498 = arith.constant 0 : index
      %get3A_499 = tpu.vector_load %arg20[%get3A_497, %get3A_498] {strides = array<i32>} : memref<32x16xf32, #tpu.memory_space<vmem>>, vector<16xf32>,
      %add3A_500 = arith.addf %add3A_495, %get3A_499 : vector<16xf32>
      %mul3A_501 = arith.mulf %add3A_500, %add3A_500 : vector<16xf32>
      %add3A_502 = arith.addf %add3A_488, %mul3A_501 : vector<16xf32>
      %broadcast_in_dim3A_503 = arith.constant 13 : i32
      %broadcast_in_dim3A_504 = vector.broadcast %broadcast_in_dim3A_503 : i32 to vector<16xi32>
      %gather3A_505 = tpu.vector_load_idx %arg16[%add3A_322, %broadcast_in_dim3A_504] : memref<512x32xf32, #tpu.memory_space<vmem>>[vector<16xi32>, vector<16xi32>], vector<16xf32>,
      %gather3A_506 = tpu.vector_load_idx %arg17[%add3A_322, %broadcast_in_dim3A_504] : memref<512x32xf32, #tpu.memory_space<vmem>>[vector<16xi32>, vector<16xi32>], vector<16xf32>,
      %gather3A_507 = tpu.vector_load_idx %arg18[%add3A_322, %broadcast_in_dim3A_504] : memref<512x32xf32, #tpu.memory_space<vmem>>[vector<16xi32>, vector<16xi32>], vector<16xf32>,
      %sub3A_508 = arith.subf %gather3A_505, %gather3A_507 : vector<16xf32>
      %add3A_509 = arith.addf %sub3A_508, %gather3A_506 : vector<16xf32>
      %get3A_510 = arith.constant 13 : i32
      %get3A_511 = arith.index_cast %get3A_510 : i32 to index
      %get3A_512 = arith.constant 0 : index
      %get3A_513 = tpu.vector_load %arg20[%get3A_511, %get3A_512] {strides = array<i32>} : memref<32x16xf32, #tpu.memory_space<vmem>>, vector<16xf32>,
      %add3A_514 = arith.addf %add3A_509, %get3A_513 : vector<16xf32>
      %mul3A_515 = arith.mulf %add3A_514, %add3A_514 : vector<16xf32>
      %add3A_516 = arith.addf %add3A_502, %mul3A_515 : vector<16xf32>
      %broadcast_in_dim3A_517 = arith.constant 14 : i32
      %broadcast_in_dim3A_518 = vector.broadcast %broadcast_in_dim3A_517 : i32 to vector<16xi32>
      %gather3A_519 = tpu.vector_load_idx %arg16[%add3A_322, %broadcast_in_dim3A_518] : memref<512x32xf32, #tpu.memory_space<vmem>>[vector<16xi32>, vector<16xi32>], vector<16xf32>,
      %gather3A_520 = tpu.vector_load_idx %arg17[%add3A_322, %broadcast_in_dim3A_518] : memref<512x32xf32, #tpu.memory_space<vmem>>[vector<16xi32>, vector<16xi32>], vector<16xf32>,
      %gather3A_521 = tpu.vector_load_idx %arg18[%add3A_322, %broadcast_in_dim3A_518] : memref<512x32xf32, #tpu.memory_space<vmem>>[vector<16xi32>, vector<16xi32>], vector<16xf32>,
      %sub3A_522 = arith.subf %gather3A_519, %gather3A_521 : vector<16xf32>
      %add3A_523 = arith.addf %sub3A_522, %gather3A_520 : vector<16xf32>
      %get3A_524 = arith.constant 14 : i32
      %get3A_525 = arith.index_cast %get3A_524 : i32 to index
      %get3A_526 = arith.constant 0 : index
      %get3A_527 = tpu.vector_load %arg20[%get3A_525, %get3A_526] {strides = array<i32>} : memref<32x16xf32, #tpu.memory_space<vmem>>, vector<16xf32>,
      %add3A_528 = arith.addf %add3A_523, %get3A_527 : vector<16xf32>
      %mul3A_529 = arith.mulf %add3A_528, %add3A_528 : vector<16xf32>
      %add3A_530 = arith.addf %add3A_516, %mul3A_529 : vector<16xf32>
      %broadcast_in_dim3A_531 = arith.constant 15 : i32
      %broadcast_in_dim3A_532 = vector.broadcast %broadcast_in_dim3A_531 : i32 to vector<16xi32>
      %gather3A_533 = tpu.vector_load_idx %arg16[%add3A_322, %broadcast_in_dim3A_532] : memref<512x32xf32, #tpu.memory_space<vmem>>[vector<16xi32>, vector<16xi32>], vector<16xf32>,
      %gather3A_534 = tpu.vector_load_idx %arg17[%add3A_322, %broadcast_in_dim3A_532] : memref<512x32xf32, #tpu.memory_space<vmem>>[vector<16xi32>, vector<16xi32>], vector<16xf32>,
      %gather3A_535 = tpu.vector_load_idx %arg18[%add3A_322, %broadcast_in_dim3A_532] : memref<512x32xf32, #tpu.memory_space<vmem>>[vector<16xi32>, vector<16xi32>], vector<16xf32>,
      %sub3A_536 = arith.subf %gather3A_533, %gather3A_535 : vector<16xf32>
      %add3A_537 = arith.addf %sub3A_536, %gather3A_534 : vector<16xf32>
      %get3A_538 = arith.constant 15 : i32
      %get3A_539 = arith.index_cast %get3A_538 : i32 to index
      %get3A_540 = arith.constant 0 : index
      %get3A_541 = tpu.vector_load %arg20[%get3A_539, %get3A_540] {strides = array<i32>} : memref<32x16xf32, #tpu.memory_space<vmem>>, vector<16xf32>,
      %add3A_542 = arith.addf %add3A_537, %get3A_541 : vector<16xf32>
      %mul3A_543 = arith.mulf %add3A_542, %add3A_542 : vector<16xf32>
      %add3A_544 = arith.addf %add3A_530, %mul3A_543 : vector<16xf32>
      %broadcast_in_dim3A_545 = arith.constant 16 : i32
      %broadcast_in_dim3A_546 = vector.broadcast %broadcast_in_dim3A_545 : i32 to vector<16xi32>
      %gather3A_547 = tpu.vector_load_idx %arg16[%add3A_322, %broadcast_in_dim3A_546] : memref<512x32xf32, #tpu.memory_space<vmem>>[vector<16xi32>, vector<16xi32>], vector<16xf32>,
      %gather3A_548 = tpu.vector_load_idx %arg17[%add3A_322, %broadcast_in_dim3A_546] : memref<512x32xf32, #tpu.memory_space<vmem>>[vector<16xi32>, vector<16xi32>], vector<16xf32>,
      %gather3A_549 = tpu.vector_load_idx %arg18[%add3A_322, %broadcast_in_dim3A_546] : memref<512x32xf32, #tpu.memory_space<vmem>>[vector<16xi32>, vector<16xi32>], vector<16xf32>,
      %sub3A_550 = arith.subf %gather3A_547, %gather3A_549 : vector<16xf32>
      %add3A_551 = arith.addf %sub3A_550, %gather3A_548 : vector<16xf32>
      %get3A_552 = arith.constant 16 : i32
      %get3A_553 = arith.index_cast %get3A_552 : i32 to index
      %get3A_554 = arith.constant 0 : index
      %get3A_555 = tpu.vector_load %arg20[%get3A_553, %get3A_554] {strides = array<i32>} : memref<32x16xf32, #tpu.memory_space<vmem>>, vector<16xf32>,
      %add3A_556 = arith.addf %add3A_551, %get3A_555 : vector<16xf32>
      %mul3A_557 = arith.mulf %add3A_556, %add3A_556 : vector<16xf32>
      %add3A_558 = arith.addf %add3A_544, %mul3A_557 : vector<16xf32>
      %broadcast_in_dim3A_559 = arith.constant 17 : i32
      %broadcast_in_dim3A_560 = vector.broadcast %broadcast_in_dim3A_559 : i32 to vector<16xi32>
      %gather3A_561 = tpu.vector_load_idx %arg16[%add3A_322, %broadcast_in_dim3A_560] : memref<512x32xf32, #tpu.memory_space<vmem>>[vector<16xi32>, vector<16xi32>], vector<16xf32>,
      %gather3A_562 = tpu.vector_load_idx %arg17[%add3A_322, %broadcast_in_dim3A_560] : memref<512x32xf32, #tpu.memory_space<vmem>>[vector<16xi32>, vector<16xi32>], vector<16xf32>,
      %gather3A_563 = tpu.vector_load_idx %arg18[%add3A_322, %broadcast_in_dim3A_560] : memref<512x32xf32, #tpu.memory_space<vmem>>[vector<16xi32>, vector<16xi32>], vector<16xf32>,
      %sub3A_564 = arith.subf %gather3A_561, %gather3A_563 : vector<16xf32>
      %add3A_565 = arith.addf %sub3A_564, %gather3A_562 : vector<16xf32>
      %get3A_566 = arith.constant 17 : i32
      %get3A_567 = arith.index_cast %get3A_566 : i32 to index
      %get3A_568 = arith.constant 0 : index
      %get3A_569 = tpu.vector_load %arg20[%get3A_567, %get3A_568] {strides = array<i32>} : memref<32x16xf32, #tpu.memory_space<vmem>>, vector<16xf32>,
      %add3A_570 = arith.addf %add3A_565, %get3A_569 : vector<16xf32>
      %mul3A_571 = arith.mulf %add3A_570, %add3A_570 : vector<16xf32>
      %add3A_572 = arith.addf %add3A_558, %mul3A_571 : vector<16xf32>
      %broadcast_in_dim3A_573 = arith.constant 18 : i32
      %broadcast_in_dim3A_574 = vector.broadcast %broadcast_in_dim3A_573 : i32 to vector<16xi32>
      %gather3A_575 = tpu.vector_load_idx %arg16[%add3A_322, %broadcast_in_dim3A_574] : memref<512x32xf32, #tpu.memory_space<vmem>>[vector<16xi32>, vector<16xi32>], vector<16xf32>,
      %gather3A_576 = tpu.vector_load_idx %arg17[%add3A_322, %broadcast_in_dim3A_574] : memref<512x32xf32, #tpu.memory_space<vmem>>[vector<16xi32>, vector<16xi32>], vector<16xf32>,
      %gather3A_577 = tpu.vector_load_idx %arg18[%add3A_322, %broadcast_in_dim3A_574] : memref<512x32xf32, #tpu.memory_space<vmem>>[vector<16xi32>, vector<16xi32>], vector<16xf32>,
      %sub3A_578 = arith.subf %gather3A_575, %gather3A_577 : vector<16xf32>
      %add3A_579 = arith.addf %sub3A_578, %gather3A_576 : vector<16xf32>
      %get3A_580 = arith.constant 18 : i32
      %get3A_581 = arith.index_cast %get3A_580 : i32 to index
      %get3A_582 = arith.constant 0 : index
      %get3A_583 = tpu.vector_load %arg20[%get3A_581, %get3A_582] {strides = array<i32>} : memref<32x16xf32, #tpu.memory_space<vmem>>, vector<16xf32>,
      %add3A_584 = arith.addf %add3A_579, %get3A_583 : vector<16xf32>
      %mul3A_585 = arith.mulf %add3A_584, %add3A_584 : vector<16xf32>
      %add3A_586 = arith.addf %add3A_572, %mul3A_585 : vector<16xf32>
      %broadcast_in_dim3A_587 = arith.constant 19 : i32
      %broadcast_in_dim3A_588 = vector.broadcast %broadcast_in_dim3A_587 : i32 to vector<16xi32>
      %gather3A_589 = tpu.vector_load_idx %arg16[%add3A_322, %broadcast_in_dim3A_588] : memref<512x32xf32, #tpu.memory_space<vmem>>[vector<16xi32>, vector<16xi32>], vector<16xf32>,
      %gather3A_590 = tpu.vector_load_idx %arg17[%add3A_322, %broadcast_in_dim3A_588] : memref<512x32xf32, #tpu.memory_space<vmem>>[vector<16xi32>, vector<16xi32>], vector<16xf32>,
      %gather3A_591 = tpu.vector_load_idx %arg18[%add3A_322, %broadcast_in_dim3A_588] : memref<512x32xf32, #tpu.memory_space<vmem>>[vector<16xi32>, vector<16xi32>], vector<16xf32>,
      %sub3A_592 = arith.subf %gather3A_589, %gather3A_591 : vector<16xf32>
      %add3A_593 = arith.addf %sub3A_592, %gather3A_590 : vector<16xf32>
      %get3A_594 = arith.constant 19 : i32
      %get3A_595 = arith.index_cast %get3A_594 : i32 to index
      %get3A_596 = arith.constant 0 : index
      %get3A_597 = tpu.vector_load %arg20[%get3A_595, %get3A_596] {strides = array<i32>} : memref<32x16xf32, #tpu.memory_space<vmem>>, vector<16xf32>,
      %add3A_598 = arith.addf %add3A_593, %get3A_597 : vector<16xf32>
      %mul3A_599 = arith.mulf %add3A_598, %add3A_598 : vector<16xf32>
      %add3A_600 = arith.addf %add3A_586, %mul3A_599 : vector<16xf32>
      %broadcast_in_dim3A_601 = arith.constant 20 : i32
      %broadcast_in_dim3A_602 = vector.broadcast %broadcast_in_dim3A_601 : i32 to vector<16xi32>
      %gather3A_603 = tpu.vector_load_idx %arg16[%add3A_322, %broadcast_in_dim3A_602] : memref<512x32xf32, #tpu.memory_space<vmem>>[vector<16xi32>, vector<16xi32>], vector<16xf32>,
      %gather3A_604 = tpu.vector_load_idx %arg17[%add3A_322, %broadcast_in_dim3A_602] : memref<512x32xf32, #tpu.memory_space<vmem>>[vector<16xi32>, vector<16xi32>], vector<16xf32>,
      %gather3A_605 = tpu.vector_load_idx %arg18[%add3A_322, %broadcast_in_dim3A_602] : memref<512x32xf32, #tpu.memory_space<vmem>>[vector<16xi32>, vector<16xi32>], vector<16xf32>,
      %sub3A_606 = arith.subf %gather3A_603, %gather3A_605 : vector<16xf32>
      %add3A_607 = arith.addf %sub3A_606, %gather3A_604 : vector<16xf32>
      %get3A_608 = arith.constant 20 : i32
      %get3A_609 = arith.index_cast %get3A_608 : i32 to index
      %get3A_610 = arith.constant 0 : index
      %get3A_611 = tpu.vector_load %arg20[%get3A_609, %get3A_610] {strides = array<i32>} : memref<32x16xf32, #tpu.memory_space<vmem>>, vector<16xf32>,
      %add3A_612 = arith.addf %add3A_607, %get3A_611 : vector<16xf32>
      %mul3A_613 = arith.mulf %add3A_612, %add3A_612 : vector<16xf32>
      %add3A_614 = arith.addf %add3A_600, %mul3A_613 : vector<16xf32>
      %broadcast_in_dim3A_615 = arith.constant 21 : i32
      %broadcast_in_dim3A_616 = vector.broadcast %broadcast_in_dim3A_615 : i32 to vector<16xi32>
      %gather3A_617 = tpu.vector_load_idx %arg16[%add3A_322, %broadcast_in_dim3A_616] : memref<512x32xf32, #tpu.memory_space<vmem>>[vector<16xi32>, vector<16xi32>], vector<16xf32>,
      %gather3A_618 = tpu.vector_load_idx %arg17[%add3A_322, %broadcast_in_dim3A_616] : memref<512x32xf32, #tpu.memory_space<vmem>>[vector<16xi32>, vector<16xi32>], vector<16xf32>,
      %gather3A_619 = tpu.vector_load_idx %arg18[%add3A_322, %broadcast_in_dim3A_616] : memref<512x32xf32, #tpu.memory_space<vmem>>[vector<16xi32>, vector<16xi32>], vector<16xf32>,
      %sub3A_620 = arith.subf %gather3A_617, %gather3A_619 : vector<16xf32>
      %add3A_621 = arith.addf %sub3A_620, %gather3A_618 : vector<16xf32>
      %get3A_622 = arith.constant 21 : i32
      %get3A_623 = arith.index_cast %get3A_622 : i32 to index
      %get3A_624 = arith.constant 0 : index
      %get3A_625 = tpu.vector_load %arg20[%get3A_623, %get3A_624] {strides = array<i32>} : memref<32x16xf32, #tpu.memory_space<vmem>>, vector<16xf32>,
      %add3A_626 = arith.addf %add3A_621, %get3A_625 : vector<16xf32>
      %mul3A_627 = arith.mulf %add3A_626, %add3A_626 : vector<16xf32>
      %add3A_628 = arith.addf %add3A_614, %mul3A_627 : vector<16xf32>
      %broadcast_in_dim3A_629 = arith.constant 22 : i32
      %broadcast_in_dim3A_630 = vector.broadcast %broadcast_in_dim3A_629 : i32 to vector<16xi32>
      %gather3A_631 = tpu.vector_load_idx %arg16[%add3A_322, %broadcast_in_dim3A_630] : memref<512x32xf32, #tpu.memory_space<vmem>>[vector<16xi32>, vector<16xi32>], vector<16xf32>,
      %gather3A_632 = tpu.vector_load_idx %arg17[%add3A_322, %broadcast_in_dim3A_630] : memref<512x32xf32, #tpu.memory_space<vmem>>[vector<16xi32>, vector<16xi32>], vector<16xf32>,
      %gather3A_633 = tpu.vector_load_idx %arg18[%add3A_322, %broadcast_in_dim3A_630] : memref<512x32xf32, #tpu.memory_space<vmem>>[vector<16xi32>, vector<16xi32>], vector<16xf32>,
      %sub3A_634 = arith.subf %gather3A_631, %gather3A_633 : vector<16xf32>
      %add3A_635 = arith.addf %sub3A_634, %gather3A_632 : vector<16xf32>
      %get3A_636 = arith.constant 22 : i32
      %get3A_637 = arith.index_cast %get3A_636 : i32 to index
      %get3A_638 = arith.constant 0 : index
      %get3A_639 = tpu.vector_load %arg20[%get3A_637, %get3A_638] {strides = array<i32>} : memref<32x16xf32, #tpu.memory_space<vmem>>, vector<16xf32>,
      %add3A_640 = arith.addf %add3A_635, %get3A_639 : vector<16xf32>
      %mul3A_641 = arith.mulf %add3A_640, %add3A_640 : vector<16xf32>
      %add3A_642 = arith.addf %add3A_628, %mul3A_641 : vector<16xf32>
      %broadcast_in_dim3A_643 = arith.constant 23 : i32
      %broadcast_in_dim3A_644 = vector.broadcast %broadcast_in_dim3A_643 : i32 to vector<16xi32>
      %gather3A_645 = tpu.vector_load_idx %arg16[%add3A_322, %broadcast_in_dim3A_644] : memref<512x32xf32, #tpu.memory_space<vmem>>[vector<16xi32>, vector<16xi32>], vector<16xf32>,
      %gather3A_646 = tpu.vector_load_idx %arg17[%add3A_322, %broadcast_in_dim3A_644] : memref<512x32xf32, #tpu.memory_space<vmem>>[vector<16xi32>, vector<16xi32>], vector<16xf32>,
      %gather3A_647 = tpu.vector_load_idx %arg18[%add3A_322, %broadcast_in_dim3A_644] : memref<512x32xf32, #tpu.memory_space<vmem>>[vector<16xi32>, vector<16xi32>], vector<16xf32>,
      %sub3A_648 = arith.subf %gather3A_645, %gather3A_647 : vector<16xf32>
      %add3A_649 = arith.addf %sub3A_648, %gather3A_646 : vector<16xf32>
      %get3A_650 = arith.constant 23 : i32
      %get3A_651 = arith.index_cast %get3A_650 : i32 to index
      %get3A_652 = arith.constant 0 : index
      %get3A_653 = tpu.vector_load %arg20[%get3A_651, %get3A_652] {strides = array<i32>} : memref<32x16xf32, #tpu.memory_space<vmem>>, vector<16xf32>,
      %add3A_654 = arith.addf %add3A_649, %get3A_653 : vector<16xf32>
      %mul3A_655 = arith.mulf %add3A_654, %add3A_654 : vector<16xf32>
      %add3A_656 = arith.addf %add3A_642, %mul3A_655 : vector<16xf32>
      %broadcast_in_dim3A_657 = arith.constant 24 : i32
      %broadcast_in_dim3A_658 = vector.broadcast %broadcast_in_dim3A_657 : i32 to vector<16xi32>
      %gather3A_659 = tpu.vector_load_idx %arg16[%add3A_322, %broadcast_in_dim3A_658] : memref<512x32xf32, #tpu.memory_space<vmem>>[vector<16xi32>, vector<16xi32>], vector<16xf32>,
      %gather3A_660 = tpu.vector_load_idx %arg17[%add3A_322, %broadcast_in_dim3A_658] : memref<512x32xf32, #tpu.memory_space<vmem>>[vector<16xi32>, vector<16xi32>], vector<16xf32>,
      %gather3A_661 = tpu.vector_load_idx %arg18[%add3A_322, %broadcast_in_dim3A_658] : memref<512x32xf32, #tpu.memory_space<vmem>>[vector<16xi32>, vector<16xi32>], vector<16xf32>,
      %sub3A_662 = arith.subf %gather3A_659, %gather3A_661 : vector<16xf32>
      %add3A_663 = arith.addf %sub3A_662, %gather3A_660 : vector<16xf32>
      %get3A_664 = arith.constant 24 : i32
      %get3A_665 = arith.index_cast %get3A_664 : i32 to index
      %get3A_666 = arith.constant 0 : index
      %get3A_667 = tpu.vector_load %arg20[%get3A_665, %get3A_666] {strides = array<i32>} : memref<32x16xf32, #tpu.memory_space<vmem>>, vector<16xf32>,
      %add3A_668 = arith.addf %add3A_663, %get3A_667 : vector<16xf32>
      %mul3A_669 = arith.mulf %add3A_668, %add3A_668 : vector<16xf32>
      %add3A_670 = arith.addf %add3A_656, %mul3A_669 : vector<16xf32>
      %broadcast_in_dim3A_671 = arith.constant 25 : i32
      %broadcast_in_dim3A_672 = vector.broadcast %broadcast_in_dim3A_671 : i32 to vector<16xi32>
      %gather3A_673 = tpu.vector_load_idx %arg16[%add3A_322, %broadcast_in_dim3A_672] : memref<512x32xf32, #tpu.memory_space<vmem>>[vector<16xi32>, vector<16xi32>], vector<16xf32>,
      %gather3A_674 = tpu.vector_load_idx %arg17[%add3A_322, %broadcast_in_dim3A_672] : memref<512x32xf32, #tpu.memory_space<vmem>>[vector<16xi32>, vector<16xi32>], vector<16xf32>,
      %gather3A_675 = tpu.vector_load_idx %arg18[%add3A_322, %broadcast_in_dim3A_672] : memref<512x32xf32, #tpu.memory_space<vmem>>[vector<16xi32>, vector<16xi32>], vector<16xf32>,
      %sub3A_676 = arith.subf %gather3A_673, %gather3A_675 : vector<16xf32>
      %add3A_677 = arith.addf %sub3A_676, %gather3A_674 : vector<16xf32>
      %get3A_678 = arith.constant 25 : i32
      %get3A_679 = arith.index_cast %get3A_678 : i32 to index
      %get3A_680 = arith.constant 0 : index
      %get3A_681 = tpu.vector_load %arg20[%get3A_679, %get3A_680] {strides = array<i32>} : memref<32x16xf32, #tpu.memory_space<vmem>>, vector<16xf32>,
      %add3A_682 = arith.addf %add3A_677, %get3A_681 : vector<16xf32>
      %mul3A_683 = arith.mulf %add3A_682, %add3A_682 : vector<16xf32>
      %add3A_684 = arith.addf %add3A_670, %mul3A_683 : vector<16xf32>
      %broadcast_in_dim3A_685 = arith.constant 26 : i32
      %broadcast_in_dim3A_686 = vector.broadcast %broadcast_in_dim3A_685 : i32 to vector<16xi32>
      %gather3A_687 = tpu.vector_load_idx %arg16[%add3A_322, %broadcast_in_dim3A_686] : memref<512x32xf32, #tpu.memory_space<vmem>>[vector<16xi32>, vector<16xi32>], vector<16xf32>,
      %gather3A_688 = tpu.vector_load_idx %arg17[%add3A_322, %broadcast_in_dim3A_686] : memref<512x32xf32, #tpu.memory_space<vmem>>[vector<16xi32>, vector<16xi32>], vector<16xf32>,
      %gather3A_689 = tpu.vector_load_idx %arg18[%add3A_322, %broadcast_in_dim3A_686] : memref<512x32xf32, #tpu.memory_space<vmem>>[vector<16xi32>, vector<16xi32>], vector<16xf32>,
      %sub3A_690 = arith.subf %gather3A_687, %gather3A_689 : vector<16xf32>
      %add3A_691 = arith.addf %sub3A_690, %gather3A_688 : vector<16xf32>
      %get3A_692 = arith.constant 26 : i32
      %get3A_693 = arith.index_cast %get3A_692 : i32 to index
      %get3A_694 = arith.constant 0 : index
      %get3A_695 = tpu.vector_load %arg20[%get3A_693, %get3A_694] {strides = array<i32>} : memref<32x16xf32, #tpu.memory_space<vmem>>, vector<16xf32>,
      %add3A_696 = arith.addf %add3A_691, %get3A_695 : vector<16xf32>
      %mul3A_697 = arith.mulf %add3A_696, %add3A_696 : vector<16xf32>
      %add3A_698 = arith.addf %add3A_684, %mul3A_697 : vector<16xf32>
      %broadcast_in_dim3A_699 = arith.constant 27 : i32
      %broadcast_in_dim3A_700 = vector.broadcast %broadcast_in_dim3A_699 : i32 to vector<16xi32>
      %gather3A_701 = tpu.vector_load_idx %arg16[%add3A_322, %broadcast_in_dim3A_700] : memref<512x32xf32, #tpu.memory_space<vmem>>[vector<16xi32>, vector<16xi32>], vector<16xf32>,
      %gather3A_702 = tpu.vector_load_idx %arg17[%add3A_322, %broadcast_in_dim3A_700] : memref<512x32xf32, #tpu.memory_space<vmem>>[vector<16xi32>, vector<16xi32>], vector<16xf32>,
      %gather3A_703 = tpu.vector_load_idx %arg18[%add3A_322, %broadcast_in_dim3A_700] : memref<512x32xf32, #tpu.memory_space<vmem>>[vector<16xi32>, vector<16xi32>], vector<16xf32>,
      %sub3A_704 = arith.subf %gather3A_701, %gather3A_703 : vector<16xf32>
      %add3A_705 = arith.addf %sub3A_704, %gather3A_702 : vector<16xf32>
      %get3A_706 = arith.constant 27 : i32
      %get3A_707 = arith.index_cast %get3A_706 : i32 to index
      %get3A_708 = arith.constant 0 : index
      %get3A_709 = tpu.vector_load %arg20[%get3A_707, %get3A_708] {strides = array<i32>} : memref<32x16xf32, #tpu.memory_space<vmem>>, vector<16xf32>,
      %add3A_710 = arith.addf %add3A_705, %get3A_709 : vector<16xf32>
      %mul3A_711 = arith.mulf %add3A_710, %add3A_710 : vector<16xf32>
      %add3A_712 = arith.addf %add3A_698, %mul3A_711 : vector<16xf32>
      %broadcast_in_dim3A_713 = arith.constant 28 : i32
      %broadcast_in_dim3A_714 = vector.broadcast %broadcast_in_dim3A_713 : i32 to vector<16xi32>
      %gather3A_715 = tpu.vector_load_idx %arg16[%add3A_322, %broadcast_in_dim3A_714] : memref<512x32xf32, #tpu.memory_space<vmem>>[vector<16xi32>, vector<16xi32>], vector<16xf32>,
      %gather3A_716 = tpu.vector_load_idx %arg17[%add3A_322, %broadcast_in_dim3A_714] : memref<512x32xf32, #tpu.memory_space<vmem>>[vector<16xi32>, vector<16xi32>], vector<16xf32>,
      %gather3A_717 = tpu.vector_load_idx %arg18[%add3A_322, %broadcast_in_dim3A_714] : memref<512x32xf32, #tpu.memory_space<vmem>>[vector<16xi32>, vector<16xi32>], vector<16xf32>,
      %sub3A_718 = arith.subf %gather3A_715, %gather3A_717 : vector<16xf32>
      %add3A_719 = arith.addf %sub3A_718, %gather3A_716 : vector<16xf32>
      %get3A_720 = arith.constant 28 : i32
      %get3A_721 = arith.index_cast %get3A_720 : i32 to index
      %get3A_722 = arith.constant 0 : index
      %get3A_723 = tpu.vector_load %arg20[%get3A_721, %get3A_722] {strides = array<i32>} : memref<32x16xf32, #tpu.memory_space<vmem>>, vector<16xf32>,
      %add3A_724 = arith.addf %add3A_719, %get3A_723 : vector<16xf32>
      %mul3A_725 = arith.mulf %add3A_724, %add3A_724 : vector<16xf32>
      %add3A_726 = arith.addf %add3A_712, %mul3A_725 : vector<16xf32>
      %broadcast_in_dim3A_727 = arith.constant 29 : i32
      %broadcast_in_dim3A_728 = vector.broadcast %broadcast_in_dim3A_727 : i32 to vector<16xi32>
      %gather3A_729 = tpu.vector_load_idx %arg16[%add3A_322, %broadcast_in_dim3A_728] : memref<512x32xf32, #tpu.memory_space<vmem>>[vector<16xi32>, vector<16xi32>], vector<16xf32>,
      %gather3A_730 = tpu.vector_load_idx %arg17[%add3A_322, %broadcast_in_dim3A_728] : memref<512x32xf32, #tpu.memory_space<vmem>>[vector<16xi32>, vector<16xi32>], vector<16xf32>,
      %gather3A_731 = tpu.vector_load_idx %arg18[%add3A_322, %broadcast_in_dim3A_728] : memref<512x32xf32, #tpu.memory_space<vmem>>[vector<16xi32>, vector<16xi32>], vector<16xf32>,
      %sub3A_732 = arith.subf %gather3A_729, %gather3A_731 : vector<16xf32>
      %add3A_733 = arith.addf %sub3A_732, %gather3A_730 : vector<16xf32>
      %get3A_734 = arith.constant 29 : i32
      %get3A_735 = arith.index_cast %get3A_734 : i32 to index
      %get3A_736 = arith.constant 0 : index
      %get3A_737 = tpu.vector_load %arg20[%get3A_735, %get3A_736] {strides = array<i32>} : memref<32x16xf32, #tpu.memory_space<vmem>>, vector<16xf32>,
      %add3A_738 = arith.addf %add3A_733, %get3A_737 : vector<16xf32>
      %mul3A_739 = arith.mulf %add3A_738, %add3A_738 : vector<16xf32>
      %add3A_740 = arith.addf %add3A_726, %mul3A_739 : vector<16xf32>
      %broadcast_in_dim3A_741 = arith.constant 30 : i32
      %broadcast_in_dim3A_742 = vector.broadcast %broadcast_in_dim3A_741 : i32 to vector<16xi32>
      %gather3A_743 = tpu.vector_load_idx %arg16[%add3A_322, %broadcast_in_dim3A_742] : memref<512x32xf32, #tpu.memory_space<vmem>>[vector<16xi32>, vector<16xi32>], vector<16xf32>,
      %gather3A_744 = tpu.vector_load_idx %arg17[%add3A_322, %broadcast_in_dim3A_742] : memref<512x32xf32, #tpu.memory_space<vmem>>[vector<16xi32>, vector<16xi32>], vector<16xf32>,
      %gather3A_745 = tpu.vector_load_idx %arg18[%add3A_322, %broadcast_in_dim3A_742] : memref<512x32xf32, #tpu.memory_space<vmem>>[vector<16xi32>, vector<16xi32>], vector<16xf32>,
      %sub3A_746 = arith.subf %gather3A_743, %gather3A_745 : vector<16xf32>
      %add3A_747 = arith.addf %sub3A_746, %gather3A_744 : vector<16xf32>
      %get3A_748 = arith.constant 30 : i32
      %get3A_749 = arith.index_cast %get3A_748 : i32 to index
      %get3A_750 = arith.constant 0 : index
      %get3A_751 = tpu.vector_load %arg20[%get3A_749, %get3A_750] {strides = array<i32>} : memref<32x16xf32, #tpu.memory_space<vmem>>, vector<16xf32>,
      %add3A_752 = arith.addf %add3A_747, %get3A_751 : vector<16xf32>
      %mul3A_753 = arith.mulf %add3A_752, %add3A_752 : vector<16xf32>
      %add3A_754 = arith.addf %add3A_740, %mul3A_753 : vector<16xf32>
      %broadcast_in_dim3A_755 = arith.constant 31 : i32
      %broadcast_in_dim3A_756 = vector.broadcast %broadcast_in_dim3A_755 : i32 to vector<16xi32>
      %gather3A_757 = tpu.vector_load_idx %arg16[%add3A_322, %broadcast_in_dim3A_756] : memref<512x32xf32, #tpu.memory_space<vmem>>[vector<16xi32>, vector<16xi32>], vector<16xf32>,
      %gather3A_758 = tpu.vector_load_idx %arg17[%add3A_322, %broadcast_in_dim3A_756] : memref<512x32xf32, #tpu.memory_space<vmem>>[vector<16xi32>, vector<16xi32>], vector<16xf32>,
      %gather3A_759 = tpu.vector_load_idx %arg18[%add3A_322, %broadcast_in_dim3A_756] : memref<512x32xf32, #tpu.memory_space<vmem>>[vector<16xi32>, vector<16xi32>], vector<16xf32>,
      %sub3A_760 = arith.subf %gather3A_757, %gather3A_759 : vector<16xf32>
      %add3A_761 = arith.addf %sub3A_760, %gather3A_758 : vector<16xf32>
      %get3A_762 = arith.constant 31 : i32
      %get3A_763 = arith.index_cast %get3A_762 : i32 to index
      %get3A_764 = arith.constant 0 : index
      %get3A_765 = tpu.vector_load %arg20[%get3A_763, %get3A_764] {strides = array<i32>} : memref<32x16xf32, #tpu.memory_space<vmem>>, vector<16xf32>,
      %add3A_766 = arith.addf %add3A_761, %get3A_765 : vector<16xf32>
      %mul3A_767 = arith.mulf %add3A_766, %add3A_766 : vector<16xf32>
      %add3A_768 = arith.addf %add3A_754, %mul3A_767 : vector<16xf32>
      %mul3A_769 = arith.constant 16 : i32
      %mul3A_770 = arith.muli %scan3A_318, %mul3A_769 : i32
      %get3A_771 = arith.index_cast %mul3A_770 : i32 to index
      %get3A_772 = tpu.vector_load %arg19[%get3A_771] {strides = array<i32>} : memref<512xf32, #tpu.memory_space<vmem>>, vector<16xf32>,
      %max3A = arith.constant 1.000000e-30 : f32
      %max3A_773 = vector.broadcast %max3A : f32 to vector<16xf32>
      %max3A_774 = arith.maximumf %add3A_768, %max3A_773 : vector<16xf32>
      %bitcast_convert_type3A = tpu.bitcast %max3A_774 : vector<16xf32> -> vector<16xi32>
      %shift_right_arithmetic3A = arith.constant 1 : i32
      %shift_right_arithmetic3A_775 = vector.broadcast %shift_right_arithmetic3A : i32 to vector<16xi32>
      %shift_right_arithmetic3A_776 = arith.shrsi %bitcast_convert_type3A, %shift_right_arithmetic3A_775 : vector<16xi32>
      %sub3A_777 = arith.constant 1597463007 : i32
      %sub3A_778 = vector.broadcast %sub3A_777 : i32 to vector<16xi32>
      %sub3A_779 = arith.subi %sub3A_778, %shift_right_arithmetic3A_776 : vector<16xi32>
      %bitcast_convert_type3A_780 = tpu.bitcast %sub3A_779 : vector<16xi32> -> vector<16xf32>
      %mul3A_781 = arith.constant 5.000000e-01 : f32
      %mul3A_782 = vector.broadcast %mul3A_781 : f32 to vector<16xf32>
      %mul3A_783 = arith.mulf %mul3A_782, %max3A_774 : vector<16xf32>
      %mul3A_784 = arith.mulf %mul3A_783, %bitcast_convert_type3A_780 : vector<16xf32>
      %mul3A_785 = arith.mulf %mul3A_784, %bitcast_convert_type3A_780 : vector<16xf32>
      %sub3A_786 = arith.constant 1.500000e+00 : f32
      %sub3A_787 = vector.broadcast %sub3A_786 : f32 to vector<16xf32>
      %sub3A_788 = arith.subf %sub3A_787, %mul3A_785 : vector<16xf32>
      %mul3A_789 = arith.mulf %bitcast_convert_type3A_780, %sub3A_788 : vector<16xf32>
      %mul3A_790 = arith.constant 5.000000e-01 : f32
      %mul3A_791 = vector.broadcast %mul3A_790 : f32 to vector<16xf32>
      %mul3A_792 = arith.mulf %mul3A_791, %max3A_774 : vector<16xf32>
      %mul3A_793 = arith.mulf %mul3A_792, %mul3A_789 : vector<16xf32>
      %mul3A_794 = arith.mulf %mul3A_793, %mul3A_789 : vector<16xf32>
      %sub3A_795 = arith.constant 1.500000e+00 : f32
      %sub3A_796 = vector.broadcast %sub3A_795 : f32 to vector<16xf32>
      %sub3A_797 = arith.subf %sub3A_796, %mul3A_794 : vector<16xf32>
      %mul3A_798 = arith.mulf %mul3A_789, %sub3A_797 : vector<16xf32>
      %mul3A_799 = arith.constant 5.000000e-01 : f32
      %mul3A_800 = vector.broadcast %mul3A_799 : f32 to vector<16xf32>
      %mul3A_801 = arith.mulf %mul3A_800, %max3A_774 : vector<16xf32>
      %mul3A_802 = arith.mulf %mul3A_801, %mul3A_798 : vector<16xf32>
      %mul3A_803 = arith.mulf %mul3A_802, %mul3A_798 : vector<16xf32>
      %sub3A_804 = arith.constant 1.500000e+00 : f32
      %sub3A_805 = vector.broadcast %sub3A_804 : f32 to vector<16xf32>
      %sub3A_806 = arith.subf %sub3A_805, %mul3A_803 : vector<16xf32>
      %mul3A_807 = arith.mulf %mul3A_798, %sub3A_806 : vector<16xf32>
      %mul3A_808 = arith.mulf %add3A_768, %mul3A_807 : vector<16xf32>
      %sub3A_809 = arith.subf %get3A_772, %mul3A_808 : vector<16xf32>
      %mul3A_810 = arith.constant 16 : i32
      %mul3A_811 = arith.muli %scan3A_318, %mul3A_810 : i32
      %swap3A = arith.index_cast %mul3A_811 : i32 to index
      %swap3A_812 = tpu.vector_load %arg21[%swap3A] {strides = array<i32>} : memref<512xf32, #tpu.memory_space<vmem>>, vector<16xf32>,
      tpu.vector_store %arg21[%swap3A], %sub3A_809 {strides = array<i32>} : memref<512xf32, #tpu.memory_space<vmem>>, vector<16xf32>,
    }
    %scan3A_315 = arith.constant 32 : i32
    %mul3A_316 = arith.constant 512 : i32
    %mul3A_317 = arith.muli %add3A, %mul3A_316 : i32
    "tpu.region"() ({
      %run_scoped3A = tpu.sem_alloc : memref<!tpu.dma_semaphore, #tpu.memory_space<semaphore_mem>>
      %dma_start3A_318 = tpu.memref_slice %arg9[%mul3A_317] : memref<16384xf32, #tpu.memory_space<hbm>> -> memref<512xf32, #tpu.memory_space<hbm>>
      %dma_start3A_319 = tpu.memref_slice %arg9[%mul3A_317] : memref<16384xf32, #tpu.memory_space<hbm>> -> memref<512xf32, #tpu.memory_space<hbm>>
      tpu.enqueue_dma source(%arg21 : memref<512xf32, #tpu.memory_space<vmem>>) target(%dma_start3A_319 : memref<512xf32, #tpu.memory_space<hbm>>) target_semaphore(%run_scoped3A : memref<!tpu.dma_semaphore, #tpu.memory_space<semaphore_mem>>)
      %dma_wait3A_320 = tpu.memref_slice %arg9[%mul3A_317] : memref<16384xf32, #tpu.memory_space<hbm>> -> memref<512xf32, #tpu.memory_space<hbm>>
      %dma_wait3A_321 = tpu.memref_slice %arg9[%mul3A_317] : memref<16384xf32, #tpu.memory_space<hbm>> -> memref<512xf32, #tpu.memory_space<hbm>>
      tpu.wait_dma2 semaphore(%run_scoped3A : memref<!tpu.dma_semaphore, #tpu.memory_space<semaphore_mem>>) src(%arg21 : memref<512xf32, #tpu.memory_space<vmem>>) dst(%dma_wait3A_321 : memref<512xf32, #tpu.memory_space<hbm>>)
      tpu.yield
    }) : () -> ()
    return
  }
}

</mosaic_0001>

<sc_bundles>
// kernel: kernel.3.cloned.1.call-start
scs
__scs_entry_jumppad:
0x0: {  	(pc) =	sbr.rel $0x88, $3  }
0x1: {  	(tag) =	ssettag $0x0;
	lr =	simm.s32 $0x1  }
0x2: {  	[smem:$0x3F9A] =	sst lr;
	_ =	strace $0xD0000000  }
0x3: {  	_ = 	snop  }
0x4: {  	_ = 	snop  }
0x5: {  	_ = 	snop  }
0x6: {  	_ = 	snop  }
0x7: {  	_ = 	snop  }
__scs_overlays_trampoline_lowered:
0x8: {  	[smem:$0x3FA9] =	sst s0  }
0x9: {  	[smem:$0x3FAA] =	sst s1  }
0xa: {  	[smem:$0x3FAB] =	sst s2  }
0xb: {  	[smem:$0x3FAC] =	sst s3  }
0xc: {  	[smem:$0x3FAD] =	sst s4  }
0xd: {  	[smem:$0x3FAE] =	sst s5  }
0xe: {  	[smem:$0x3FAF] =	sst s6  }
0xf: {  	[smem:$0x3FB0] =	sst s7  }
0x10: {  	[smem:$0x3FB1] =	sst s8  }
0x11: {  	[smem:$0x3FB2] =	sst s9;
	s0 =	simm.s32 @!p0 $0x0  }
0x12: {  	s1 =	sld [smem:$0x3F98];
	s0 =	simm.s32 @p0 $0x1  }
0x13: {  	[smem:$0x3FB3] =	sst s0;
	s0 =	simm.s32 @!p1 $0x0  }
0x14: {  	s2 =	sld [smem:$0x3F97];
	s0 =	simm.s32 @p1 $0x1  }
0x15: {  	[smem:$0x3FB4] =	sst s0;
	s0 =	simm.s32 @!p2 $0x0  }
0x16: {  	s3 =	sld [smem:$0x3FDB];
	s0 =	simm.s32 @p2 $0x1  }
0x17: {  	s4 =	simm.s32 $0x1BF5;
	[smem:$0x3FB6] =	sst s0  }
0x18: {  	s0 =	sld [smem:$0x3F99];
	_ =	swait.ge [sflag:s4], $0x0  }
0x19: {  	s7 =	sld [smem:$0x3F9A]  }
0x1a: {  	s8 =	sadd.s32 $0xFFFFE003, lr  }
0x1b: {  	s9 =	sadd.s32 $0xFFFFFEF7, lr;
	s5 =	simm.s32 $0xFFFFFFFF;
	p2 =	slt.u32 s8, $0xFFFFF086  }
0x1c: {  	p1 =	slt.u32 s9, $0xF7A;
	s5 =	simm.s32 @!p2 $0x0  }
0x1d: {  	s5 =	simm.s32 @p1 $0x1;
	p0 =	seq.s32 s7, s2  }
0x1e: {  	s7 =	smul.u32 @!p0 $0xF7A, s2;
	p2 =	seq.s32 @!p0 s5, $0x0  }
0x1f: {  	s9 =	smul.u32 $0xF7A, s1;
	s8 =	simm.s32 @!p0 $0x1BF5;
	p2 =	por !p2, p0  }
0x20: {  	[sflag:s8] =	ssyncset.s32 @!p0 $0xFFFFF086;
	s6 =	sadd.s32 @!p0 s3, s7;
	s7 =	simm.s32 @!p0 $0x108  }
0x21: {  	s3 =	sadd.s32 s3, s9;
	s6 =	sadd.s32 @!p0 $0x88, s6;
	s7 =	simm.s32 @p2 $0x1082  }
0x22: {  	[simem:s7], [sflag:s8] =	dma.local @!p0 [hbm:s6], $0xF7A  }
0x23: {  	s9 =	sor.u32 $0xD0000000, s2;
	s6 =	simm.s32 $0x108;
	_ =	swait.ge @!p0 [sflag:s8], $0x0  }
0x24: {  	s3 =	sadd.s32 $0x88, s3;
	s6 =	simm.s32 @!p1 $0x1082;
	[sflag:s4] =	ssyncset.s32 $0xFFFFF086  }
0x25: {  	[simem:s6], [sflag:s4] =	dma.local [hbm:s3], $0xF7A  }
0x26: {  	[smem:$0x3F9A] =	sst s1;
	(tag) =	ssettag s2;
	_ =	strace s9  }
0x27: {  	s1 =	sld [smem:$0x3FAA]  }
0x28: {  	s2 =	sld [smem:$0x3FAB]  }
0x29: {  	s4 =	sld [smem:$0x3FAD]  }
0x2a: {  	p0 =	seq.s32 s5, $0x0;
	s5 =	sld [smem:$0x3FAE]  }
0x2b: {  	s6 =	sld [smem:$0x3FAF]  }
0x2c: {  	s7 =	sld [smem:$0x3FB0]  }
0x2d: {  	s3 =	simm.s32 $0x108;
	s8 =	sld [smem:$0x3FB1]  }
0x2e: {  	s3 =	simm.s32 @!p0 $0x1082;
	s9 =	sld [smem:$0x3FB2]  }
0x2f: {  	lr =	sadd.s32 s0, s3;
	s0 =	sld [smem:$0x3FA9]  }
0x30: {  	s3 =	sld [smem:$0x3FAC]  }
0x31: {  	[smem:$0x3FB5] =	sst s10  }
0x32: {  	s10 =	sld [smem:$0x3FB3];
	_ =	sdelay $0x3  }
0x33: {  	p0 =	seq.s32 s10, $0x1;
	s10 =	sld [smem:$0x3FB5];
	_ =	sdelay $0x3  }
0x34: {  	[smem:$0x3FB5] =	sst s10  }
0x35: {  	s10 =	sld [smem:$0x3FB4];
	_ =	sdelay $0x3  }
0x36: {  	p1 =	seq.s32 s10, $0x1;
	s10 =	sld [smem:$0x3FB5];
	_ =	sdelay $0x3  }
0x37: {  	[smem:$0x3FB5] =	sst s10  }
0x38: {  	s10 =	sld [smem:$0x3FB6]  }
0x39: {  	_ = 	snop;
	(pc) =	sbr.ind lr, $3  }
0x3a: {  	_ = 	snop  }
0x3b: {  	_ = 	snop  }
0x3c: {  	p2 =	seq.s32 s10, $0x1;
	s10 =	sld [smem:$0x3FB5]  }
0x3d: {  	_ =	shalt  }
0x3e: {  	_ =	shalt  }
0x3f: {  	_ =	shalt  }
0x40: {  	_ =	shalt  }
0x41: {  	_ =	shalt  }
0x42: {  	_ =	shalt  }
0x43: {  	_ =	shalt  }
0x44: {  	_ =	shalt  }
0x45: {  	_ =	shalt  }
0x46: {  	_ =	shalt  }
0x47: {  	_ =	shalt  }
0x48: {  	_ =	shalt  }
0x49: {  	_ =	shalt  }
0x4a: {  	_ =	shalt  }
0x4b: {  	_ =	shalt  }
0x4c: {  	_ =	shalt  }
0x4d: {  	_ =	shalt  }
0x4e: {  	_ =	shalt  }
0x4f: {  	_ =	shalt  }
0x50: {  	_ =	shalt  }
0x51: {  	_ =	shalt  }
0x52: {  	_ =	shalt  }
0x53: {  	_ =	shalt  }
0x54: {  	_ =	shalt  }
0x55: {  	_ =	shalt  }
0x56: {  	_ =	shalt  }
0x57: {  	_ =	shalt  }
0x58: {  	_ =	shalt  }
0x59: {  	_ =	shalt  }
0x5a: {  	_ =	shalt  }
0x5b: {  	_ =	shalt  }
0x5c: {  	_ =	shalt  }
0x5d: {  	_ =	shalt  }
0x5e: {  	_ =	shalt  }
0x5f: {  	_ =	shalt  }
0x60: {  	_ =	shalt  }
0x61: {  	_ =	shalt  }
0x62: {  	_ =	shalt  }
0x63: {  	_ =	shalt  }
0x64: {  	_ =	shalt  }
0x65: {  	_ =	shalt  }
0x66: {  	_ =	shalt  }
0x67: {  	_ =	shalt  }
0x68: {  	_ =	shalt  }
0x69: {  	_ =	shalt  }
0x6a: {  	_ =	shalt  }
0x6b: {  	_ =	shalt  }
0x6c: {  	_ =	shalt  }
0x6d: {  	_ =	shalt  }
0x6e: {  	_ =	shalt  }
0x6f: {  	_ =	shalt  }
0x70: {  	_ =	shalt  }
0x71: {  	_ =	shalt  }
0x72: {  	_ =	shalt  }
0x73: {  	_ =	shalt  }
0x74: {  	_ =	shalt  }
0x75: {  	_ =	shalt  }
0x76: {  	_ =	shalt  }
0x77: {  	_ =	shalt  }
0x78: {  	_ =	shalt  }
0x79: {  	_ =	shalt  }
0x7a: {  	_ =	shalt  }
0x7b: {  	_ =	shalt  }
0x7c: {  	_ =	shalt  }
0x7d: {  	_ =	shalt  }
0x7e: {  	_ =	shalt  }
0x7f: {  	_ =	shalt  }
0x80: {  	_ =	shalt  }
0x81: {  	_ =	shalt  }
0x82: {  	_ =	shalt  }
0x83: {  	_ =	shalt  }
0x84: {  	_ =	shalt  }
0x85: {  	_ =	shalt  }
0x86: {  	_ =	shalt  }
0x87: {  	_ =	shalt  }
.Lfunc_end0:
.L_simem_size_0:
called_computation.4_lowered:
.L_overlay_start_0:
0x88: {  	s2 =	sld [smem:$0x3FD9]  }
0x89: {  	s3 =	sld [smem:$0x3FFE];
	_ =	sdelay $0x1  }
0x8a: {  	s1 =	srdreg.scid  }
0x8b: {  	s0 =	sand.u32 $0x1, s1  }
0x8c: {  	s17 =	sshll.u32 s0, $0xA;
	s2 =	sadd.s32 s3, s2  }
0x8d: {  	s2 =	sadd.s32 s2, s17  }
0x8e: {  	[smem:$0x3FC1] =	sst s2  }
0x8f: {  	_ = 	snop  }
0x90: {  	s2 =	sld [smem:$0x3FC9]  }
0x91: {  	s18 =	sld [smem:$0x3FC8]  }
0x92: {  	s4 =	sld [smem:$0x3FC7]  }
0x93: {  	s5 =	sld [smem:$0x3FD0];
	(tm) =	ssettm $0x1  }
0x94: {  	s6 =	sld [smem:$0x3FFB];
	_ =	sdelay $0x3  }
0x95: {  	_ =	strace s6  }
0x96: {  	s6 =	sld [smem:$0x3FFC];
	_ =	sdelay $0x3  }
0x97: {  	_ =	strace s6  }
0x98: {  	s6 =	sld [smem:$0x3FFD];
	_ =	sdelay $0x3  }
0x99: {  	_ =	strace s6  }
0x9a: {  	_ =	strace $0x8FFFFFFF  }
0x9b: {  	s19 =	sld [smem:$0x3FDB];
	_ =	sdelay $0x1  }
0x9c: {  	s7 =	simm.s32 $_scs_section_size  }
0x9d: {  	s8 =	simm.s32 $_size__tile_overlayer_lowered;
	s9 =	simm.s32 $_tile_overlayer_lowered  }
0x9e: {  	s22 =	simm.s32 $0x1BFF;
	s21 =	sshll.u32 s9, $0x1;
	s6 =	sadd.s32 s7, s19  }
0x9f: {  	s10 =	simm.s32 $0x0;
	s20 =	sshll.u32 s8, $0x1;
	s8 =	sadd.s32 s21, s6  }
0xa0: {  	[timem:s10], [sflag:s22] =	dma.local [hbm:s8], s20  }
0xa1: {  	_ =	swait.ge [sflag:s22], s20  }
0xa2: {  	s7 =	ssub.s32 $0x0, s20;
	[sflag:s22] =	ssyncset.done $0x0  }
0xa3: {  	[sflag:s22] =	ssyncadd.s32 s7;
	_ =	sdelay $0x1  }
0xa4: {  	s23 =	simm.s32 $0x1B8B  }
0xa5: {  	_ =	swait.ge [sflag:s23], $0x1  }
0xa6: {  	[sflag:s23] =	ssyncset.done $0x0  }
0xa7: {  	s25 =	simm.s32 $0x1B8E;
	s24 =	sld [smem:$0x3FFE];
	[sflag:s23] =	ssyncadd.s32 $0xFFFFFFFF  }
0xa8: {  	s26 =	simm.s32 $execute0_lowered;
	[smem:$0x3FD2] =	sst s25  }
0xa9: {  	s8 =	sshll.u32 s26, $0x1;
	_ =	strace $0x80000052;
	[dreg:$0x1] =	wrdreg $0xFFFFFFFF  }
0xaa: {  	s28 =	simm.s32 $_size_execute0_lowered;
	s6 =	sadd.s32 s6, s8;
	[dreg:$0x0] =	wrdreg $0x0  }
0xab: {  	s8 =	sshll.u32 s28, $0x1;
	[dreg:$0x2] =	wrdreg s6  }
0xac: {  	[dreg:$0x3] =	wrdreg s8  }
0xad: {  	[dreg:$0x4] =	wrdreg $0xC0  }
0xae: {  	_ =	task [dreg:s10], $0x5FFFF  }
0xaf: {  	[dreg:$0x1] =	wrdreg $0xFFFFFFFF  }
0xb0: {  	[dreg:$0x0] =	wrdreg $0x60  }
0xb1: {  	[dreg:$0x2] =	wrdreg s2  }
0xb2: {  	[dreg:$0x3] =	wrdreg s18  }
0xb3: {  	[dreg:$0x4] =	wrdreg s4  }
0xb4: {  	[dreg:$0x5] =	wrdreg s24  }
0xb5: {  	[dreg:$0x6] =	wrdreg s5  }
0xb6: {  	[dreg:$0x7] =	wrdreg $0x9  }
0xb7: {  	_ =	task.clear_ibuf [dreg:s10], $0x8FFFF;
	_ =	strace $0x90000052  }
0xb8: {  	s29 =	simm.s32 $0x9;
	_ =	strace $0x80000054  }
0xb9: {  	_ =	swait.ge [sflag:s29], $0x1  }
0xba: {  	[sflag:s29] =	ssyncadd.s32 $0xFFFFFFFF  }
0xbb: {  	_ =	strace $0x90000054  }
0xbc: {  	_ =	sfence  }
0xbd: {  	s30 =	sld [smem:$0x0];
	_ =	sdelay $0x2  }
0xbe: {  	s31 =	sshll.u32 s1, $0xD;
	s1 =	sshrl.u32 s1, $0x2  }
0xbf: {  	s3 =	sand.u32 $0x4000, s31;
	s1 =	sadd.s32 s1, s30  }
0xc0: {  	s0 =	sor.u32 s3, s0;
	s1 =	sshll.u32 s1, $0x11  }
0xc1: {  	s0 =	sor.u32 s1, s0  }
0xc2: {  	s0 =	sadd.s32 $0x8F2B, s0  }
0xc3: {  	[sflag:s0] =	ssyncadd.remote.s32 $0x1  }
0xc4: {  	_ =	sfence.sel $0xFFFF  }
0xc5: {  	[dreg:$0x0] =	wrdreg $0xFFFFFFFF;
	(pc) =	sbr.abs _section_cstart, $3  }
0xc6: {  	[dreg:$0x1] =	wrdreg $0xFFFFFFFF  }
0xc7: {  	_ =	task.clear_ibuf [dreg:s10], $0x2FFFF;
	_ =	strace $0x9FFFFFFF  }
0xc8: {  	(tm) =	ssettm $0x7FFFFFFF  }
0xc9: {  	_ =	shalt  }
tec
execute0_lowered:
.L_overlay_start_1:
0x0: {  	(tag) =	ssettag $0x1  }
0x1: {  	s0 =	rddreg [dreg:$0x0]  }
0x2: {  	s2 =	rddreg [dreg:$0x1]  }
0x3: {  	s9 =	rddreg [dreg:$0x2]  }
0x4: {  	s6 =	rddreg [dreg:$0x3]  }
0x5: {  	s10 =	rddreg [dreg:$0x4]  }
0x6: {  	s1 =	simm.s32 $0x0;
	s5 =	srdreg.scid;
	s8 =	stileid.u32  }
0x7: {  	s13 =	simm.s32 $0x200;
	s14 =	simm.s32 $0x400;
	s16 =	simm.s32 $0x80  }
0x8: {  	s24 =	simm.s32 $0x480;
	s21 =	simm.s32 $0x580;
	s22 =	simm.s32 $0x5E00  }
0x9: {  	s23 =	simm.s32 $0x12780;
	s25 =	simm.s32 $0x1;
	s26 =	simm.s32 $0x6600  }
0xa: {  	s28 =	simm.s32 $0xA600;
	s29 =	simm.s32 $0xE600;
	s30 =	simm.s32 $0x12A00  }
0xb: {  	s31 =	simm.s32 $0x0;
	[smem:$0x7FF] =	sst s1;
	s3 =	sadd.s32 $0x1600, s6  }
0xc: {  	s4 =	sadd.s32 $0x3D2200, s6;
	s5 =	sand.u32 $0x1, s5;
	s8 =	sshll.u32 s8, $0x7  }
0xd: {  	_ =	strace $0x80000053;
	s7 =	ssub.s32 $0x2, s5;
	s11 =	sshll.u32 s5, $0x6  }
0xe: {  	v0 =	vlaneseq.u32;
	s5 =	sadd.s32 $0x7A2E00, s6;
	s12 =	sshrl.u32 s7, $0x1;
	s11 =	sor.u32 s11, s8  }
0xf: {  	v2 =	vmul.u32 $0x20, v0;
	s6 =	sadd.s32 $0x7A3000, s6;
	s12 =	ssub.s32 s7, s12;
	s7 =	sadd.s32 s0, s11  }
0x10: {  	s8 =	sadd.s32 s2, s11;
	s9 =	sadd.s32 s9, s11;
	s10 =	sadd.s32 s10, s11  }
0x11: {  	[tilespmem:$0x1FFF0] =	vst v2;
	s0 =	simm.s32 $0x500;
	s11 =	smax.u32 s12, $0x1;
	s12 =	simm.s32 $0x2  }
.LBB2_1:
0x12: {  	[tilespmem:s1], [sflag:$0x2] =	stream.linear.gather [hbm4b:s7+s1], $0x200, $0x38;
	[tilespmem:$0x12C00] =	vst v63  }
0x13: {  	_ =	swait.ge [sflag:s12], $0x200  }
0x14: {  	[sflag:s12] =	ssyncset.done $0x0  }
0x15: {  	[sflag:s12] =	ssyncadd.s32 $0xFFFFFE00  }
0x16: {  	[tilespmem:s13], [sflag:$0x2] =	stream.linear.gather [hbm4b:s8+s1], $0x200, $0x38;
	[tilespmem:$0x12C00] =	vst v63  }
0x17: {  	_ =	swait.ge [sflag:s12], $0x200  }
0x18: {  	[sflag:s12] =	ssyncset.done $0x0  }
0x19: {  	[sflag:s12] =	ssyncadd.s32 $0xFFFFFE00  }
0x1a: {  	[tilespmem:s14], [sflag:$0x2] =	stream.linear.gather [hbm4b:s9+s1], $0x200, $0x38;
	[tilespmem:$0x12C00] =	vst v63  }
0x1b: {  	_ =	swait.ge [sflag:s12], $0x200  }
0x1c: {  	[sflag:s12] =	ssyncset.done $0x0  }
0x1d: {  	s2 =	simm.s32 $0x12800;
	[sflag:s12] =	ssyncadd.s32 $0xFFFFFE00  }
0x1e: {  	[tilespmem:s2], [sflag:$0x2] =	stream.linear.gather [hbm4b:s5+s1], $0x200, $0x38;
	[tilespmem:$0x12C00] =	vst v63  }
0x1f: {  	_ =	swait.ge [sflag:s12], $0x200  }
0x20: {  	[sflag:s12] =	ssyncset.done $0x0  }
0x21: {  	s20 =	simm.s32 $0x600;
	[sflag:s12] =	ssyncadd.s32 $0xFFFFFE00  }
0x22: {  	[tilespmem:s20], [sflag:$0x1] =	stream.indirect.gather [hbm4b:s3+s16], $0x10, s1, s16, $0xb8;
	[tilespmem:$0x12C00] =	vst v63  }
0x23: {  	s15 =	simm.s32 $0x2600  }
0x24: {  	[tilespmem:s15], [sflag:$0x1] =	stream.indirect.gather [hbm4b:s4+s16], $0x10, s13, s16, $0xb8;
	[tilespmem:$0x12C00] =	vst v63  }
0x25: {  	s17 =	simm.s32 $0x4600  }
0x26: {  	[tilespmem:s17], [sflag:$0x1] =	stream.indirect.gather [hbm4b:s4+s16], $0x10, s14, s16, $0xb8;
	[tilespmem:$0x12C00] =	vst v63  }
0x27: {  	s18 =	simm.s32 $0x12600  }
0x28: {  	[tilespmem:s18], [sflag:$0x1] =	stream.indirect.gather [hbm4b:s6+s16], $0x1, s14, s16, $0xb8;
	[tilespmem:$0x12C00] =	vst v63  }
0x29: {  	s19 =	simm.s32 $0xE00  }
0x2a: {  	[tilespmem:s19], [sflag:$0x1] =	stream.indirect.gather [hbm4b:s3+s16], $0x10, s16, s16, $0xb8;
	[tilespmem:$0x12C00] =	vst v63  }
0x2b: {  	s20 =	simm.s32 $0x280;
	s15 =	simm.s32 $0x2E00  }
0x2c: {  	[tilespmem:s15], [sflag:$0x1] =	stream.indirect.gather [hbm4b:s4+s16], $0x10, s20, s16, $0xb8;
	[tilespmem:$0x12C00] =	vst v63  }
0x2d: {  	s17 =	simm.s32 $0x4E00  }
0x2e: {  	[tilespmem:s17], [sflag:$0x1] =	stream.indirect.gather [hbm4b:s4+s16], $0x10, s24, s16, $0xb8;
	[tilespmem:$0x12C00] =	vst v63  }
0x2f: {  	s18 =	simm.s32 $0x12680  }
0x30: {  	[tilespmem:s18], [sflag:$0x1] =	stream.indirect.gather [hbm4b:s6+s16], $0x1, s24, s16, $0xb8;
	[tilespmem:$0x12C00] =	vst v63  }
0x31: {  	s19 =	simm.s32 $0x100;
	s20 =	simm.s32 $0x1600  }
0x32: {  	[tilespmem:s20], [sflag:$0x1] =	stream.indirect.gather [hbm4b:s3+s16], $0x10, s19, s16, $0xb8;
	[tilespmem:$0x12C00] =	vst v63  }
0x33: {  	s17 =	simm.s32 $0x300;
	s18 =	simm.s32 $0x3600  }
0x34: {  	[tilespmem:s18], [sflag:$0x1] =	stream.indirect.gather [hbm4b:s4+s16], $0x10, s17, s16, $0xb8;
	[tilespmem:$0x12C00] =	vst v63  }
0x35: {  	s19 =	simm.s32 $0x5600  }
0x36: {  	[tilespmem:s19], [sflag:$0x1] =	stream.indirect.gather [hbm4b:s4+s16], $0x10, s0, s16, $0xb8;
	[tilespmem:$0x12C00] =	vst v63  }
0x37: {  	s20 =	simm.s32 $0x12700  }
0x38: {  	[tilespmem:s20], [sflag:$0x1] =	stream.indirect.gather [hbm4b:s6+s16], $0x1, s0, s16, $0xb8;
	[tilespmem:$0x12C00] =	vst v63  }
0x39: {  	s15 =	simm.s32 $0x180;
	s17 =	simm.s32 $0x1E00  }
0x3a: {  	[tilespmem:s17], [sflag:$0x1] =	stream.indirect.gather [hbm4b:s3+s16], $0x10, s15, s16, $0xb8;
	[tilespmem:$0x12C00] =	vst v63  }
0x3b: {  	s18 =	simm.s32 $0x380;
	s19 =	simm.s32 $0x3E00  }
0x3c: {  	[tilespmem:s19], [sflag:$0x1] =	stream.indirect.gather [hbm4b:s4+s16], $0x10, s18, s16, $0xb8;
	[tilespmem:$0x12C00] =	vst v63  }
0x3d: {  	_ = 	snop  }
0x3e: {  	[tilespmem:s22], [sflag:$0x1] =	stream.indirect.gather [hbm4b:s4+s16], $0x10, s21, s16, $0xb8;
	[tilespmem:$0x12C00] =	vst v63  }
0x3f: {  	_ = 	snop  }
0x40: {  	[tilespmem:s23], [sflag:$0x1] =	stream.indirect.gather [hbm4b:s6+s16], $0x1, s21, s16, $0xb8;
	[tilespmem:$0x12C00] =	vst v63  }
0x41: {  	_ =	swait.ge [sflag:s25], $0x800  }
0x42: {  	[sflag:s25] =	ssyncset.done $0x0  }
0x43: {  	[sflag:s25] =	ssyncadd.s32 $0xFFFFF800  }
0x44: {  	_ =	swait.ge [sflag:s25], $0x800  }
0x45: {  	[sflag:s25] =	ssyncset.done $0x0  }
0x46: {  	[sflag:s25] =	ssyncadd.s32 $0xFFFFF800  }
0x47: {  	_ =	swait.ge [sflag:s25], $0x800  }
0x48: {  	[sflag:s25] =	ssyncset.done $0x0  }
0x49: {  	[sflag:s25] =	ssyncadd.s32 $0xFFFFF800  }
0x4a: {  	_ =	swait.ge [sflag:s25], $0x80  }
0x4b: {  	[sflag:s25] =	ssyncset.done $0x0  }
0x4c: {  	[sflag:s25] =	ssyncadd.s32 $0xFFFFFF80  }
0x4d: {  	_ =	swait.ge [sflag:s25], $0x800  }
0x4e: {  	[sflag:s25] =	ssyncset.done $0x0  }
0x4f: {  	[sflag:s25] =	ssyncadd.s32 $0xFFFFF800  }
0x50: {  	_ =	swait.ge [sflag:s25], $0x800  }
0x51: {  	[sflag:s25] =	ssyncset.done $0x0  }
0x52: {  	[sflag:s25] =	ssyncadd.s32 $0xFFFFF800  }
0x53: {  	_ =	swait.ge [sflag:s25], $0x800  }
0x54: {  	[sflag:s25] =	ssyncset.done $0x0  }
0x55: {  	[sflag:s25] =	ssyncadd.s32 $0xFFFFF800  }
0x56: {  	_ =	swait.ge [sflag:s25], $0x80  }
0x57: {  	[sflag:s25] =	ssyncset.done $0x0  }
0x58: {  	[sflag:s25] =	ssyncadd.s32 $0xFFFFFF80  }
0x59: {  	_ =	swait.ge [sflag:s25], $0x800  }
0x5a: {  	[sflag:s25] =	ssyncset.done $0x0  }
0x5b: {  	[sflag:s25] =	ssyncadd.s32 $0xFFFFF800  }
0x5c: {  	_ =	swait.ge [sflag:s25], $0x800  }
0x5d: {  	[sflag:s25] =	ssyncset.done $0x0  }
0x5e: {  	[sflag:s25] =	ssyncadd.s32 $0xFFFFF800  }
0x5f: {  	_ =	swait.ge [sflag:s25], $0x800  }
0x60: {  	[sflag:s25] =	ssyncset.done $0x0  }
0x61: {  	[sflag:s25] =	ssyncadd.s32 $0xFFFFF800  }
0x62: {  	_ =	swait.ge [sflag:s25], $0x80  }
0x63: {  	[sflag:s25] =	ssyncset.done $0x0  }
0x64: {  	[sflag:s25] =	ssyncadd.s32 $0xFFFFFF80  }
0x65: {  	_ =	swait.ge [sflag:s25], $0x800  }
0x66: {  	[sflag:s25] =	ssyncset.done $0x0  }
0x67: {  	[sflag:s25] =	ssyncadd.s32 $0xFFFFF800  }
0x68: {  	_ =	swait.ge [sflag:s25], $0x800  }
0x69: {  	[sflag:s25] =	ssyncset.done $0x0  }
0x6a: {  	[sflag:s25] =	ssyncadd.s32 $0xFFFFF800  }
0x6b: {  	_ =	swait.ge [sflag:s25], $0x800  }
0x6c: {  	[sflag:s25] =	ssyncset.done $0x0  }
0x6d: {  	[sflag:s25] =	ssyncadd.s32 $0xFFFFF800  }
0x6e: {  	_ =	swait.ge [sflag:s25], $0x80  }
0x6f: {  	[sflag:s25] =	ssyncset.done $0x0  }
0x70: {  	s20 =	simm.s32 $0x0;
	[sflag:s25] =	ssyncadd.s32 $0xFFFFFF80  }
0x71: {  	v0 =	vld [tilespmem:s20+$0x600];
	_ =	sdelay $0x4  }
0x72: {  	s2 =	simm.s32 $0x6610;
	v1 =	vunpack.i.l.bf16.f32 v0  }
0x73: {  	v0 =	vunpack.i.u.bf16.f32 v0;
	[tilespmem:s2+$0xFFFFFFF0] =	vst v1  }
0x74: {  	[tilespmem:s2+$0x0] =	vst v0  }
0x75: {  	v0 =	vld [tilespmem:s20+$0x2600];
	_ =	sdelay $0x4  }
0x76: {  	s17 =	simm.s32 $0xA610;
	v1 =	vunpack.i.l.bf16.f32 v0  }
0x77: {  	v0 =	vunpack.i.u.bf16.f32 v0;
	[tilespmem:s17+$0xFFFFFFF0] =	vst v1  }
0x78: {  	[tilespmem:s17+$0x0] =	vst v0  }
0x79: {  	s15 =	simm.s32 $0xE610;
	s18 =	simm.s32 $0xE610;
	s19 =	simm.s32 $0x40;
	v0 =	vld [tilespmem:s20+$0x4600]  }
.LBB2_2:
0x7a: {  	_ =	sdelay $0x2  }
0x7b: {  	s17 =	sadd.s32 $0x20, s17;
	s18 =	sadd.s32 $0x20, s18;
	s2 =	sadd.s32 $0x20, s2  }
0x7c: {  	p0 =	sne.s32 s19, $0x7FC0;
	s20 =	smov.u32 s19;
	s19 =	sadd.s32 $0x40, s19;
	v1 =	vunpack.i.u.bf16.f32 v0;
	v0 =	vunpack.i.l.bf16.f32 v0  }
0x7d: {  	[tilespmem:s15+$0xFFFFFFF0] =	vst v0  }
0x7e: {  	s20 =	sshra.s32 s20, $0x2;
	[tilespmem:s15+$0x0] =	vst v1;
	s15 =	smov.u32 s18  }
0x7f: {  	v0 =	vld [tilespmem:s20+$0x600];
	_ =	sdelay $0x4  }
0x80: {  	v1 =	vunpack.i.u.bf16.f32 v0;
	v0 =	vunpack.i.l.bf16.f32 v0  }
0x81: {  	[tilespmem:s2+$0xFFFFFFF0] =	vst v0  }
0x82: {  	[tilespmem:s2+$0x0] =	vst v1  }
0x83: {  	v0 =	vld [tilespmem:s20+$0x2600];
	_ =	sdelay $0x3  }
.Ltmp0:
0x84: {  	(pc) =	sbr.rel @p0 .LBB2_2-.Ltmp0, $4  }
0x85: {  	v1 =	vunpack.i.u.bf16.f32 v0;
	v0 =	vunpack.i.l.bf16.f32 v0  }
0x86: {  	[tilespmem:s17+$0xFFFFFFF0] =	vst v0  }
0x87: {  	[tilespmem:s17+$0x0] =	vst v1  }
0x88: {  	v0 =	vld [tilespmem:s20+$0x4600]  }
0x89: {  	s2 =	simm.s32 $0x0  }
0x8a: {  	v1 =	vmov s2  }
0x8b: {  	v1 =	vshll.u32 v1, $0x5  }
0x8c: {  	v30 =	vor.u32 v2, v1  }
0x8d: {  	v38 =	vor.u32 $0x1F, v30;
	_ =	sdelay $0x1  }
0x8e: {  	v1 =	vunpack.i.l.bf16.f32 v0  }
0x8f: {  	v0 =	vunpack.i.u.bf16.f32 v0;
	[tilespmem:s15+$0xFFFFFFF0] =	vst v1  }
0x90: {  	[tilespmem:s15+$0x0] =	vst v0  }
0x91: {  	v0 =	vld.idx.msk [tilespmem:v38+s29+$0x0], $0xffff;
	_ =	sdelay $0x4  }
0x92: {  	v36 =	vor.u32 $0x1E, v30;
	[tilespmem:$0x1FDB0] =	vst v0;
	v0 =	vld.idx.msk [tilespmem:v38+s26+$0x0], $0xffff;
	_ =	sdelay $0x4  }
0x93: {  	[tilespmem:$0x1FDC0] =	vst v0;
	v0 =	vld.idx.msk [tilespmem:v36+s29+$0x0], $0xffff;
	_ =	sdelay $0x4  }
0x94: {  	v33 =	vor.u32 $0x1D, v30;
	[tilespmem:$0x1FD90] =	vst v0;
	v0 =	vld.idx.msk [tilespmem:v36+s26+$0x0], $0xffff;
	_ =	sdelay $0x4  }
0x95: {  	[tilespmem:$0x1FDA0] =	vst v0;
	v0 =	vld.idx.msk [tilespmem:v33+s29+$0x0], $0xffff;
	_ =	sdelay $0x4  }
0x96: {  	v32 =	vor.u32 $0x1C, v30;
	[tilespmem:$0x1FD70] =	vst v0;
	v0 =	vld.idx.msk [tilespmem:v33+s26+$0x0], $0xffff;
	_ =	sdelay $0x4  }
0x97: {  	[tilespmem:$0x1FD80] =	vst v0;
	v0 =	vld.idx.msk [tilespmem:v32+s29+$0x0], $0xffff;
	_ =	sdelay $0x4  }
0x98: {  	v27 =	vor.u32 $0x1B, v30;
	[tilespmem:$0x1FD50] =	vst v0;
	v0 =	vld.idx.msk [tilespmem:v32+s26+$0x0], $0xffff;
	_ =	sdelay $0x4  }
0x99: {  	[tilespmem:$0x1FD60] =	vst v0;
	v0 =	vld.idx.msk [tilespmem:v27+s29+$0x0], $0xffff;
	_ =	sdelay $0x1  }
0x9a: {  	v22 =	vor.u32 $0xB, v30  }
0x9b: {  	v4 =	vld [tilespmem:$0x12810]  }
0x9c: {  	v23 =	vor.u32 $0xA, v30;
	v3 =	vld [tilespmem:$0x12800]  }
0x9d: {  	v26 =	vor.u32 $0x1A, v30;
	[tilespmem:$0x1FD30] =	vst v0;
	v0 =	vld.idx.msk [tilespmem:v27+s26+$0x0], $0xffff  }
0x9e: {  	v1 =	vld.idx.msk [tilespmem:v30+s29+$0x0], $0xffff  }
0x9f: {  	v20 =	vor.u32 $0x9, v30;
	v40 =	vld.idx.msk [tilespmem:v22+s29+$0x0], $0xffff  }
0xa0: {  	v41 =	vld.idx.msk [tilespmem:v22+s26+$0x0], $0xffff  }
0xa1: {  	v24 =	vor.u32 $0x8, v30;
	v43 =	vld.idx.msk [tilespmem:v23+s29+$0x0], $0xffff  }
0xa2: {  	[tilespmem:$0x1FD40] =	vst v0;
	v0 =	vld.idx.msk [tilespmem:v26+s29+$0x0], $0xffff  }
0xa3: {  	v44 =	vld.idx.msk [tilespmem:v23+s26+$0x0], $0xffff  }
0xa4: {  	v25 =	vor.u32 $0x7, v30;
	v45 =	vld.idx.msk [tilespmem:v20+s29+$0x0], $0xffff  }
0xa5: {  	v46 =	vld.idx.msk [tilespmem:v20+s26+$0x0], $0xffff  }
0xa6: {  	v28 =	vor.u32 $0x6, v30;
	v47 =	vld.idx.msk [tilespmem:v24+s29+$0x0], $0xffff  }
0xa7: {  	v18 =	vor.u32 $0xE, v30;
	[tilespmem:$0x1FD10] =	vst v0;
	v0 =	vld.idx.msk [tilespmem:v26+s26+$0x0], $0xffff  }
0xa8: {  	v48 =	vld.idx.msk [tilespmem:v24+s26+$0x0], $0xffff  }
0xa9: {  	v29 =	vor.u32 $0x5, v30;
	v49 =	vld.idx.msk [tilespmem:v25+s29+$0x0], $0xffff  }
0xaa: {  	v50 =	vld.idx.msk [tilespmem:v25+s26+$0x0], $0xffff  }
0xab: {  	v31 =	vor.u32 $0x4, v30;
	v51 =	vld.idx.msk [tilespmem:v28+s29+$0x0], $0xffff  }
0xac: {  	[tilespmem:$0x1FD20] =	vst v0;
	v0 =	vld.idx.msk [tilespmem:v18+s29+$0x0], $0xffff  }
0xad: {  	v52 =	vld.idx.msk [tilespmem:v28+s26+$0x0], $0xffff  }
0xae: {  	v34 =	vor.u32 $0x3, v30;
	v53 =	vld.idx.msk [tilespmem:v29+s29+$0x0], $0xffff  }
0xaf: {  	v54 =	vld.idx.msk [tilespmem:v29+s26+$0x0], $0xffff  }
0xb0: {  	v55 =	vld.idx.msk [tilespmem:v31+s29+$0x0], $0xffff  }
0xb1: {  	v19 =	vor.u32 $0xD, v30;
	[tilespmem:$0x1FCD0] =	vst v0;
	v0 =	vld.idx.msk [tilespmem:v18+s26+$0x0], $0xffff  }
0xb2: {  	v35 =	vor.u32 $0x2, v30;
	v56 =	vld.idx.msk [tilespmem:v31+s26+$0x0], $0xffff  }
0xb3: {  	v57 =	vld.idx.msk [tilespmem:v34+s28+$0x0], $0xffff  }
0xb4: {  	v37 =	vor.u32 $0x1, v30;
	v58 =	vld.idx.msk [tilespmem:v34+s29+$0x0], $0xffff  }
0xb5: {  	v59 =	vld.idx.msk [tilespmem:v34+s26+$0x0], $0xffff  }
0xb6: {  	[tilespmem:$0x1FCE0] =	vst v0;
	v0 =	vld.idx.msk [tilespmem:v19+s29+$0x0], $0xffff  }
0xb7: {  	v60 =	vld.idx.msk [tilespmem:v35+s29+$0x0], $0xffff  }
0xb8: {  	v61 =	vld.idx.msk [tilespmem:v35+s26+$0x0], $0xffff  }
0xb9: {  	v42 =	vld.idx.msk [tilespmem:v37+s29+$0x0], $0xffff  }
0xba: {  	v62 =	vld.idx.msk [tilespmem:v37+s26+$0x0], $0xffff  }
0xbb: {  	v21 =	vor.u32 $0xC, v30;
	[tilespmem:$0x1FCB0] =	vst v0;
	v0 =	vld.idx.msk [tilespmem:v19+s26+$0x0], $0xffff  }
0xbc: {  	v63 =	vld.idx.msk [tilespmem:v37+s28+$0x0], $0xffff  }
0xbd: {  	v5 =	vld.idx.msk [tilespmem:v35+s28+$0x0], $0xffff  }
0xbe: {  	v8 =	vld.idx.msk [tilespmem:v31+s28+$0x0], $0xffff  }
0xbf: {  	v9 =	vld.idx.msk [tilespmem:v29+s28+$0x0], $0xffff  }
0xc0: {  	[tilespmem:$0x1FCC0] =	vst v0;
	v0 =	vld.idx.msk [tilespmem:v21+s29+$0x0], $0xffff  }
0xc1: {  	v10 =	vld.idx.msk [tilespmem:v28+s28+$0x0], $0xffff  }
0xc2: {  	v11 =	vld.idx.msk [tilespmem:v25+s28+$0x0], $0xffff  }
0xc3: {  	v12 =	vld.idx.msk [tilespmem:v24+s28+$0x0], $0xffff  }
0xc4: {  	v13 =	vld.idx.msk [tilespmem:v20+s28+$0x0], $0xffff  }
0xc5: {  	v20 =	vor.u32 $0x19, v30;
	[tilespmem:$0x1FC90] =	vst v0;
	v0 =	vld.idx.msk [tilespmem:v21+s26+$0x0], $0xffff  }
0xc6: {  	v39 =	vor.u32 $0x15, v30;
	v14 =	vld.idx.msk [tilespmem:v23+s28+$0x0], $0xffff  }
0xc7: {  	v15 =	vld.idx.msk [tilespmem:v22+s28+$0x0], $0xffff  }
0xc8: {  	v23 =	vor.u32 $0x18, v30;
	v16 =	vld.idx.msk [tilespmem:v21+s28+$0x0], $0xffff  }
0xc9: {  	v17 =	vld.idx.msk [tilespmem:v19+s28+$0x0], $0xffff;
	v28 =	vor.u32 $0x17, v30  }
0xca: {  	[tilespmem:$0x1FCA0] =	vst v0;
	v0 =	vld.idx.msk [tilespmem:v20+s29+$0x0], $0xffff  }
0xcb: {  	v35 =	vld.idx.msk [tilespmem:v39+s29+$0x0], $0xffff  }
0xcc: {  	v34 =	vor.u32 $0x16, v30;
	v37 =	vld.idx.msk [tilespmem:v39+s26+$0x0], $0xffff  }
0xcd: {  	v22 =	vld.idx.msk [tilespmem:v23+s26+$0x0], $0xffff  }
0xce: {  	v24 =	vld.idx.msk [tilespmem:v28+s29+$0x0], $0xffff  }
0xcf: {  	[tilespmem:$0x1FCF0] =	vst v0;
	v0 =	vld.idx.msk [tilespmem:v20+s26+$0x0], $0xffff  }
0xd0: {  	v25 =	vld.idx.msk [tilespmem:v28+s26+$0x0], $0xffff  }
0xd1: {  	v29 =	vld.idx.msk [tilespmem:v34+s29+$0x0], $0xffff  }
0xd2: {  	v31 =	vld.idx.msk [tilespmem:v34+s26+$0x0], $0xffff  }
0xd3: {  	v60 =	vsub.f32 v61, v60;
	v61 =	vld [tilespmem:$0x12820]  }
0xd4: {  	[tilespmem:$0x1FD00] =	vst v0;
	v0 =	vld.idx.msk [tilespmem:v30+s26+$0x0], $0xffff  }
0xd5: {  	v49 =	vsub.f32 v50, v49;
	v5 =	vadd.f32 v60, v5;
	v60 =	vld [tilespmem:$0x12830]  }
0xd6: {  	v55 =	vsub.f32 v56, v55;
	v51 =	vsub.f32 v52, v51;
	v19 =	vmov v2;
	v2 =	vld.idx.msk [tilespmem:v30+s28+$0x0], $0xffff  }
0xd7: {  	v11 =	vadd.f32 v49, v11;
	v49 =	vld [tilespmem:$0x128A0]  }
0xd8: {  	v8 =	vadd.f32 v55, v8;
	v10 =	vadd.f32 v51, v10;
	v51 =	vld [tilespmem:$0x128B0]  }
0xd9: {  	v55 =	vld [tilespmem:$0x128C0];
	v0 =	vsub.f32 v0, v1;
	v1 =	vsub.f32 v62, v42  }
0xda: {  	v5 =	vadd.f32 v5, v61;
	v61 =	vld [tilespmem:$0x12870]  }
0xdb: {  	v18 =	vld.idx.msk [tilespmem:v18+s28+$0x0], $0xffff;
	v0 =	vadd.f32 v0, v2;
	v1 =	vadd.f32 v1, v63  }
0xdc: {  	v58 =	vsub.f32 v59, v58;
	v56 =	vld [tilespmem:$0x1FCB0]  }
0xdd: {  	v21 =	vld.idx.msk [tilespmem:v23+s29+$0x0], $0xffff;
	v0 =	vadd.f32 v0, v3;
	v1 =	vadd.f32 v1, v4  }
0xde: {  	v7 =	vor.u32 $0x14, v30;
	v53 =	vsub.f32 v54, v53;
	v63 =	vld [tilespmem:$0x12840]  }
0xdf: {  	v52 =	vld [tilespmem:$0x1FC90];
	v4 =	vadd.f32 v58, v57;
	v0 =	vmul.f32 v0, v0;
	v1 =	vmul.f32 v1, v1  }
0xe0: {  	v6 =	vor.u32 $0x13, v30;
	v9 =	vadd.f32 v53, v9;
	v58 =	vld [tilespmem:$0x12850]  }
0xe1: {  	v53 =	vld [tilespmem:$0x1FCA0];
	v0 =	vadd.f32 v1, v0;
	v1 =	vadd.f32 v4, v60;
	v4 =	vmul.f32 v5, v5  }
0xe2: {  	v60 =	vld [tilespmem:$0x12860]  }
0xe3: {  	v42 =	vld.idx.msk [tilespmem:v7+s29+$0x0], $0xffff;
	v0 =	vadd.f32 v4, v0;
	v4 =	vadd.f32 v8, v63;
	v1 =	vmul.f32 v1, v1  }
0xe4: {  	v59 =	vor.u32 $0x12, v30;
	v62 =	vld [tilespmem:$0x12880]  }
0xe5: {  	v2 =	vld.idx.msk [tilespmem:v7+s26+$0x0], $0xffff;
	v0 =	vadd.f32 v1, v0;
	v1 =	vadd.f32 v9, v58;
	v4 =	vmul.f32 v4, v4  }
0xe6: {  	v54 =	vor.u32 $0x11, v30;
	v47 =	vsub.f32 v48, v47;
	v45 =	vsub.f32 v46, v45;
	v3 =	vld.idx.msk [tilespmem:v6+s29+$0x0], $0xffff  }
0xe7: {  	v57 =	vld.idx.msk [tilespmem:v6+s26+$0x0], $0xffff;
	v0 =	vadd.f32 v4, v0;
	v4 =	vadd.f32 v10, v60;
	v1 =	vmul.f32 v1, v1  }
0xe8: {  	v43 =	vsub.f32 v44, v43;
	v12 =	vadd.f32 v47, v12;
	v63 =	vld [tilespmem:$0x12890]  }
0xe9: {  	v5 =	vld.idx.msk [tilespmem:v59+s29+$0x0], $0xffff;
	v0 =	vadd.f32 v1, v0;
	v1 =	vadd.f32 v11, v61;
	v4 =	vmul.f32 v4, v4  }
0xea: {  	v50 =	vor.u32 $0x10, v30;
	v40 =	vsub.f32 v41, v40;
	v13 =	vadd.f32 v45, v13;
	v8 =	vld.idx.msk [tilespmem:v59+s26+$0x0], $0xffff  }
0xeb: {  	v58 =	vld [tilespmem:$0x1FCC0];
	v0 =	vadd.f32 v4, v0;
	v4 =	vadd.f32 v12, v62;
	v1 =	vmul.f32 v1, v1  }
0xec: {  	v15 =	vadd.f32 v40, v15;
	v40 =	vsub.f32 v53, v52;
	v30 =	vor.u32 $0xF, v30;
	v9 =	vld.idx.msk [tilespmem:v54+s29+$0x0], $0xffff  }
0xed: {  	v10 =	vld.idx.msk [tilespmem:v54+s26+$0x0], $0xffff;
	v0 =	vadd.f32 v1, v0;
	v1 =	vadd.f32 v13, v63;
	v4 =	vmul.f32 v4, v4  }
0xee: {  	v14 =	vadd.f32 v43, v14;
	v60 =	vld [tilespmem:$0x128D0]  }
0xef: {  	v16 =	vadd.f32 v40, v16;
	v11 =	vld.idx.msk [tilespmem:v50+s29+$0x0], $0xffff;
	v0 =	vadd.f32 v4, v0;
	v1 =	vmul.f32 v1, v1  }
0xf0: {  	v61 =	vld [tilespmem:$0x1FCE0];
	v40 =	vsub.f32 v58, v56;
	v4 =	vadd.f32 v14, v49  }
0xf1: {  	v13 =	vld.idx.msk [tilespmem:v30+s29+$0x0], $0xffff;
	v0 =	vadd.f32 v1, v0  }
0xf2: {  	v1 =	vmul.f32 v4, v4;
	v4 =	vadd.f32 v15, v51;
	v15 =	vadd.f32 v40, v17;
	v17 =	vld [tilespmem:$0x1FCD0]  }
0xf3: {  	v14 =	vld.idx.msk [tilespmem:v30+s26+$0x0], $0xffff  }
0xf4: {  	v12 =	vld.idx.msk [tilespmem:v50+s26+$0x0], $0xffff  }
0xf5: {  	v30 =	vld.idx.msk [tilespmem:v30+s28+$0x0], $0xffff  }
0xf6: {  	v62 =	vld [tilespmem:$0x128E0];
	v0 =	vadd.f32 v1, v0;
	v1 =	vmul.f32 v4, v4  }
0xf7: {  	v63 =	vld.idx.msk [tilespmem:v50+s28+$0x0], $0xffff;
	v4 =	vadd.f32 v16, v55;
	v17 =	vsub.f32 v61, v17  }
0xf8: {  	v13 =	vsub.f32 v14, v13;
	v14 =	vld [tilespmem:$0x128F0];
	v0 =	vadd.f32 v1, v0  }
0xf9: {  	v1 =	vmul.f32 v4, v4;
	v4 =	vadd.f32 v15, v60;
	v16 =	vadd.f32 v17, v18;
	v17 =	vld.idx.msk [tilespmem:v54+s28+$0x0], $0xffff  }
0xfa: {  	v11 =	vsub.f32 v12, v11;
	v12 =	vld [tilespmem:$0x12900];
	v13 =	vadd.f32 v13, v30  }
0xfb: {  	v15 =	vld.idx.msk [tilespmem:v59+s28+$0x0], $0xffff;
	v0 =	vadd.f32 v1, v0;
	v1 =	vmul.f32 v4, v4;
	v4 =	vadd.f32 v16, v62  }
0xfc: {  	v9 =	vsub.f32 v10, v9;
	v10 =	vld [tilespmem:$0x12910];
	v11 =	vadd.f32 v11, v63  }
0xfd: {  	v6 =	vld.idx.msk [tilespmem:v6+s28+$0x0], $0xffff;
	v0 =	vadd.f32 v1, v0;
	v1 =	vmul.f32 v4, v4;
	v4 =	vadd.f32 v13, v14  }
0xfe: {  	v5 =	vsub.f32 v8, v5;
	v8 =	vld [tilespmem:$0x12920];
	v9 =	vadd.f32 v9, v17  }
0xff: {  	v7 =	vld.idx.msk [tilespmem:v7+s28+$0x0], $0xffff;
	v0 =	vadd.f32 v1, v0;
	v1 =	vmul.f32 v4, v4;
	v4 =	vadd.f32 v11, v12  }
0x100: {  	v3 =	vsub.f32 v57, v3;
	v5 =	vadd.f32 v5, v15;
	v11 =	vld [tilespmem:$0x12930]  }
0x101: {  	v12 =	vld.idx.msk [tilespmem:v39+s28+$0x0], $0xffff;
	v0 =	vadd.f32 v1, v0;
	v1 =	vmul.f32 v4, v4;
	v4 =	vadd.f32 v9, v10  }
0x102: {  	v2 =	vsub.f32 v2, v42;
	v3 =	vadd.f32 v3, v6;
	v6 =	vld [tilespmem:$0x12940]  }
0x103: {  	v9 =	vld.idx.msk [tilespmem:v34+s28+$0x0], $0xffff;
	v0 =	vadd.f32 v1, v0;
	v1 =	vmul.f32 v4, v4;
	v4 =	vadd.f32 v5, v8  }
0x104: {  	v2 =	vadd.f32 v2, v7;
	v7 =	vld [tilespmem:$0x12950];
	v5 =	vsub.f32 v37, v35  }
0x105: {  	v8 =	vld.idx.msk [tilespmem:v28+s28+$0x0], $0xffff;
	v3 =	vadd.f32 v3, v11;
	v0 =	vadd.f32 v1, v0;
	v1 =	vmul.f32 v4, v4  }
0x106: {  	v10 =	vld [tilespmem:$0x12960];
	v4 =	vadd.f32 v5, v12;
	v5 =	vsub.f32 v31, v29  }
0x107: {  	v2 =	vadd.f32 v2, v6;
	v11 =	vld.idx.msk [tilespmem:v23+s28+$0x0], $0xffff;
	v0 =	vadd.f32 v1, v0;
	v1 =	vmul.f32 v3, v3  }
0x108: {  	v3 =	vadd.f32 v5, v9;
	v5 =	vsub.f32 v25, v24  }
0x109: {  	v0 =	vadd.f32 v1, v0;
	v1 =	vmul.f32 v2, v2;
	v2 =	vadd.f32 v4, v7  }
0x10a: {  	v4 =	vadd.f32 v5, v8;
	v5 =	vsub.f32 v22, v21  }
0x10b: {  	v0 =	vadd.f32 v1, v0  }
0x10c: {  	v1 =	vmul.f32 v2, v2;
	v2 =	vadd.f32 v3, v10;
	v3 =	vadd.f32 v5, v11;
	v5 =	vld [tilespmem:$0x1FCF0]  }
0x10d: {  	v10 =	vld [tilespmem:$0x1FD00]  }
0x10e: {  	v6 =	vld [tilespmem:$0x12970]  }
0x10f: {  	v9 =	vld.idx.msk [tilespmem:v20+s28+$0x0], $0xffff;
	_ =	sdelay $0x2  }
0x110: {  	v5 =	vsub.f32 v10, v5  }
0x111: {  	v0 =	vadd.f32 v1, v0;
	v1 =	vmul.f32 v2, v2;
	v2 =	vadd.f32 v4, v6;
	v6 =	vld [tilespmem:$0x1FD20]  }
0x112: {  	v4 =	vadd.f32 v5, v9;
	v5 =	vld [tilespmem:$0x1FD10]  }
0x113: {  	v7 =	vld [tilespmem:$0x12980]  }
0x114: {  	v8 =	vld.idx.msk [tilespmem:v26+s28+$0x0], $0xffff;
	_ =	sdelay $0x2  }
0x115: {  	v5 =	vsub.f32 v6, v5  }
0x116: {  	v0 =	vadd.f32 v1, v0;
	v1 =	vmul.f32 v2, v2;
	v2 =	vadd.f32 v3, v7;
	v7 =	vld [tilespmem:$0x1FD40]  }
0x117: {  	v3 =	vadd.f32 v5, v8;
	v5 =	vld [tilespmem:$0x1FD30]  }
0x118: {  	v10 =	vld [tilespmem:$0x12990]  }
0x119: {  	v11 =	vld.idx.msk [tilespmem:v27+s28+$0x0], $0xffff;
	_ =	sdelay $0x2  }
0x11a: {  	v5 =	vsub.f32 v7, v5  }
0x11b: {  	v0 =	vadd.f32 v1, v0;
	v1 =	vmul.f32 v2, v2;
	v2 =	vadd.f32 v4, v10;
	v10 =	vld [tilespmem:$0x1FD60]  }
0x11c: {  	v4 =	vadd.f32 v5, v11;
	v5 =	vld [tilespmem:$0x1FD50]  }
0x11d: {  	v6 =	vld [tilespmem:$0x129A0]  }
0x11e: {  	v9 =	vld.idx.msk [tilespmem:v32+s28+$0x0], $0xffff;
	_ =	sdelay $0x2  }
0x11f: {  	v5 =	vsub.f32 v10, v5  }
0x120: {  	v0 =	vadd.f32 v1, v0;
	v1 =	vmul.f32 v2, v2;
	v2 =	vadd.f32 v3, v6;
	v6 =	vld [tilespmem:$0x1FD80]  }
0x121: {  	v3 =	vadd.f32 v5, v9;
	v5 =	vld [tilespmem:$0x1FD70]  }
0x122: {  	v7 =	vld [tilespmem:$0x129B0]  }
0x123: {  	v8 =	vld.idx.msk [tilespmem:v33+s28+$0x0], $0xffff;
	_ =	sdelay $0x2  }
0x124: {  	v5 =	vsub.f32 v6, v5  }
0x125: {  	v0 =	vadd.f32 v1, v0;
	v1 =	vmul.f32 v2, v2;
	v2 =	vadd.f32 v4, v7;
	v7 =	vld [tilespmem:$0x1FDA0]  }
0x126: {  	v4 =	vadd.f32 v5, v8;
	v5 =	vld [tilespmem:$0x1FD90]  }
0x127: {  	v11 =	vld.idx.msk [tilespmem:v36+s28+$0x0], $0xffff  }
0x128: {  	v10 =	vld [tilespmem:$0x129C0];
	_ =	sdelay $0x2  }
0x129: {  	v5 =	vsub.f32 v7, v5  }
0x12a: {  	v0 =	vadd.f32 v1, v0;
	v8 =	vld [tilespmem:$0x1FDC0]  }
0x12b: {  	v1 =	vmul.f32 v2, v2;
	v2 =	vadd.f32 v3, v10;
	v3 =	vadd.f32 v5, v11;
	v5 =	vld [tilespmem:$0x1FDB0]  }
0x12c: {  	v6 =	vld [tilespmem:$0x129D0]  }
0x12d: {  	v9 =	vld.idx.msk [tilespmem:v38+s28+$0x0], $0xffff  }
0x12e: {  	v7 =	vld [tilespmem:$0x129E0];
	_ =	sdelay $0x1  }
0x12f: {  	v0 =	vadd.f32 v1, v0;
	v1 =	vmul.f32 v2, v2;
	v5 =	vsub.f32 v8, v5;
	v8 =	vld [tilespmem:$0x129F0]  }
0x130: {  	v2 =	vadd.f32 v4, v6  }
0x131: {  	v0 =	vadd.f32 v1, v0  }
0x132: {  	v1 =	vmul.f32 v2, v2;
	v2 =	vadd.f32 v3, v7;
	v4 =	vadd.f32 v5, v9;
	_ =	sdelay $0x1  }
0x133: {  	v0 =	vadd.f32 v1, v0;
	v1 =	vmul.f32 v2, v2;
	v2 =	vadd.f32 v4, v8;
	_ =	sdelay $0x1  }
0x134: {  	v0 =	vadd.f32 v1, v0;
	v1 =	vmul.f32 v2, v2;
	_ =	sdelay $0x1  }
0x135: {  	v0 =	vadd.f32 v1, v0;
	_ =	sdelay $0x1  }
0x136: {  	v1 =	vmax.f32 v0, $1.000000000e-30  }
0x137: {  	v2 =	vshra.s32 v1, $0x1;
	v1 =	vmul.f32 $5.000000000e-01, v1  }
0x138: {  	v2 =	vsub.s32 $0x5F3759DF, v2  }
0x139: {  	v3 =	vmul.f32 v2, v1;
	_ =	sdelay $0x1  }
0x13a: {  	v3 =	vmul.f32 v2, v3;
	_ =	sdelay $0x1  }
0x13b: {  	v3 =	vsub.f32 $1.500000000e+00, v3;
	_ =	sdelay $0x1  }
0x13c: {  	v2 =	vmul.f32 v2, v3;
	_ =	sdelay $0x1  }
0x13d: {  	v3 =	vmul.f32 v2, v1;
	_ =	sdelay $0x1  }
0x13e: {  	v3 =	vmul.f32 v3, v2;
	_ =	sdelay $0x1  }
0x13f: {  	v3 =	vsub.f32 $1.500000000e+00, v3;
	_ =	sdelay $0x1  }
0x140: {  	v2 =	vmul.f32 v3, v2;
	_ =	sdelay $0x1  }
0x141: {  	v1 =	vmul.f32 v2, v1;
	_ =	sdelay $0x1  }
0x142: {  	v1 =	vmul.f32 v1, v2;
	_ =	sdelay $0x1  }
0x143: {  	s20 =	simm.s32 $0x10;
	s2 =	simm.s32 $0x12600;
	v1 =	vsub.f32 $1.500000000e+00, v1  }
0x144: {  	v4 =	vld [tilespmem:s2+$0x0];
	v3 =	vmov s20  }
0x145: {  	v3 =	vshll.u32 v3, $0x5;
	v1 =	vmul.f32 v1, v2  }
0x146: {  	v59 =	vor.u32 v19, v3  }
0x147: {  	v2 =	vor.u32 $0x1F, v59;
	v0 =	vmul.f32 v1, v0;
	_ =	sdelay $0x1  }
0x148: {  	v0 =	vsub.f32 v4, v0  }
0x149: {  	s15 =	simm.s32 $0x12A00  }
0x14a: {  	[tilespmem:s15+$0x0] =	vst v0  }
0x14b: {  	v0 =	vld.idx.msk [tilespmem:v2+s29+$0x0], $0xffff;
	_ =	sdelay $0x4  }
0x14c: {  	v1 =	vor.u32 $0x1E, v59;
	[tilespmem:$0x1FDD0] =	vst v0;
	v0 =	vld.idx.msk [tilespmem:v2+s26+$0x0], $0xffff;
	_ =	sdelay $0x4  }
0x14d: {  	[tilespmem:$0x1FDF0] =	vst v0;
	v0 =	vld.idx.msk [tilespmem:v1+s29+$0x0], $0xffff;
	_ =	sdelay $0x4  }
0x14e: {  	v3 =	vor.u32 $0x1D, v59;
	[tilespmem:$0x1FE00] =	vst v0;
	v0 =	vld.idx.msk [tilespmem:v1+s26+$0x0], $0xffff;
	_ =	sdelay $0x4  }
0x14f: {  	[tilespmem:$0x1FE20] =	vst v0;
	v0 =	vld.idx.msk [tilespmem:v3+s29+$0x0], $0xffff;
	_ =	sdelay $0x4  }
0x150: {  	v4 =	vor.u32 $0x1C, v59;
	[tilespmem:$0x1FE30] =	vst v0;
	v0 =	vld.idx.msk [tilespmem:v3+s26+$0x0], $0xffff;
	_ =	sdelay $0x4  }
0x151: {  	[tilespmem:$0x1FE50] =	vst v0;
	v0 =	vld.idx.msk [tilespmem:v4+s29+$0x0], $0xffff;
	_ =	sdelay $0x3  }
0x152: {  	[tilespmem:$0x1FDE0] =	vst v2  }
0x153: {  	v2 =	vor.u32 $0x1B, v59;
	[tilespmem:$0x1FE60] =	vst v0;
	v0 =	vld.idx.msk [tilespmem:v4+s26+$0x0], $0xffff;
	_ =	sdelay $0x4  }
0x154: {  	[tilespmem:$0x1FE80] =	vst v0;
	v0 =	vld.idx.msk [tilespmem:v2+s29+$0x0], $0xffff;
	_ =	sdelay $0x4  }
0x155: {  	v18 =	vor.u32 $0x1A, v59;
	[tilespmem:$0x1FE90] =	vst v0;
	v0 =	vld.idx.msk [tilespmem:v2+s26+$0x0], $0xffff;
	_ =	sdelay $0x4  }
0x156: {  	[tilespmem:$0x1FEB0] =	vst v0;
	v0 =	vld.idx.msk [tilespmem:v18+s29+$0x0], $0xffff;
	_ =	sdelay $0x4  }
0x157: {  	v21 =	vor.u32 $0x19, v59;
	[tilespmem:$0x1FEC0] =	vst v0;
	v0 =	vld.idx.msk [tilespmem:v18+s26+$0x0], $0xffff;
	_ =	sdelay $0x4  }
0x158: {  	[tilespmem:$0x1FED0] =	vst v0;
	v0 =	vld.idx.msk [tilespmem:v21+s29+$0x0], $0xffff;
	_ =	sdelay $0x4  }
0x159: {  	v24 =	vor.u32 $0x18, v59;
	[tilespmem:$0x1FEE0] =	vst v0;
	v0 =	vld.idx.msk [tilespmem:v21+s26+$0x0], $0xffff;
	_ =	sdelay $0x4  }
0x15a: {  	[tilespmem:$0x1FEF0] =	vst v0;
	v0 =	vld.idx.msk [tilespmem:v24+s29+$0x0], $0xffff;
	_ =	sdelay $0x4  }
0x15b: {  	v27 =	vor.u32 $0x17, v59;
	[tilespmem:$0x1FF00] =	vst v0;
	v0 =	vld.idx.msk [tilespmem:v24+s26+$0x0], $0xffff;
	_ =	sdelay $0x4  }
0x15c: {  	[tilespmem:$0x1FF10] =	vst v0;
	v0 =	vld.idx.msk [tilespmem:v27+s29+$0x0], $0xffff;
	_ =	sdelay $0x4  }
0x15d: {  	v30 =	vor.u32 $0x16, v59;
	[tilespmem:$0x1FF20] =	vst v0;
	v0 =	vld.idx.msk [tilespmem:v27+s26+$0x0], $0xffff;
	_ =	sdelay $0x4  }
0x15e: {  	[tilespmem:$0x1FF30] =	vst v0;
	v0 =	vld.idx.msk [tilespmem:v30+s29+$0x0], $0xffff;
	_ =	sdelay $0x4  }
0x15f: {  	v33 =	vor.u32 $0x15, v59;
	[tilespmem:$0x1FF40] =	vst v0;
	v0 =	vld.idx.msk [tilespmem:v30+s26+$0x0], $0xffff;
	_ =	sdelay $0x4  }
0x160: {  	[tilespmem:$0x1FF50] =	vst v0;
	v0 =	vld.idx.msk [tilespmem:v33+s29+$0x0], $0xffff;
	_ =	sdelay $0x4  }
0x161: {  	v36 =	vor.u32 $0x14, v59;
	[tilespmem:$0x1FF60] =	vst v0;
	v0 =	vld.idx.msk [tilespmem:v33+s26+$0x0], $0xffff;
	_ =	sdelay $0x4  }
0x162: {  	[tilespmem:$0x1FF70] =	vst v0;
	v0 =	vld.idx.msk [tilespmem:v36+s29+$0x0], $0xffff;
	_ =	sdelay $0x3  }
0x163: {  	v45 =	vor.u32 $0x11, v59  }
0x164: {  	v39 =	vor.u32 $0x13, v59;
	[tilespmem:$0x1FF80] =	vst v0;
	v0 =	vld.idx.msk [tilespmem:v36+s26+$0x0], $0xffff  }
0x165: {  	v48 =	vor.u32 $0x10, v59;
	_ =	sdelay $0x1  }
0x166: {  	v51 =	vor.u32 $0xF, v59  }
0x167: {  	v44 =	vld.idx.msk [tilespmem:v45+s26+$0x0], $0xffff  }
0x168: {  	[tilespmem:$0x1FF90] =	vst v0;
	v0 =	vld.idx.msk [tilespmem:v39+s29+$0x0], $0xffff  }
0x169: {  	v54 =	vor.u32 $0xE, v59;
	v46 =	vld.idx.msk [tilespmem:v48+s29+$0x0], $0xffff  }
0x16a: {  	v47 =	vld.idx.msk [tilespmem:v48+s26+$0x0], $0xffff  }
0x16b: {  	v57 =	vor.u32 $0xD, v59;
	v49 =	vld.idx.msk [tilespmem:v51+s29+$0x0], $0xffff  }
0x16c: {  	v50 =	vld.idx.msk [tilespmem:v51+s26+$0x0], $0xffff  }
0x16d: {  	v42 =	vor.u32 $0x12, v59;
	[tilespmem:$0x1FFA0] =	vst v0;
	v0 =	vld.idx.msk [tilespmem:v39+s26+$0x0], $0xffff  }
0x16e: {  	v61 =	vor.u32 $0xC, v59;
	v52 =	vld.idx.msk [tilespmem:v54+s29+$0x0], $0xffff  }
0x16f: {  	v53 =	vld.idx.msk [tilespmem:v54+s26+$0x0], $0xffff  }
0x170: {  	v8 =	vor.u32 $0x9, v59;
	v55 =	vld.idx.msk [tilespmem:v57+s29+$0x0], $0xffff  }
0x171: {  	v56 =	vld.idx.msk [tilespmem:v57+s26+$0x0], $0xffff  }
0x172: {  	[tilespmem:$0x1FFB0] =	vst v0;
	v0 =	vld.idx.msk [tilespmem:v42+s29+$0x0], $0xffff  }
0x173: {  	v13 =	vor.u32 $0x8, v59;
	v58 =	vld.idx.msk [tilespmem:v61+s29+$0x0], $0xffff  }
0x174: {  	v60 =	vld.idx.msk [tilespmem:v61+s26+$0x0], $0xffff  }
0x175: {  	v17 =	vor.u32 $0x7, v59;
	v5 =	vld.idx.msk [tilespmem:v8+s29+$0x0], $0xffff  }
0x176: {  	v7 =	vld.idx.msk [tilespmem:v8+s26+$0x0], $0xffff  }
0x177: {  	[tilespmem:$0x1FFC0] =	vst v0;
	v0 =	vld.idx.msk [tilespmem:v42+s26+$0x0], $0xffff  }
0x178: {  	v22 =	vor.u32 $0x6, v59;
	v10 =	vld.idx.msk [tilespmem:v13+s29+$0x0], $0xffff  }
0x179: {  	v11 =	vld.idx.msk [tilespmem:v13+s26+$0x0], $0xffff  }
0x17a: {  	v26 =	vor.u32 $0x5, v59;
	v14 =	vld.idx.msk [tilespmem:v17+s29+$0x0], $0xffff  }
0x17b: {  	v16 =	vld.idx.msk [tilespmem:v17+s26+$0x0], $0xffff  }
0x17c: {  	v31 =	vor.u32 $0x4, v59;
	[tilespmem:$0x1FFD0] =	vst v0;
	v0 =	vld.idx.msk [tilespmem:v45+s29+$0x0], $0xffff  }
0x17d: {  	v19 =	vld.idx.msk [tilespmem:v22+s29+$0x0], $0xffff  }
0x17e: {  	v34 =	vor.u32 $0x3, v59;
	v20 =	vld.idx.msk [tilespmem:v22+s26+$0x0], $0xffff  }
0x17f: {  	[tilespmem:$0x1FE70] =	vst v4;
	v23 =	vld.idx.msk [tilespmem:v26+s29+$0x0], $0xffff;
	v4 =	vor.u32 $0xA, v59  }
0x180: {  	v25 =	vld.idx.msk [tilespmem:v26+s26+$0x0], $0xffff  }
0x181: {  	v28 =	vld.idx.msk [tilespmem:v31+s29+$0x0], $0xffff;
	[tilespmem:$0x1FFE0] =	vst v0;
	v0 =	vor.u32 $0xB, v59  }
0x182: {  	v29 =	vld.idx.msk [tilespmem:v31+s26+$0x0], $0xffff  }
0x183: {  	v32 =	vld.idx.msk [tilespmem:v34+s28+$0x0], $0xffff  }
0x184: {  	[tilespmem:$0x1FE10] =	vst v1;
	v1 =	vld.idx.msk [tilespmem:v4+s29+$0x0], $0xffff  }
0x185: {  	[tilespmem:$0x1FEA0] =	vst v2;
	v2 =	vld.idx.msk [tilespmem:v4+s26+$0x0], $0xffff  }
0x186: {  	v62 =	vld.idx.msk [tilespmem:v0+s29+$0x0], $0xffff  }
0x187: {  	s17 =	simm.s32 $0x20;
	v35 =	vor.u32 $0x1, v59;
	[tilespmem:$0x1FE40] =	vst v3;
	v3 =	vor.u32 $0x2, v59;
	v63 =	vld.idx.msk [tilespmem:v0+s26+$0x0], $0xffff  }
.LBB2_4:
0x188: {  	_ =	sdelay $0x1  }
0x189: {  	v6 =	vld.idx.msk [tilespmem:v34+s29+$0x0], $0xffff  }
0x18a: {  	v34 =	vld.idx.msk [tilespmem:v34+s26+$0x0], $0xffff  }
0x18b: {  	v37 =	vld.idx.msk [tilespmem:v3+s29+$0x0], $0xffff  }
0x18c: {  	v38 =	vld.idx.msk [tilespmem:v3+s26+$0x0], $0xffff  }
0x18d: {  	v9 =	vld.idx.msk [tilespmem:v35+s29+$0x0], $0xffff  }
0x18e: {  	v12 =	vld.idx.msk [tilespmem:v35+s26+$0x0], $0xffff  }
0x18f: {  	v40 =	vld.idx.msk [tilespmem:v59+s29+$0x0], $0xffff  }
0x190: {  	v41 =	vld.idx.msk [tilespmem:v59+s26+$0x0], $0xffff  }
0x191: {  	v35 =	vld.idx.msk [tilespmem:v35+s28+$0x0], $0xffff  }
0x192: {  	v59 =	vld.idx.msk [tilespmem:v59+s28+$0x0], $0xffff  }
0x193: {  	v3 =	vld.idx.msk [tilespmem:v3+s28+$0x0], $0xffff  }
0x194: {  	v15 =	vld [tilespmem:$0x12810]  }
0x195: {  	v43 =	vld [tilespmem:$0x12800]  }
0x196: {  	v40 =	vsub.f32 v41, v40;
	v9 =	vsub.f32 v12, v9;
	v12 =	vld.idx.msk [tilespmem:v31+s28+$0x0], $0xffff  }
0x197: {  	v31 =	vsub.f32 v38, v37;
	v37 =	vld [tilespmem:$0x12820]  }
0x198: {  	v26 =	vld.idx.msk [tilespmem:v26+s28+$0x0], $0xffff;
	v41 =	vadd.f32 v40, v59;
	v9 =	vadd.f32 v9, v35  }
0x199: {  	v6 =	vsub.f32 v34, v6;
	v3 =	vadd.f32 v31, v3;
	v31 =	vld [tilespmem:$0x12830]  }
0x19a: {  	v59 =	vadd.f32 v41, v43;
	v9 =	vadd.f32 v9, v15;
	v15 =	vld.idx.msk [tilespmem:v22+s28+$0x0], $0xffff  }
0x19b: {  	v6 =	vadd.f32 v6, v32;
	v22 =	vsub.f32 v29, v28;
	v28 =	vld [tilespmem:$0x12840]  }
0x19c: {  	v3 =	vadd.f32 v3, v37;
	v29 =	vmul.f32 v59, v59;
	v9 =	vmul.f32 v9, v9  }
0x19d: {  	v12 =	vadd.f32 v22, v12;
	v22 =	vsub.f32 v25, v23;
	v23 =	vld [tilespmem:$0x12850]  }
0x19e: {  	v17 =	vld.idx.msk [tilespmem:v17+s28+$0x0], $0xffff;
	v3 =	vmul.f32 v3, v3;
	v6 =	vadd.f32 v6, v31;
	v9 =	vadd.f32 v9, v29  }
0x19f: {  	v19 =	vsub.f32 v20, v19;
	v20 =	vld [tilespmem:$0x12860];
	v22 =	vadd.f32 v22, v26  }
0x1a0: {  	v13 =	vld.idx.msk [tilespmem:v13+s28+$0x0], $0xffff;
	v6 =	vmul.f32 v6, v6;
	v3 =	vadd.f32 v3, v9;
	v9 =	vadd.f32 v12, v28  }
0x1a1: {  	v14 =	vsub.f32 v16, v14;
	v12 =	vadd.f32 v19, v15;
	v15 =	vld [tilespmem:$0x12870]  }
0x1a2: {  	v8 =	vld.idx.msk [tilespmem:v8+s28+$0x0], $0xffff;
	v3 =	vadd.f32 v6, v3;
	v6 =	vmul.f32 v9, v9;
	v9 =	vadd.f32 v22, v23  }
0x1a3: {  	v10 =	vsub.f32 v11, v10;
	v11 =	vld [tilespmem:$0x12880];
	v14 =	vadd.f32 v14, v17  }
0x1a4: {  	v4 =	vld.idx.msk [tilespmem:v4+s28+$0x0], $0xffff;
	v3 =	vadd.f32 v6, v3;
	v6 =	vmul.f32 v9, v9;
	v9 =	vadd.f32 v12, v20  }
0x1a5: {  	v5 =	vsub.f32 v7, v5;
	v7 =	vld [tilespmem:$0x12890];
	v10 =	vadd.f32 v10, v13  }
0x1a6: {  	v3 =	vadd.f32 v6, v3;
	v6 =	vmul.f32 v9, v9;
	v9 =	vadd.f32 v14, v15  }
0x1a7: {  	v1 =	vsub.f32 v2, v1;
	v2 =	vld [tilespmem:$0x128A0];
	v5 =	vadd.f32 v5, v8  }
0x1a8: {  	v0 =	vld.idx.msk [tilespmem:v0+s28+$0x0], $0xffff;
	v8 =	vadd.f32 v10, v11;
	v3 =	vadd.f32 v6, v3;
	v6 =	vmul.f32 v9, v9  }
0x1a9: {  	v1 =	vadd.f32 v1, v4  }
0x1aa: {  	v5 =	vadd.f32 v5, v7;
	v12 =	vld.idx.msk [tilespmem:v61+s28+$0x0], $0xffff;
	v3 =	vadd.f32 v6, v3;
	v6 =	vmul.f32 v8, v8  }
0x1ab: {  	v4 =	vsub.f32 v63, v62  }
0x1ac: {  	v1 =	vadd.f32 v1, v2;
	v5 =	vmul.f32 v5, v5;
	v8 =	vld [tilespmem:$0x128C0];
	v3 =	vadd.f32 v6, v3  }
0x1ad: {  	v0 =	vadd.f32 v4, v0;
	v4 =	vsub.f32 v60, v58  }
0x1ae: {  	v2 =	vld.idx.msk [tilespmem:v51+s28+$0x0], $0xffff;
	v1 =	vmul.f32 v1, v1;
	v3 =	vadd.f32 v5, v3  }
0x1af: {  	v9 =	vld.idx.msk [tilespmem:v57+s28+$0x0], $0xffff;
	v4 =	vadd.f32 v4, v12  }
0x1b0: {  	v5 =	vld.idx.msk [tilespmem:v48+s28+$0x0], $0xffff;
	v1 =	vadd.f32 v1, v3  }
0x1b1: {  	v7 =	vld.idx.msk [tilespmem:v54+s28+$0x0], $0xffff;
	v3 =	vadd.f32 v4, v8;
	v8 =	vsub.f32 v50, v49  }
0x1b2: {  	v10 =	vld [tilespmem:$0x128B0];
	v6 =	vsub.f32 v56, v55  }
0x1b3: {  	v2 =	vadd.f32 v8, v2;
	v8 =	vsub.f32 v47, v46  }
0x1b4: {  	v11 =	vld [tilespmem:$0x128D0];
	v6 =	vadd.f32 v6, v9;
	v9 =	vsub.f32 v53, v52  }
0x1b5: {  	v5 =	vadd.f32 v8, v5;
	v8 =	vld [tilespmem:$0x1FFE0]  }
0x1b6: {  	v7 =	vadd.f32 v9, v7;
	v9 =	vld [tilespmem:$0x128F0]  }
0x1b7: {  	v0 =	vadd.f32 v0, v10;
	v4 =	vld.idx.msk [tilespmem:v45+s28+$0x0], $0xffff;
	_ =	sdelay $0x1  }
0x1b8: {  	v10 =	vld [tilespmem:$0x128E0];
	v0 =	vmul.f32 v0, v0  }
0x1b9: {  	v8 =	vsub.f32 v44, v8  }
0x1ba: {  	v0 =	vadd.f32 v0, v1;
	v2 =	vadd.f32 v2, v9;
	v9 =	vld [tilespmem:$0x1FFD0]  }
0x1bb: {  	v1 =	vmul.f32 v3, v3;
	v3 =	vadd.f32 v6, v11;
	v4 =	vadd.f32 v8, v4;
	v8 =	vld [tilespmem:$0x1FFC0]  }
0x1bc: {  	v11 =	vld [tilespmem:$0x12900]  }
0x1bd: {  	v6 =	vld.idx.msk [tilespmem:v42+s28+$0x0], $0xffff;
	v0 =	vadd.f32 v1, v0;
	v1 =	vmul.f32 v3, v3;
	v3 =	vadd.f32 v7, v10;
	_ =	sdelay $0x1  }
0x1be: {  	v0 =	vadd.f32 v1, v0;
	v1 =	vmul.f32 v3, v3  }
0x1bf: {  	v8 =	vsub.f32 v9, v8  }
0x1c0: {  	v0 =	vadd.f32 v1, v0;
	v1 =	vmul.f32 v2, v2;
	v2 =	vadd.f32 v5, v11;
	v11 =	vld [tilespmem:$0x1FFB0]  }
0x1c1: {  	v6 =	vadd.f32 v8, v6;
	v8 =	vld [tilespmem:$0x1FFA0]  }
0x1c2: {  	v10 =	vld [tilespmem:$0x12910]  }
0x1c3: {  	v7 =	vld.idx.msk [tilespmem:v39+s28+$0x0], $0xffff;
	_ =	sdelay $0x2  }
0x1c4: {  	v8 =	vsub.f32 v11, v8  }
0x1c5: {  	v0 =	vadd.f32 v1, v0;
	v1 =	vmul.f32 v2, v2;
	v2 =	vadd.f32 v4, v10;
	v10 =	vld [tilespmem:$0x1FF90]  }
0x1c6: {  	v7 =	vadd.f32 v8, v7;
	v8 =	vld [tilespmem:$0x1FF80]  }
0x1c7: {  	v9 =	vld [tilespmem:$0x12920]  }
0x1c8: {  	v3 =	vld.idx.msk [tilespmem:v36+s28+$0x0], $0xffff;
	_ =	sdelay $0x2  }
0x1c9: {  	v8 =	vsub.f32 v10, v8  }
0x1ca: {  	v0 =	vadd.f32 v1, v0;
	v1 =	vmul.f32 v2, v2;
	v2 =	vadd.f32 v6, v9;
	v9 =	vld [tilespmem:$0x1FF70]  }
0x1cb: {  	v3 =	vadd.f32 v8, v3;
	v8 =	vld [tilespmem:$0x1FF60]  }
0x1cc: {  	v11 =	vld [tilespmem:$0x12930]  }
0x1cd: {  	v5 =	vld.idx.msk [tilespmem:v33+s28+$0x0], $0xffff;
	_ =	sdelay $0x2  }
0x1ce: {  	v8 =	vsub.f32 v9, v8  }
0x1cf: {  	v0 =	vadd.f32 v1, v0;
	v1 =	vmul.f32 v2, v2;
	v2 =	vadd.f32 v7, v11;
	v11 =	vld [tilespmem:$0x1FF50]  }
0x1d0: {  	v5 =	vadd.f32 v8, v5;
	v8 =	vld [tilespmem:$0x1FF40]  }
0x1d1: {  	v10 =	vld [tilespmem:$0x12940]  }
0x1d2: {  	v4 =	vld.idx.msk [tilespmem:v30+s28+$0x0], $0xffff;
	_ =	sdelay $0x2  }
0x1d3: {  	v8 =	vsub.f32 v11, v8  }
0x1d4: {  	v0 =	vadd.f32 v1, v0;
	v1 =	vmul.f32 v2, v2;
	v2 =	vadd.f32 v3, v10;
	v10 =	vld [tilespmem:$0x1FF30]  }
0x1d5: {  	v4 =	vadd.f32 v8, v4;
	v8 =	vld [tilespmem:$0x1FF20]  }
0x1d6: {  	v9 =	vld [tilespmem:$0x12950]  }
0x1d7: {  	v6 =	vld.idx.msk [tilespmem:v27+s28+$0x0], $0xffff;
	_ =	sdelay $0x2  }
0x1d8: {  	v8 =	vsub.f32 v10, v8  }
0x1d9: {  	v0 =	vadd.f32 v1, v0;
	v1 =	vmul.f32 v2, v2;
	v2 =	vadd.f32 v5, v9;
	v9 =	vld [tilespmem:$0x1FF10]  }
0x1da: {  	v6 =	vadd.f32 v8, v6;
	v8 =	vld [tilespmem:$0x1FF00]  }
0x1db: {  	v11 =	vld [tilespmem:$0x12960]  }
0x1dc: {  	v7 =	vld.idx.msk [tilespmem:v24+s28+$0x0], $0xffff;
	_ =	sdelay $0x2  }
0x1dd: {  	v8 =	vsub.f32 v9, v8  }
0x1de: {  	v0 =	vadd.f32 v1, v0;
	v1 =	vmul.f32 v2, v2;
	v2 =	vadd.f32 v4, v11;
	v11 =	vld [tilespmem:$0x1FEF0]  }
0x1df: {  	v7 =	vadd.f32 v8, v7;
	v8 =	vld [tilespmem:$0x1FEE0]  }
0x1e0: {  	v10 =	vld [tilespmem:$0x12970]  }
0x1e1: {  	v3 =	vld.idx.msk [tilespmem:v21+s28+$0x0], $0xffff;
	_ =	sdelay $0x2  }
0x1e2: {  	v4 =	vld [tilespmem:$0x1FEA0];
	v8 =	vsub.f32 v11, v8  }
0x1e3: {  	v0 =	vadd.f32 v1, v0;
	v1 =	vmul.f32 v2, v2;
	v2 =	vadd.f32 v6, v10;
	v10 =	vld [tilespmem:$0x1FED0]  }
0x1e4: {  	v3 =	vadd.f32 v8, v3;
	v8 =	vld [tilespmem:$0x1FEC0]  }
0x1e5: {  	v9 =	vld [tilespmem:$0x12980]  }
0x1e6: {  	v5 =	vld.idx.msk [tilespmem:v18+s28+$0x0], $0xffff;
	_ =	sdelay $0x2  }
0x1e7: {  	v6 =	vld [tilespmem:$0x1FE70];
	v8 =	vsub.f32 v10, v8  }
0x1e8: {  	v0 =	vadd.f32 v1, v0;
	v1 =	vmul.f32 v2, v2;
	v2 =	vadd.f32 v7, v9;
	v9 =	vld [tilespmem:$0x1FEB0]  }
0x1e9: {  	v5 =	vadd.f32 v8, v5;
	v8 =	vld [tilespmem:$0x1FE90]  }
0x1ea: {  	v11 =	vld [tilespmem:$0x12990]  }
0x1eb: {  	v4 =	vld.idx.msk [tilespmem:v4+s28+$0x0], $0xffff;
	_ =	sdelay $0x2  }
0x1ec: {  	v7 =	vld [tilespmem:$0x1FE40];
	v8 =	vsub.f32 v9, v8  }
0x1ed: {  	v0 =	vadd.f32 v1, v0;
	v1 =	vmul.f32 v2, v2;
	v2 =	vadd.f32 v3, v11;
	v11 =	vld [tilespmem:$0x1FE80]  }
0x1ee: {  	v4 =	vadd.f32 v8, v4;
	v8 =	vld [tilespmem:$0x1FE60]  }
0x1ef: {  	v10 =	vld [tilespmem:$0x129A0]  }
0x1f0: {  	v6 =	vld.idx.msk [tilespmem:v6+s28+$0x0], $0xffff;
	_ =	sdelay $0x2  }
0x1f1: {  	v3 =	vld [tilespmem:$0x1FE10];
	v8 =	vsub.f32 v11, v8  }
0x1f2: {  	v0 =	vadd.f32 v1, v0;
	v1 =	vmul.f32 v2, v2;
	v2 =	vadd.f32 v5, v10;
	v10 =	vld [tilespmem:$0x1FE50]  }
0x1f3: {  	v6 =	vadd.f32 v8, v6;
	v8 =	vld [tilespmem:$0x1FE30]  }
0x1f4: {  	v7 =	vld.idx.msk [tilespmem:v7+s28+$0x0], $0xffff  }
0x1f5: {  	v9 =	vld [tilespmem:$0x129B0];
	_ =	sdelay $0x2  }
0x1f6: {  	v8 =	vsub.f32 v10, v8  }
0x1f7: {  	v0 =	vadd.f32 v1, v0;
	v5 =	vld [tilespmem:$0x1FDE0]  }
0x1f8: {  	v1 =	vmul.f32 v2, v2;
	v2 =	vadd.f32 v4, v9;
	v4 =	vadd.f32 v8, v7;
	v7 =	vld [tilespmem:$0x1FE00]  }
0x1f9: {  	v8 =	vld [tilespmem:$0x1FE20]  }
0x1fa: {  	v11 =	vld [tilespmem:$0x129C0]  }
0x1fb: {  	v3 =	vld.idx.msk [tilespmem:v3+s28+$0x0], $0xffff;
	_ =	sdelay $0x2  }
0x1fc: {  	v7 =	vsub.f32 v8, v7  }
0x1fd: {  	v0 =	vadd.f32 v1, v0;
	v1 =	vmul.f32 v2, v2;
	v2 =	vadd.f32 v6, v11;
	v6 =	vld [tilespmem:$0x1FDD0]  }
0x1fe: {  	v3 =	vadd.f32 v7, v3;
	v7 =	vld [tilespmem:$0x1FDF0]  }
0x1ff: {  	v10 =	vld [tilespmem:$0x129D0]  }
0x200: {  	v5 =	vld.idx.msk [tilespmem:v5+s28+$0x0], $0xffff  }
0x201: {  	v8 =	vld [tilespmem:$0x129E0];
	_ =	sdelay $0x1  }
0x202: {  	v0 =	vadd.f32 v1, v0;
	v1 =	vmul.f32 v2, v2;
	v6 =	vsub.f32 v7, v6;
	v7 =	vld [tilespmem:$0x129F0]  }
0x203: {  	v2 =	vadd.f32 v4, v10  }
0x204: {  	v0 =	vadd.f32 v1, v0  }
0x205: {  	v1 =	vmul.f32 v2, v2;
	v2 =	vadd.f32 v3, v8;
	v4 =	vadd.f32 v6, v5;
	_ =	sdelay $0x1  }
0x206: {  	v0 =	vadd.f32 v1, v0;
	v1 =	vmul.f32 v2, v2;
	v2 =	vadd.f32 v4, v7;
	_ =	sdelay $0x1  }
0x207: {  	v0 =	vadd.f32 v1, v0;
	v1 =	vmul.f32 v2, v2;
	_ =	sdelay $0x1  }
0x208: {  	v0 =	vadd.f32 v1, v0;
	_ =	sdelay $0x1  }
0x209: {  	v1 =	vmax.f32 v0, $1.000000000e-30  }
0x20a: {  	v2 =	vshra.s32 v1, $0x1;
	v1 =	vmul.f32 $5.000000000e-01, v1  }
0x20b: {  	v2 =	vsub.s32 $0x5F3759DF, v2  }
0x20c: {  	v3 =	vmul.f32 v2, v1;
	_ =	sdelay $0x1  }
0x20d: {  	v3 =	vmul.f32 v2, v3;
	_ =	sdelay $0x1  }
0x20e: {  	v3 =	vsub.f32 $1.500000000e+00, v3;
	_ =	sdelay $0x1  }
0x20f: {  	v2 =	vmul.f32 v2, v3;
	_ =	sdelay $0x1  }
0x210: {  	v3 =	vmul.f32 v2, v1;
	_ =	sdelay $0x1  }
0x211: {  	v3 =	vmul.f32 v3, v2;
	_ =	sdelay $0x1  }
0x212: {  	v3 =	vsub.f32 $1.500000000e+00, v3;
	_ =	sdelay $0x1  }
0x213: {  	v2 =	vmul.f32 v3, v2;
	_ =	sdelay $0x1  }
0x214: {  	v1 =	vmul.f32 v2, v1;
	_ =	sdelay $0x1  }
0x215: {  	v1 =	vmul.f32 v1, v2;
	_ =	sdelay $0x1  }
0x216: {  	v1 =	vsub.f32 $1.500000000e+00, v1;
	_ =	sdelay $0x1  }
0x217: {  	v1 =	vmul.f32 v1, v2;
	v2 =	vld [tilespmem:$0x1FFF0];
	_ =	sdelay $0x1  }
0x218: {  	s2 =	sadd.s32 $0x10, s2  }
0x219: {  	v4 =	vld [tilespmem:s2+$0x0];
	v3 =	vmov s17  }
0x21a: {  	v3 =	vshll.u32 v3, $0x5  }
0x21b: {  	v59 =	vor.u32 v2, v3  }
0x21c: {  	v0 =	vmul.f32 v1, v0;
	v2 =	vor.u32 $0x1F, v59;
	_ =	sdelay $0x1  }
0x21d: {  	v0 =	vsub.f32 v4, v0  }
0x21e: {  	s15 =	sadd.s32 $0x10, s15  }
0x21f: {  	[tilespmem:s15+$0x0] =	vst v0  }
0x220: {  	v0 =	vld.idx.msk [tilespmem:v2+s29+$0x0], $0xffff;
	_ =	sdelay $0x4  }
0x221: {  	v1 =	vor.u32 $0x1E, v59;
	[tilespmem:$0x1FDD0] =	vst v0;
	v0 =	vld.idx.msk [tilespmem:v2+s26+$0x0], $0xffff;
	_ =	sdelay $0x4  }
0x222: {  	[tilespmem:$0x1FDF0] =	vst v0;
	v0 =	vld.idx.msk [tilespmem:v1+s29+$0x0], $0xffff;
	_ =	sdelay $0x4  }
0x223: {  	v3 =	vor.u32 $0x1D, v59;
	[tilespmem:$0x1FE00] =	vst v0;
	v0 =	vld.idx.msk [tilespmem:v1+s26+$0x0], $0xffff;
	_ =	sdelay $0x4  }
0x224: {  	[tilespmem:$0x1FE20] =	vst v0;
	v0 =	vld.idx.msk [tilespmem:v3+s29+$0x0], $0xffff;
	_ =	sdelay $0x4  }
0x225: {  	v4 =	vor.u32 $0x1C, v59;
	[tilespmem:$0x1FE30] =	vst v0;
	v0 =	vld.idx.msk [tilespmem:v3+s26+$0x0], $0xffff;
	_ =	sdelay $0x4  }
0x226: {  	[tilespmem:$0x1FE50] =	vst v0;
	v0 =	vld.idx.msk [tilespmem:v4+s29+$0x0], $0xffff;
	_ =	sdelay $0x3  }
0x227: {  	[tilespmem:$0x1FDE0] =	vst v2  }
0x228: {  	v2 =	vor.u32 $0x1B, v59;
	[tilespmem:$0x1FE60] =	vst v0;
	v0 =	vld.idx.msk [tilespmem:v4+s26+$0x0], $0xffff;
	_ =	sdelay $0x4  }
0x229: {  	[tilespmem:$0x1FE80] =	vst v0;
	v0 =	vld.idx.msk [tilespmem:v2+s29+$0x0], $0xffff;
	_ =	sdelay $0x4  }
0x22a: {  	v18 =	vor.u32 $0x1A, v59;
	[tilespmem:$0x1FE90] =	vst v0;
	v0 =	vld.idx.msk [tilespmem:v2+s26+$0x0], $0xffff;
	_ =	sdelay $0x4  }
0x22b: {  	[tilespmem:$0x1FEB0] =	vst v0;
	v0 =	vld.idx.msk [tilespmem:v18+s29+$0x0], $0xffff;
	_ =	sdelay $0x4  }
0x22c: {  	v21 =	vor.u32 $0x19, v59;
	[tilespmem:$0x1FEC0] =	vst v0;
	v0 =	vld.idx.msk [tilespmem:v18+s26+$0x0], $0xffff;
	_ =	sdelay $0x4  }
0x22d: {  	[tilespmem:$0x1FED0] =	vst v0;
	v0 =	vld.idx.msk [tilespmem:v21+s29+$0x0], $0xffff;
	_ =	sdelay $0x4  }
0x22e: {  	v24 =	vor.u32 $0x18, v59;
	[tilespmem:$0x1FEE0] =	vst v0;
	v0 =	vld.idx.msk [tilespmem:v21+s26+$0x0], $0xffff;
	_ =	sdelay $0x4  }
0x22f: {  	[tilespmem:$0x1FEF0] =	vst v0;
	v0 =	vld.idx.msk [tilespmem:v24+s29+$0x0], $0xffff;
	_ =	sdelay $0x4  }
0x230: {  	v27 =	vor.u32 $0x17, v59;
	[tilespmem:$0x1FF00] =	vst v0;
	v0 =	vld.idx.msk [tilespmem:v24+s26+$0x0], $0xffff;
	_ =	sdelay $0x4  }
0x231: {  	[tilespmem:$0x1FF10] =	vst v0;
	v0 =	vld.idx.msk [tilespmem:v27+s29+$0x0], $0xffff;
	_ =	sdelay $0x4  }
0x232: {  	v30 =	vor.u32 $0x16, v59;
	[tilespmem:$0x1FF20] =	vst v0;
	v0 =	vld.idx.msk [tilespmem:v27+s26+$0x0], $0xffff;
	_ =	sdelay $0x4  }
0x233: {  	[tilespmem:$0x1FF30] =	vst v0;
	v0 =	vld.idx.msk [tilespmem:v30+s29+$0x0], $0xffff;
	_ =	sdelay $0x4  }
0x234: {  	v33 =	vor.u32 $0x15, v59;
	[tilespmem:$0x1FF40] =	vst v0;
	v0 =	vld.idx.msk [tilespmem:v30+s26+$0x0], $0xffff;
	_ =	sdelay $0x4  }
0x235: {  	[tilespmem:$0x1FF50] =	vst v0;
	v0 =	vld.idx.msk [tilespmem:v33+s29+$0x0], $0xffff;
	_ =	sdelay $0x4  }
0x236: {  	v36 =	vor.u32 $0x14, v59;
	[tilespmem:$0x1FF60] =	vst v0;
	v0 =	vld.idx.msk [tilespmem:v33+s26+$0x0], $0xffff;
	_ =	sdelay $0x4  }
0x237: {  	[tilespmem:$0x1FF70] =	vst v0;
	v0 =	vld.idx.msk [tilespmem:v36+s29+$0x0], $0xffff;
	_ =	sdelay $0x3  }
0x238: {  	v45 =	vor.u32 $0x11, v59  }
0x239: {  	v39 =	vor.u32 $0x13, v59;
	[tilespmem:$0x1FF80] =	vst v0;
	v0 =	vld.idx.msk [tilespmem:v36+s26+$0x0], $0xffff  }
0x23a: {  	v48 =	vor.u32 $0x10, v59;
	_ =	sdelay $0x1  }
0x23b: {  	v51 =	vor.u32 $0xF, v59  }
0x23c: {  	v44 =	vld.idx.msk [tilespmem:v45+s26+$0x0], $0xffff  }
0x23d: {  	[tilespmem:$0x1FF90] =	vst v0;
	v0 =	vld.idx.msk [tilespmem:v39+s29+$0x0], $0xffff  }
0x23e: {  	v54 =	vor.u32 $0xE, v59;
	v46 =	vld.idx.msk [tilespmem:v48+s29+$0x0], $0xffff  }
0x23f: {  	v47 =	vld.idx.msk [tilespmem:v48+s26+$0x0], $0xffff  }
0x240: {  	v57 =	vor.u32 $0xD, v59;
	v49 =	vld.idx.msk [tilespmem:v51+s29+$0x0], $0xffff  }
0x241: {  	v50 =	vld.idx.msk [tilespmem:v51+s26+$0x0], $0xffff  }
0x242: {  	v42 =	vor.u32 $0x12, v59;
	[tilespmem:$0x1FFA0] =	vst v0;
	v0 =	vld.idx.msk [tilespmem:v39+s26+$0x0], $0xffff  }
0x243: {  	v61 =	vor.u32 $0xC, v59;
	v52 =	vld.idx.msk [tilespmem:v54+s29+$0x0], $0xffff  }
0x244: {  	v53 =	vld.idx.msk [tilespmem:v54+s26+$0x0], $0xffff  }
0x245: {  	v8 =	vor.u32 $0x9, v59;
	v55 =	vld.idx.msk [tilespmem:v57+s29+$0x0], $0xffff  }
0x246: {  	v56 =	vld.idx.msk [tilespmem:v57+s26+$0x0], $0xffff  }
0x247: {  	[tilespmem:$0x1FFB0] =	vst v0;
	v0 =	vld.idx.msk [tilespmem:v42+s29+$0x0], $0xffff  }
0x248: {  	v13 =	vor.u32 $0x8, v59;
	v58 =	vld.idx.msk [tilespmem:v61+s29+$0x0], $0xffff  }
0x249: {  	v60 =	vld.idx.msk [tilespmem:v61+s26+$0x0], $0xffff  }
0x24a: {  	v17 =	vor.u32 $0x7, v59;
	v5 =	vld.idx.msk [tilespmem:v8+s29+$0x0], $0xffff  }
0x24b: {  	v7 =	vld.idx.msk [tilespmem:v8+s26+$0x0], $0xffff  }
0x24c: {  	[tilespmem:$0x1FFC0] =	vst v0;
	v0 =	vld.idx.msk [tilespmem:v42+s26+$0x0], $0xffff  }
0x24d: {  	v22 =	vor.u32 $0x6, v59;
	v10 =	vld.idx.msk [tilespmem:v13+s29+$0x0], $0xffff  }
0x24e: {  	v11 =	vld.idx.msk [tilespmem:v13+s26+$0x0], $0xffff  }
0x24f: {  	v26 =	vor.u32 $0x5, v59;
	v14 =	vld.idx.msk [tilespmem:v17+s29+$0x0], $0xffff  }
0x250: {  	v16 =	vld.idx.msk [tilespmem:v17+s26+$0x0], $0xffff  }
0x251: {  	v31 =	vor.u32 $0x4, v59;
	[tilespmem:$0x1FFD0] =	vst v0;
	v0 =	vld.idx.msk [tilespmem:v45+s29+$0x0], $0xffff  }
0x252: {  	v19 =	vld.idx.msk [tilespmem:v22+s29+$0x0], $0xffff  }
0x253: {  	v34 =	vor.u32 $0x3, v59;
	v20 =	vld.idx.msk [tilespmem:v22+s26+$0x0], $0xffff  }
0x254: {  	[tilespmem:$0x1FE70] =	vst v4;
	v23 =	vld.idx.msk [tilespmem:v26+s29+$0x0], $0xffff;
	v4 =	vor.u32 $0xA, v59  }
0x255: {  	v25 =	vld.idx.msk [tilespmem:v26+s26+$0x0], $0xffff  }
0x256: {  	v28 =	vld.idx.msk [tilespmem:v31+s29+$0x0], $0xffff;
	[tilespmem:$0x1FFE0] =	vst v0;
	v0 =	vor.u32 $0xB, v59  }
0x257: {  	p0 =	sne.s32 s17, $0x1F0;
	v29 =	vld.idx.msk [tilespmem:v31+s26+$0x0], $0xffff  }
.Ltmp1:
0x258: {  	v32 =	vld.idx.msk [tilespmem:v34+s28+$0x0], $0xffff;
	(pc) =	sbr.rel @p0 .LBB2_4-.Ltmp1, $4  }
0x259: {  	[tilespmem:$0x1FE10] =	vst v1;
	v1 =	vld.idx.msk [tilespmem:v4+s29+$0x0], $0xffff  }
0x25a: {  	[tilespmem:$0x1FEA0] =	vst v2;
	v2 =	vld.idx.msk [tilespmem:v4+s26+$0x0], $0xffff  }
0x25b: {  	v62 =	vld.idx.msk [tilespmem:v0+s29+$0x0], $0xffff  }
0x25c: {  	s17 =	sadd.s32 $0x10, s17;
	v35 =	vor.u32 $0x1, v59;
	[tilespmem:$0x1FE40] =	vst v3;
	v3 =	vor.u32 $0x2, v59;
	v63 =	vld.idx.msk [tilespmem:v0+s26+$0x0], $0xffff  }
0x25d: {  	_ =	sdelay $0x3  }
0x25e: {  	v6 =	vld.idx.msk [tilespmem:v34+s29+$0x0], $0xffff  }
0x25f: {  	v9 =	vld.idx.msk [tilespmem:v34+s26+$0x0], $0xffff  }
0x260: {  	v12 =	vld.idx.msk [tilespmem:v35+s29+$0x0], $0xffff  }
0x261: {  	v15 =	vld.idx.msk [tilespmem:v35+s26+$0x0], $0xffff  }
0x262: {  	v34 =	vld.idx.msk [tilespmem:v35+s28+$0x0], $0xffff  }
0x263: {  	v35 =	vld.idx.msk [tilespmem:v59+s29+$0x0], $0xffff  }
0x264: {  	v37 =	vld.idx.msk [tilespmem:v59+s26+$0x0], $0xffff  }
0x265: {  	v38 =	vld.idx.msk [tilespmem:v59+s28+$0x0], $0xffff  }
0x266: {  	v40 =	vld.idx.msk [tilespmem:v3+s29+$0x0], $0xffff  }
0x267: {  	v41 =	vld.idx.msk [tilespmem:v3+s26+$0x0], $0xffff  }
0x268: {  	v3 =	vld.idx.msk [tilespmem:v3+s28+$0x0], $0xffff  }
0x269: {  	v43 =	vld [tilespmem:$0x12810]  }
0x26a: {  	v59 =	vld [tilespmem:$0x12800]  }
0x26b: {  	v31 =	vld.idx.msk [tilespmem:v31+s28+$0x0], $0xffff  }
0x26c: {  	v26 =	vld.idx.msk [tilespmem:v26+s28+$0x0], $0xffff  }
0x26d: {  	v22 =	vld.idx.msk [tilespmem:v22+s28+$0x0], $0xffff  }
0x26e: {  	v13 =	vld.idx.msk [tilespmem:v13+s28+$0x0], $0xffff  }
0x26f: {  	v8 =	vld.idx.msk [tilespmem:v8+s28+$0x0], $0xffff  }
0x270: {  	v4 =	vld.idx.msk [tilespmem:v4+s28+$0x0], $0xffff  }
0x271: {  	v0 =	vld.idx.msk [tilespmem:v0+s28+$0x0], $0xffff  }
0x272: {  	v28 =	vsub.f32 v29, v28;
	v29 =	vld.idx.msk [tilespmem:v61+s28+$0x0], $0xffff  }
0x273: {  	v61 =	vld.idx.msk [tilespmem:v39+s28+$0x0], $0xffff  }
0x274: {  	v14 =	vsub.f32 v16, v14;
	v16 =	vld [tilespmem:$0x12930]  }
0x275: {  	v27 =	vld.idx.msk [tilespmem:v27+s28+$0x0], $0xffff  }
0x276: {  	v39 =	vld [tilespmem:$0x1FEE0]  }
0x277: {  	v23 =	vsub.f32 v25, v23;
	v1 =	vsub.f32 v2, v1;
	v2 =	vld [tilespmem:$0x128A0]  }
0x278: {  	v10 =	vsub.f32 v11, v10;
	v41 =	vsub.f32 v41, v40;
	v40 =	vld [tilespmem:$0x12820]  }
0x279: {  	v35 =	vsub.f32 v37, v35;
	v37 =	vadd.f32 v23, v26;
	v23 =	vld [tilespmem:$0x12890]  }
0x27a: {  	v28 =	vadd.f32 v28, v31;
	v31 =	vsub.f32 v63, v62;
	v62 =	vld [tilespmem:$0x1FFC0]  }
0x27b: {  	v63 =	vld [tilespmem:$0x1FFD0]  }
0x27c: {  	v10 =	vadd.f32 v10, v13;
	v13 =	vld.idx.msk [tilespmem:v36+s28+$0x0], $0xffff  }
0x27d: {  	v6 =	vsub.f32 v9, v6;
	v36 =	vld [tilespmem:$0x1FF00]  }
0x27e: {  	v12 =	vsub.f32 v15, v12;
	v3 =	vadd.f32 v41, v3;
	v41 =	vld [tilespmem:$0x12830]  }
0x27f: {  	v6 =	vadd.f32 v6, v32;
	v32 =	vld [tilespmem:$0x12840]  }
0x280: {  	v1 =	vadd.f32 v1, v4;
	v12 =	vadd.f32 v12, v34;
	v34 =	vld [tilespmem:$0x12850]  }
0x281: {  	v35 =	vadd.f32 v35, v38;
	v38 =	vsub.f32 v20, v19;
	v20 =	vld [tilespmem:$0x12880]  }
0x282: {  	v1 =	vadd.f32 v1, v2;
	v2 =	vld.idx.msk [tilespmem:v54+s28+$0x0], $0xffff  }
0x283: {  	v19 =	vld [tilespmem:$0x1FF80]  }
0x284: {  	v0 =	vadd.f32 v31, v0;
	v31 =	vld.idx.msk [tilespmem:v24+s28+$0x0], $0xffff  }
0x285: {  	v54 =	vsub.f32 v50, v49;
	v49 =	vld [tilespmem:$0x129B0]  }
0x286: {  	v50 =	vld [tilespmem:$0x1FE40]  }
0x287: {  	v5 =	vsub.f32 v7, v5;
	v59 =	vadd.f32 v35, v59;
	v35 =	vld.idx.msk [tilespmem:v17+s28+$0x0], $0xffff  }
0x288: {  	v12 =	vadd.f32 v12, v43;
	v43 =	vld [tilespmem:$0x12870]  }
0x289: {  	v5 =	vadd.f32 v5, v8;
	v17 =	vadd.f32 v38, v22;
	v38 =	vld [tilespmem:$0x128C0]  }
0x28a: {  	v3 =	vadd.f32 v3, v40;
	v40 =	vld [tilespmem:$0x12860]  }
0x28b: {  	v5 =	vadd.f32 v5, v23;
	v23 =	vld [tilespmem:$0x1FF60];
	v15 =	vmul.f32 v59, v59;
	v12 =	vmul.f32 v12, v12  }
0x28c: {  	v6 =	vadd.f32 v6, v41;
	v41 =	vadd.f32 v28, v32;
	v32 =	vld [tilespmem:$0x128B0]  }
0x28d: {  	v3 =	vmul.f32 v3, v3;
	v59 =	vadd.f32 v37, v34;
	v34 =	vld.idx.msk [tilespmem:v57+s28+$0x0], $0xffff;
	v12 =	vadd.f32 v12, v15  }
0x28e: {  	v37 =	vsub.f32 v60, v58;
	v58 =	vld [tilespmem:$0x12900]  }
0x28f: {  	v60 =	vld [tilespmem:$0x12910];
	v6 =	vmul.f32 v6, v6;
	v3 =	vadd.f32 v3, v12  }
0x290: {  	v28 =	vadd.f32 v10, v20;
	v20 =	vld [tilespmem:$0x1FF90]  }
0x291: {  	v57 =	vsub.f32 v47, v46;
	v46 =	vld [tilespmem:$0x1FE70];
	v12 =	vmul.f32 v41, v41;
	v3 =	vadd.f32 v6, v3  }
0x292: {  	v47 =	vld [tilespmem:$0x1FE90];
	v9 =	vadd.f32 v14, v35  }
0x293: {  	v15 =	vld [tilespmem:$0x1FFB0];
	v22 =	vadd.f32 v17, v40;
	v6 =	vmul.f32 v59, v59;
	v3 =	vadd.f32 v12, v3  }
0x294: {  	v35 =	vmul.f32 v28, v28;
	v14 =	vld [tilespmem:$0x1FFA0]  }
0x295: {  	v28 =	vld [tilespmem:$0x1FF40];
	v25 =	vadd.f32 v9, v43;
	v26 =	vmul.f32 v22, v22;
	v3 =	vadd.f32 v6, v3  }
0x296: {  	v4 =	vadd.f32 v37, v29;
	v29 =	vld [tilespmem:$0x1FF50]  }
0x297: {  	v37 =	vld [tilespmem:$0x1FF10];
	v6 =	vmul.f32 v25, v25;
	v3 =	vadd.f32 v26, v3  }
0x298: {  	v41 =	vld [tilespmem:$0x128D0]  }
0x299: {  	v40 =	vsub.f32 v56, v55;
	v55 =	vld [tilespmem:$0x128F0];
	v3 =	vadd.f32 v6, v3  }
0x29a: {  	v56 =	vld.idx.msk [tilespmem:v45+s28+$0x0], $0xffff  }
0x29b: {  	v5 =	vmul.f32 v5, v5;
	v17 =	vld.idx.msk [tilespmem:v33+s28+$0x0], $0xffff;
	v3 =	vadd.f32 v35, v3  }
0x29c: {  	v43 =	vld.idx.msk [tilespmem:v51+s28+$0x0], $0xffff;
	v51 =	vsub.f32 v53, v52  }
0x29d: {  	v1 =	vmul.f32 v1, v1;
	v52 =	vld [tilespmem:$0x128E0];
	v0 =	vadd.f32 v0, v32;
	v3 =	vadd.f32 v5, v3  }
0x29e: {  	v53 =	vld.idx.msk [tilespmem:v48+s28+$0x0], $0xffff;
	v6 =	vadd.f32 v40, v34  }
0x29f: {  	v59 =	vld [tilespmem:$0x1FFE0];
	v0 =	vmul.f32 v0, v0;
	v1 =	vadd.f32 v1, v3;
	v3 =	vadd.f32 v4, v38  }
0x2a0: {  	v33 =	vld [tilespmem:$0x1FF30];
	v2 =	vadd.f32 v51, v2  }
0x2a1: {  	v45 =	vld [tilespmem:$0x129A0];
	v0 =	vadd.f32 v0, v1;
	v1 =	vadd.f32 v6, v41;
	v3 =	vmul.f32 v3, v3  }
0x2a2: {  	v48 =	vld [tilespmem:$0x1FEB0];
	v2 =	vadd.f32 v2, v52  }
0x2a3: {  	v5 =	vadd.f32 v54, v43;
	v0 =	vadd.f32 v3, v0;
	v3 =	vld.idx.msk [tilespmem:v42+s28+$0x0], $0xffff;
	v1 =	vmul.f32 v1, v1  }
0x2a4: {  	v22 =	vld [tilespmem:$0x12940];
	v7 =	vsub.f32 v44, v59;
	v4 =	vadd.f32 v57, v53  }
0x2a5: {  	v32 =	vld [tilespmem:$0x1FF20];
	v2 =	vmul.f32 v2, v2;
	v0 =	vadd.f32 v1, v0;
	v1 =	vadd.f32 v5, v55  }
0x2a6: {  	v12 =	vld [tilespmem:$0x12920];
	v6 =	vadd.f32 v7, v56;
	v7 =	vsub.f32 v63, v62  }
0x2a7: {  	v25 =	vld [tilespmem:$0x1FF70];
	v0 =	vadd.f32 v2, v0;
	v2 =	vadd.f32 v4, v58;
	v1 =	vmul.f32 v1, v1  }
0x2a8: {  	v51 =	vld [tilespmem:$0x1FE60];
	v3 =	vadd.f32 v7, v3;
	v7 =	vsub.f32 v15, v14  }
0x2a9: {  	v44 =	vld [tilespmem:$0x1FED0];
	v0 =	vadd.f32 v1, v0;
	v1 =	vadd.f32 v6, v60;
	v2 =	vmul.f32 v2, v2  }
0x2aa: {  	v26 =	vld [tilespmem:$0x12950];
	v5 =	vadd.f32 v7, v61;
	v7 =	vsub.f32 v20, v19  }
0x2ab: {  	v0 =	vadd.f32 v2, v0;
	v2 =	vadd.f32 v3, v12;
	v3 =	vld.idx.msk [tilespmem:v30+s28+$0x0], $0xffff;
	v1 =	vmul.f32 v1, v1  }
0x2ac: {  	v34 =	vld [tilespmem:$0x12970];
	v4 =	vadd.f32 v7, v13;
	v7 =	vsub.f32 v25, v23  }
0x2ad: {  	v40 =	vld [tilespmem:$0x1FEF0];
	v0 =	vadd.f32 v1, v0;
	v1 =	vadd.f32 v5, v16;
	v2 =	vmul.f32 v2, v2  }
0x2ae: {  	v30 =	vld [tilespmem:$0x12960];
	v6 =	vadd.f32 v7, v17;
	v7 =	vsub.f32 v29, v28  }
0x2af: {  	v35 =	vld.idx.msk [tilespmem:v21+s28+$0x0], $0xffff;
	v0 =	vadd.f32 v2, v0;
	v2 =	vadd.f32 v4, v22;
	v1 =	vmul.f32 v1, v1  }
0x2b0: {  	v43 =	vld [tilespmem:$0x1FEC0];
	v3 =	vadd.f32 v7, v3;
	v7 =	vsub.f32 v33, v32  }
0x2b1: {  	v38 =	vld [tilespmem:$0x12980];
	v0 =	vadd.f32 v1, v0;
	v1 =	vadd.f32 v6, v26;
	v2 =	vmul.f32 v2, v2  }
0x2b2: {  	v42 =	vld [tilespmem:$0x1FEA0];
	v5 =	vadd.f32 v7, v27;
	v7 =	vsub.f32 v37, v36  }
0x2b3: {  	v52 =	vld [tilespmem:$0x1FE80];
	v0 =	vadd.f32 v2, v0;
	v2 =	vadd.f32 v3, v30;
	v1 =	vmul.f32 v1, v1  }
0x2b4: {  	v3 =	vld.idx.msk [tilespmem:v18+s28+$0x0], $0xffff;
	v4 =	vadd.f32 v7, v31;
	v7 =	vsub.f32 v40, v39  }
0x2b5: {  	v59 =	vld [tilespmem:$0x1FE20];
	v0 =	vadd.f32 v1, v0;
	v1 =	vadd.f32 v5, v34;
	v2 =	vmul.f32 v2, v2  }
0x2b6: {  	v54 =	vld [tilespmem:$0x1FE30];
	v6 =	vadd.f32 v7, v35;
	v7 =	vsub.f32 v44, v43  }
0x2b7: {  	v53 =	vld [tilespmem:$0x129C0];
	v0 =	vadd.f32 v2, v0;
	v2 =	vadd.f32 v4, v38;
	v1 =	vmul.f32 v1, v1  }
0x2b8: {  	v57 =	vld [tilespmem:$0x1FDE0]  }
0x2b9: {  	v41 =	vld [tilespmem:$0x12990];
	v3 =	vadd.f32 v7, v3;
	v0 =	vadd.f32 v1, v0;
	v2 =	vmul.f32 v2, v2  }
0x2ba: {  	v5 =	vld.idx.msk [tilespmem:v42+s28+$0x0], $0xffff  }
0x2bb: {  	v0 =	vadd.f32 v2, v0;
	v2 =	vadd.f32 v3, v45;
	v3 =	vld [tilespmem:$0x1FE10]  }
0x2bc: {  	v55 =	vld [tilespmem:$0x1FE50]  }
0x2bd: {  	v4 =	vld.idx.msk [tilespmem:v46+s28+$0x0], $0xffff  }
0x2be: {  	v56 =	vld [tilespmem:$0x129D0];
	v7 =	vsub.f32 v48, v47  }
0x2bf: {  	v62 =	vld [tilespmem:$0x1FDF0];
	v1 =	vadd.f32 v6, v41  }
0x2c0: {  	v6 =	vld.idx.msk [tilespmem:v50+s28+$0x0], $0xffff;
	v5 =	vadd.f32 v7, v5;
	v7 =	vsub.f32 v52, v51  }
0x2c1: {  	v58 =	vld [tilespmem:$0x1FE00];
	v1 =	vmul.f32 v1, v1  }
0x2c2: {  	v61 =	vld [tilespmem:$0x1FDD0];
	v4 =	vadd.f32 v7, v4;
	v7 =	vsub.f32 v55, v54  }
0x2c3: {  	v0 =	vadd.f32 v1, v0;
	v1 =	vadd.f32 v5, v49;
	v2 =	vmul.f32 v2, v2;
	v3 =	vld.idx.msk [tilespmem:v3+s28+$0x0], $0xffff  }
0x2c4: {  	v5 =	vld.idx.msk [tilespmem:v57+s28+$0x0], $0xffff  }
0x2c5: {  	v60 =	vld [tilespmem:$0x129E0];
	v6 =	vadd.f32 v7, v6;
	v0 =	vadd.f32 v2, v0;
	v1 =	vmul.f32 v1, v1  }
0x2c6: {  	v7 =	vsub.f32 v59, v58;
	v2 =	vadd.f32 v4, v53  }
0x2c7: {  	v63 =	vld [tilespmem:$0x129F0];
	v4 =	vsub.f32 v62, v61;
	v0 =	vadd.f32 v1, v0  }
0x2c8: {  	v1 =	vadd.f32 v6, v56;
	v2 =	vmul.f32 v2, v2;
	v3 =	vadd.f32 v7, v3  }
0x2c9: {  	v4 =	vadd.f32 v4, v5  }
0x2ca: {  	v0 =	vadd.f32 v2, v0;
	v1 =	vmul.f32 v1, v1;
	v2 =	vadd.f32 v3, v60;
	_ =	sdelay $0x1  }
0x2cb: {  	v0 =	vadd.f32 v1, v0;
	v1 =	vmul.f32 v2, v2;
	v2 =	vadd.f32 v4, v63;
	_ =	sdelay $0x1  }
0x2cc: {  	v0 =	vadd.f32 v1, v0;
	v1 =	vmul.f32 v2, v2;
	_ =	sdelay $0x1  }
0x2cd: {  	v0 =	vadd.f32 v1, v0;
	_ =	sdelay $0x1  }
0x2ce: {  	v1 =	vmax.f32 v0, $1.000000000e-30  }
0x2cf: {  	v2 =	vshra.s32 v1, $0x1;
	v1 =	vmul.f32 $5.000000000e-01, v1  }
0x2d0: {  	v2 =	vsub.s32 $0x5F3759DF, v2  }
0x2d1: {  	v3 =	vmul.f32 v2, v1;
	_ =	sdelay $0x1  }
0x2d2: {  	v3 =	vmul.f32 v2, v3;
	_ =	sdelay $0x1  }
0x2d3: {  	v3 =	vsub.f32 $1.500000000e+00, v3;
	_ =	sdelay $0x1  }
0x2d4: {  	v2 =	vmul.f32 v2, v3;
	_ =	sdelay $0x1  }
0x2d5: {  	v3 =	vmul.f32 v2, v1;
	_ =	sdelay $0x1  }
0x2d6: {  	v3 =	vmul.f32 v3, v2;
	_ =	sdelay $0x1  }
0x2d7: {  	v3 =	vsub.f32 $1.500000000e+00, v3;
	_ =	sdelay $0x1  }
0x2d8: {  	v2 =	vmul.f32 v3, v2;
	_ =	sdelay $0x1  }
0x2d9: {  	v1 =	vmul.f32 v2, v1;
	_ =	sdelay $0x1  }
0x2da: {  	v1 =	vmul.f32 v1, v2;
	_ =	sdelay $0x1  }
0x2db: {  	s2 =	sadd.s32 $0x10, s2;
	v1 =	vsub.f32 $1.500000000e+00, v1  }
0x2dc: {  	v3 =	vld [tilespmem:s2+$0x0]  }
0x2dd: {  	v1 =	vmul.f32 v1, v2;
	_ =	sdelay $0x1  }
0x2de: {  	v0 =	vmul.f32 v1, v0;
	_ =	sdelay $0x1  }
0x2df: {  	s31 =	sadd.s32 $0x1, s31;
	v0 =	vsub.f32 v3, v0  }
0x2e0: {  	s20 =	sadd.s32 $0x10, s15;
	p0 =	sne.s32 s31, s11  }
.Ltmp2:
0x2e1: {  	[tilespmem:s20+$0x0] =	vst v0;
	(pc) =	sbr.rel @p0 .LBB2_1-.Ltmp2, $4  }
0x2e2: {  	[hbm4b:s10+s1] =	stream.linear.scatter [tilespmem:s30], [sflag:$0x2], $0x200, $0x38;
	[tilespmem:$0x12C00] =	vst v63  }
0x2e3: {  	_ =	swait.ge [sflag:s12], $0x200  }
0x2e4: {  	[sflag:s12] =	ssyncset.done $0x0  }
0x2e5: {  	v2 =	vld [tilespmem:$0x1FFF0];
	[sflag:s12] =	ssyncadd.s32 $0xFFFFFE00  }
0x2e6: {  	_ =	sfence.sel $0x180000  }
0x2e7: {  	[bflag:$0x0] =	sbarrier.arrive $0xFFFF  }
0x2e8: {  	_ =	strace $0x90000053  }
0x2e9: {  	s0 =	stileid.u32;
	[bflag:$0x2] =	sbarrier.arrive $0xFFFF  }
0x2ea: {  	p0 =	sne.s32 s0, $0x0;
	s0 =	rddreg [dreg:$0x5]  }
0x2eb: {  	s0 =	sadd.s32 @!p0 $0x100000, s0  }
0x2ec: {  	[sflag:s0] =	ssyncadd.tile.s32 @!p0 $0x1;
	_ =	shalt  }
.Lfunc_end2:
_tile_overlayer_lowered:
.L_overlay_start_2:
0x2ed: {  	(tag) =	ssettag $0x2  }
0x2ee: {  	s0 =	rddreg [dreg:$0x0];
	s2 =	stileid.u32  }
0x2ef: {  	s1 =	rddreg [dreg:$0x1];
	p0 =	sne.s32 s2, $0x0  }
0x2f0: {  	s3 =	rddreg [dreg:$0x2];
	[bflag:$0x3] =	sbarrier.arrive $0xFFFF;
	s2 =	simm.s32 @!p0 $0x1C02  }
0x2f1: {  	[timem:s3], [sflag:s2] =	dma.local @!p0 [hbm:s0], s1  }
0x2f2: {  	s0 =	simm.s32 @!p0 $0x2  }
0x2f3: {  	_ =	swait.ge @!p0 [sflag:s0], s1  }
0x2f4: {  	s1 =	ssub.s32 @!p0 $0x0, s1;
	[sflag:s0] =	ssyncset.done @!p0 $0x0  }
0x2f5: {  	[sflag:s0] =	ssyncadd.s32 @!p0 s1  }
0x2f6: {  	[bflag:$0x3] =	sbarrier.arrive $0xFFFF  }
0x2f7: {  	_ =	shalt  }

// kernel: sparse-core-data-format-call.1.cloned.1.call-start
scs
called_computation.1_lowered:
.L_overlay_start_0:
0x0: {  	s2 =	sld [smem:$0x3FD9]  }
0x1: {  	s3 =	sld [smem:$0x3FFE];
	_ =	sdelay $0x1  }
0x2: {  	s1 =	srdreg.scid  }
0x3: {  	s0 =	sand.u32 $0x1, s1  }
0x4: {  	s18 =	sshll.u32 s0, $0xA;
	s2 =	sadd.s32 s3, s2  }
0x5: {  	s2 =	sadd.s32 s2, s18  }
0x6: {  	[smem:$0x3FC1] =	sst s2  }
0x7: {  	_ = 	snop  }
0x8: {  	(tm) =	ssettm $0x1  }
0x9: {  	s19 =	sld [smem:$0x3FFB];
	_ =	sdelay $0x3  }
0xa: {  	_ =	strace s19  }
0xb: {  	s2 =	sld [smem:$0x3FFC];
	_ =	sdelay $0x3  }
0xc: {  	_ =	strace s2  }
0xd: {  	s2 =	sld [smem:$0x3FFD];
	_ =	sdelay $0x3  }
0xe: {  	_ =	strace s2  }
0xf: {  	_ =	strace $0x8FFFFFFF  }
0x10: {  	s20 =	sld [smem:$0x3FDB];
	_ =	sdelay $0x1  }
0x11: {  	s21 =	simm.s32 $_scs_section_size  }
0x12: {  	s4 =	simm.s32 $_size__tile_overlayer_lowered;
	s5 =	simm.s32 $_tile_overlayer_lowered  }
0x13: {  	s6 =	simm.s32 $0x1BFF;
	s22 =	sshll.u32 s5, $0x1;
	s3 =	sadd.s32 s21, s20  }
0x14: {  	s23 =	simm.s32 $0x0;
	s4 =	sshll.u32 s4, $0x1;
	s5 =	sadd.s32 s22, s3  }
0x15: {  	[timem:s23], [sflag:s6] =	dma.local [hbm:s5], s4  }
0x16: {  	_ =	swait.ge [sflag:s6], s4  }
0x17: {  	s4 =	ssub.s32 $0x0, s4;
	[sflag:s6] =	ssyncset.done $0x0  }
0x18: {  	[sflag:s6] =	ssyncadd.s32 s4;
	_ =	sdelay $0x1  }
0x19: {  	s24 =	simm.s32 $0x1B8B  }
0x1a: {  	_ =	swait.ge [sflag:s24], $0x1  }
0x1b: {  	[sflag:s24] =	ssyncset.done $0x0  }
0x1c: {  	[sflag:s24] =	ssyncadd.s32 $0xFFFFFFFF  }
0x1d: {  	s4 =	sld [smem:$0x0]  }
0x1e: {  	s5 =	sand.u32 $0xFFFFFFFE, s1  }
0x1f: {  	p0 =	sne.s32 s1, s5  }
0x20: {  	s5 =	sshll.u32 @p0 s5, $0xE  }
0x21: {  	s5 =	sadd.s32 @p0 $0x11B8D, s5;
	s6 =	sshll.u32 @p0 s4, $0x11  }
0x22: {  	s5 =	sor.u32 @p0 s6, s5  }
0x23: {  	[sflag:s5] =	ssyncadd.remote.s32 @p0 $0x1;
	_ =	sdelay $0x1  }
0x24: {  	s5 =	simm.s32 @p0 $0x1B8D  }
0x25: {  	_ =	swait.eq @p0 [sflag:s5], $0x1  }
0x26: {  	[sflag:s5] =	ssyncadd.s32 @p0 $0xFFFFFFFF  }
0x27: {  	s6 =	sshll.u32 @!p0 s1, $0xE  }
0x28: {  	s6 =	sor.u32 @!p0 $0x4000, s6;
	s5 =	simm.s32 @!p0 $0x1B8D  }
0x29: {  	s4 =	sshll.u32 @!p0 s4, $0x11;
	s6 =	sadd.s32 @!p0 $0x11B8D, s6;
	_ =	swait.eq @!p0 [sflag:s5], $0x1  }
0x2a: {  	s4 =	sor.u32 @!p0 s4, s6;
	[sflag:s5] =	ssyncadd.s32 @!p0 $0xFFFFFFFF  }
0x2b: {  	s26 =	simm.s32 $0x1B8E;
	s25 =	sld [smem:$0x3FFE];
	[sflag:s4] =	ssyncadd.remote.s32 @!p0 $0x1  }
0x2c: {  	s27 =	simm.s32 $execute0_lowered;
	[smem:$0x3FD2] =	sst s26  }
0x2d: {  	s5 =	sshll.u32 s27, $0x1;
	_ =	strace $0x80000049;
	[dreg:$0x1] =	wrdreg $0xFFFFFFFF  }
0x2e: {  	s28 =	simm.s32 $_size_execute0_lowered;
	s3 =	sadd.s32 s3, s5;
	[dreg:$0x0] =	wrdreg $0x0  }
0x2f: {  	s5 =	sshll.u32 s28, $0x1;
	[dreg:$0x2] =	wrdreg s3  }
0x30: {  	[dreg:$0x3] =	wrdreg s5  }
0x31: {  	[dreg:$0x4] =	wrdreg $0xC0  }
0x32: {  	_ =	task [dreg:s23], $0x5FFFF  }
0x33: {  	[dreg:$0x1] =	wrdreg $0xFFFFFFFF  }
0x34: {  	[dreg:$0x0] =	wrdreg $0x60  }
0x35: {  	[dreg:$0x2] =	wrdreg s25  }
0x36: {  	[dreg:$0x3] =	wrdreg $0x9  }
0x37: {  	_ =	task.clear_ibuf [dreg:s23], $0x4FFFF;
	_ =	strace $0x90000049  }
0x38: {  	s29 =	simm.s32 $0x9;
	_ =	strace $0x8000004B  }
0x39: {  	_ =	swait.ge [sflag:s29], $0x1  }
0x3a: {  	[sflag:s29] =	ssyncadd.s32 $0xFFFFFFFF  }
0x3b: {  	_ =	strace $0x9000004B  }
0x3c: {  	_ =	sfence  }
0x3d: {  	s30 =	sld [smem:$0x0];
	_ =	sdelay $0x2  }
0x3e: {  	s31 =	sshll.u32 s1, $0xD;
	s1 =	sshrl.u32 s1, $0x2  }
0x3f: {  	s4 =	sand.u32 $0x4000, s31;
	s1 =	sadd.s32 s1, s30  }
0x40: {  	s0 =	sor.u32 s4, s0;
	s1 =	sshll.u32 s1, $0x11  }
0x41: {  	s0 =	sor.u32 s1, s0  }
0x42: {  	s0 =	sadd.s32 $0x8F2B, s0  }
0x43: {  	[sflag:s0] =	ssyncadd.remote.s32 $0x1  }
0x44: {  	_ =	sfence.sel $0xFFFF  }
0x45: {  	[dreg:$0x0] =	wrdreg $0xFFFFFFFF;
	(pc) =	sbr.abs _section_cstart, $3  }
0x46: {  	[dreg:$0x1] =	wrdreg $0xFFFFFFFF  }
0x47: {  	_ =	task.clear_ibuf [dreg:s23], $0x2FFFF;
	_ =	strace $0x9FFFFFFF  }
0x48: {  	(tm) =	ssettm $0x7FFFFFFF  }
0x49: {  	_ =	shalt  }
tec
execute0_lowered:
.L_overlay_start_1:
0x0: {  	(tag) =	ssettag $0x1  }
0x1: {  	s0 =	srdreg.scid  }
0x2: {  	s5 =	rddreg [dreg:$0x0];
	s1 =	stileid.u32;
	s4 =	simm.s32 $0x1  }
0x3: {  	s6 =	simm.s32 $0x2;
	s15 =	simm.s32 $0x0;
	p0 =	por $0x0, $0x0  }
0x4: {  	s8 =	simm.s32 $0x80;
	s14 =	simm.s32 $0x0;
	s2 =	sshll.u32 s0, $0x4  }
0x5: {  	s9 =	simm.s32 $0x0;
	s10 =	simm.s32 $0x0;
	s2 =	sand.u32 $0x10, s2  }
.Ltmp0:
0x6: {  	s12 =	simm.s32 $0x0;
	s3 =	sor.u32 s1, s2;
	(pc) =	sbr.rel .LBB1_1-.Ltmp0, $4  }
0x7: {  	s0 =	rddreg [dreg:$0x1];
	_ =	strace $0x8000004A;
	s3 =	sshll.u32 s3, $0x7  }
0x8: {  	s13 =	simm.s32 $0x0;
	[sflag:s4] =	ssyncpa.u1 $0x0;
	s7 =	ssub.s32 $0xF4200, s3  }
0x9: {  	s2 =	sadd.s32 $0x98AE00, s5;
	[sflag:s6] =	ssyncpa.u1 $0x0;
	s6 =	sshrl.u32 s7, $0xC  }
0xa: {  	s5 =	sadd.s32 $0xB73400, s5;
	s11 =	smov.u32 s3;
	s7 =	sadd.s32 $0x2, s6  }
.LBB1_5:
0xb: {  	p1 =	slt.u32 s13, $0x2  }
0xc: {  	s17 =	smov.u32 s15;
	p2 =	sgt.s32 @!p1 s15, $0xF41C0;
	s16 =	sshra.s32 @!p1 s15, $0x1F  }
0xd: {  	p3 =	sgt.s32 @!p1 s14, $0x60;
	s18 =	sshra.s32 @!p1 s14, $0x1F;
	p2 =	por !p2, p1  }
0xe: {  	s15 =	sand.u32 @!p1 s16, s15;
	p3 =	por !p3, p1;
	s16 =	smov.u32 s14  }
0xf: {  	s14 =	sand.u32 @!p1 s18, s14;
	s17 =	simm.s32 @p2 $0xF41C0;
	s16 =	simm.s32 @p3 $0x60  }
0x10: {  	s15 =	ssub.s32 @!p1 s17, s15;
	s14 =	ssub.s32 @!p1 s16, s14  }
0x11: {  	s18 =	smov.u32 s12;
	s16 =	sadd.s32 @!p1 $0xFFF0BE40, s15;
	s17 =	sadd.s32 @!p1 $0xFFFFFFA0, s14  }
0x12: {  	s15 =	ssub.s32 @!p1 $0xF4240, s15;
	p2 =	sgt.s32 @!p1 s16, $0x7F;
	p3 =	sgt.s32 @!p1 s17, $0x1F  }
0x13: {  	s14 =	ssub.s32 @!p1 $0x80, s14;
	p2 =	por !p2, p1;
	p3 =	por !p3, p1  }
0x14: {  	s16 =	sadd.s32 $0x1000, s11;
	s15 =	simm.s32 @!p2 $0x0;
	s14 =	simm.s32 @!p3 $0x0  }
0x15: {  	p2 =	sgt.s32 s16, $0xF423F;
	s14 =	smul.u32 @!p1 s14, s15;
	s15 =	sadd.s32 $0x20, s12  }
0x16: {  	s18 =	smov.u32 @p2 s15  }
0x17: {  	s16 =	smov.u32 @p2 s3;
	p2 =	sgt.s32 s18, $0x1F  }
0x18: {  	p0 =	por !p0, !p0;
	s18 =	simm.s32 @p2 $0x0;
	p2 =	sne.s32 s13, s7  }
.Ltmp1:
0x19: {  	s17 =	simm.s32 @!p1 $0x2;
	s14 =	sshrl.u32 @!p1 s14, $0x1;
	(pc) =	sbr.rel @!p2 .LBB1_6-.Ltmp1, $4  }
0x1a: {  	s15 =	smov.u32 s9;
	s9 =	smov.u32 s11;
	s14 =	sand.u32 @!p1 $0x3FFFFFFF, s14  }
0x1b: {  	s11 =	smov.u32 s16;
	s13 =	sadd.s32 $0x1, s13;
	_ =	swait.ge @!p1 [sflag:s17], s14  }
0x1c: {  	s19 =	ssub.s32 @!p1 $0x0, s14;
	s14 =	smov.u32 s10;
	[sflag:s17] =	ssyncset.done @!p1 $0x0  }
0x1d: {  	s10 =	smov.u32 s12;
	s12 =	smov.u32 s18;
	[sflag:s17] =	ssyncadd.s32 @!p1 s19  }
.LBB1_1:
0x1e: {  	p1 =	sgt.u32 s13, s6  }
0x1f: {  	s16 =	sshrl.u32 @!p1 s12, $0x3  }
0x20: {  	s17 =	sshll.u32 @!p1 s11, $0x3;
	s16 =	smul.u32 @!p1 $0x7A1400, s16  }
0x21: {  	s18 =	sshll.u32 @!p1 s12, $0x7;
	s17 =	sand.u32 @!p1 $0xFFFFFC00, s17  }
0x22: {  	s16 =	sadd.s32 @!p1 s16, s17;
	s17 =	sand.u32 @!p1 $0x300, s18;
	s18 =	sshll.u32 @!p1 s11, $0x1  }
0x23: {  	s16 =	sor.u32 @!p1 s17, s16;
	s17 =	sand.u32 @!p1 $0xFE, s18  }
0x24: {  	s18 =	sand.u32 @!p1 $0x1, s12;
	s16 =	sor.u32 @!p1 s17, s16  }
0x25: {  	s17 =	sor.u32 @!p1 s18, s16  }
0x26: {  	s18 =	smulhi.u32 @!p1 $0x218D6287, s17;
	_ =	sdelay $0x1  }
0x27: {  	s16 =	smulhi.u32 @!p1 $0x218D6287, s16;
	s18 =	sshrl.u32 @!p1 s18, $0x11  }
0x28: {  	s18 =	smul.u32 @!p1 $0xF4280, s18  }
0x29: {  	s16 =	sshrl.u32 @!p1 s16, $0x11  }
0x2a: {  	s16 =	sand.u32 @!p1 $0x1F, s16;
	s17 =	ssub.s32 @!p1 s17, s18  }
0x2b: {  	s16 =	smul.u32 @!p1 $0xF428, s16;
	s18 =	sshrl.u32 @!p1 s17, $0x4  }
0x2c: {  	s19 =	sxor.u32 @!p1 $0xFFFFFFFF, s13;
	s17 =	sshll.u32 @!p1 s17, $0x11;
	s18 =	sadd.s32 @!p1 s2, s18  }
0x2d: {  	s17 =	sand.u32 @!p1 $0x1C0000, s17;
	s16 =	sadd.s32 @!p1 s16, s18;
	s18 =	sshll.u32 @!p1 s19, $0xB  }
0x2e: {  	s17 =	sor.u32 @!p1 $0x200, s17;
	s19 =	simm.s32 @!p1 $0x3D0A00;
	s18 =	sand.u32 @!p1 $0x800, s18  }
0x2f: {  	[tilespmem:s18], [sflag:$0x1] =	stream.strided.gather @!p1 [hbm4b:s16+s17], $0x800, s19, s17, $0x38;
	[tilespmem:$0x2080] =	vst v63  }
0x30: {  	p1 =	seq.s32 s13, $0x0  }
0x31: {  	p2 =	sge.u32 @!p1 s13, s7  }
0x32: {  	p1 =	por p1, p2  }
.Ltmp2:
0x33: {  	_ = 	snop;
	(pc) =	sbr.rel @p1 .LBB1_5-.Ltmp2, $1  }
0x34: {  	_ =	sdelay $0x3  }
0x35: {  	s16 =	simm.s32 $0x1  }
0x36: {  	_ =	swait.ge [sflag:s4], $0x800;
	s16 =	simm.s32 @!p0 $0x0  }
0x37: {  	[sflag:s4] =	ssyncset.done $0x0;
	s16 =	sshll.u32 s16, $0xB  }
0x38: {  	[sflag:s4] =	ssyncadd.s32 $0xFFFFF800;
	s16 =	sor.u32 $0x40, s16  }
0x39: {  	v0 =	vld [tilespmem:s16+$0x20]  }
0x3a: {  	v1 =	vld [tilespmem:s16+$0x30]  }
0x3b: {  	v2 =	vld [tilespmem:s16+$0xFFFFFFD0]  }
0x3c: {  	v5 =	vld [tilespmem:s16+$0x0]  }
0x3d: {  	v6 =	vld [tilespmem:s16+$0x10]  }
0x3e: {  	s17 =	sand.u32 $0x1, s13;
	v3 =	vld [tilespmem:s16+$0xFFFFFFE0]  }
0x3f: {  	s17 =	smul.u32 $0x2100, s17;
	v4 =	vld [tilespmem:s16+$0xFFFFFFF0]  }
0x40: {  	s18 =	simm.s32 $0x0;
	v1 =	vperm.xlane.i2c.b16 v1  }
0x41: {  	s19 =	sand.u32 $0x1C, s18;
	s17 =	sshrl.u32 s17, $0x2;
	v8 =	vld [tilespmem:s16+$0xFFFFFFC0];
	s20 =	sadd.s32 $0x80, s16;
	v7 =	vperm.xlane.i2c.b16 v0;
	v0 =	vperm.xlane.i2c.b16 v2  }
0x42: {  	s30 =	sand.u32 $0x20, s18;
	s31 =	sshrl.u32 s19, $0x1;
	s16 =	sor.u32 $0x1000, s17;
	v11 =	vld [tilespmem:s20+$0x30];
	v10 =	vperm.xlane.i2c.b16 v5;
	v13 =	vperm.xlane.i2c.b16 v6  }
0x43: {  	s17 =	sshrl.u32 s30, $0x1;
	s18 =	sadd.s32 s31, s16;
	v2 =	vld [tilespmem:s20+$0x20];
	v3 =	vperm.xlane.i2c.b16 v3;
	v9 =	vcombine.low v7, v1  }
0x44: {  	v12 =	vld [tilespmem:s20+$0xFFFFFFD0];
	s17 =	sadd.s32 s17, s18;
	v4 =	vperm.xlane.i2c.b16 v4;
	v14 =	vcombine.low v10, v13  }
0x45: {  	v1 =	vcombine.high v7, v1;
	v7 =	vld [tilespmem:s20+$0xFFFFFFE0];
	[tilespmem:s17+$0x630 ss:$0x21] =	vst.msk $0xffff, v9  }
0x46: {  	v6 =	vld [tilespmem:s20+$0xFFFFFFF0];
	v5 =	vperm.xlane.i2c.b16 v8;
	v9 =	vcombine.low v3, v4;
	[tilespmem:s17+$0x420 ss:$0x21] =	vst.msk $0xffff, v14  }
0x47: {  	s18 =	simm.s32 $0x4;
	v8 =	vperm.xlane.i2c.b16 v11;
	[tilespmem:s17+$0x631 ss:$0x21] =	vst.msk $0xffff, v1;
	v1 =	vcombine.high v3, v4;
	v4 =	vld [tilespmem:s20+$0x0]  }
0x48: {  	s19 =	simm.s32 $0x2;
	s22 =	sand.u32 $0x1C, s18;
	v10 =	vcombine.high v10, v13;
	v3 =	vld [tilespmem:s20+$0x10];
	[tilespmem:s17+$0x210 ss:$0x21] =	vst.msk $0xffff, v9;
	v9 =	vperm.xlane.i2c.b16 v2  }
0x49: {  	s21 =	sand.u32 $0x20, s18;
	s22 =	sshrl.u32 s22, $0x1;
	v11 =	vcombine.low v5, v0;
	v2 =	vld [tilespmem:s20+$0xFFFFFFC0];
	s20 =	sadd.s32 $0x80, s20;
	[tilespmem:s17+$0x211 ss:$0x21] =	vst.msk $0xffff, v1;
	v1 =	vperm.xlane.i2c.b16 v12  }
.LBB1_3:
0x4a: {  	v12 =	vld [tilespmem:s20+$0x20];
	s22 =	sadd.s32 s22, s16;
	s21 =	sshrl.u32 s21, $0x1;
	v13 =	vperm.xlane.i2c.b16 v7;
	v7 =	vcombine.low v9, v8;
	[tilespmem:s17+$0x421 ss:$0x21] =	vst.msk $0xffff, v10  }
0x4b: {  	s19 =	sadd.s32 $0x2, s19;
	v14 =	vld [tilespmem:s20+$0x30];
	s21 =	sadd.s32 s21, s22;
	v10 =	vperm.xlane.i2c.b16 v6;
	v6 =	vcombine.high v9, v8;
	[tilespmem:s17+$0x0 ss:$0x21] =	vst.msk $0xffff, v11  }
0x4c: {  	p1 =	slt.u32 s19, $0x1E;
	v11 =	vld [tilespmem:s20+$0xFFFFFFD0];
	v8 =	vperm.xlane.i2c.b16 v4;
	[tilespmem:s21+$0x630 ss:$0x21] =	vst.msk $0xffff, v7;
	v4 =	vcombine.high v5, v0;
	v0 =	vmov v1  }
.Ltmp3:
0x4d: {  	v7 =	vld [tilespmem:s20+$0xFFFFFFE0];
	v1 =	vcombine.low v13, v10;
	v3 =	vperm.xlane.i2c.b16 v3;
	[tilespmem:s21+$0x631 ss:$0x21] =	vst.msk $0xffff, v6;
	(pc) =	sbr.rel @p1 .LBB1_3-.Ltmp3, $4  }
0x4e: {  	v6 =	vld [tilespmem:s20+$0xFFFFFFF0];
	v5 =	vperm.xlane.i2c.b16 v2;
	v2 =	vcombine.high v13, v10;
	[tilespmem:s17+$0x1 ss:$0x21] =	vst.msk $0xffff, v4;
	s17 =	smov.u32 s21  }
0x4f: {  	s18 =	sadd.s32 $0x4, s18;
	v4 =	vld [tilespmem:s20+$0x0];
	[tilespmem:s17+$0x210 ss:$0x21] =	vst.msk $0xffff, v1;
	v13 =	vcombine.low v8, v3;
	v10 =	vcombine.high v8, v3  }
0x50: {  	s22 =	sand.u32 $0x1C, s18;
	v9 =	vperm.xlane.i2c.b16 v12;
	v3 =	vld [tilespmem:s20+$0x10];
	v8 =	vperm.xlane.i2c.b16 v14;
	[tilespmem:s17+$0x211 ss:$0x21] =	vst.msk $0xffff, v2  }
0x51: {  	s22 =	sshrl.u32 s22, $0x1;
	s21 =	sand.u32 $0x20, s18;
	v2 =	vld [tilespmem:s20+$0xFFFFFFC0];
	v1 =	vperm.xlane.i2c.b16 v11;
	s20 =	sadd.s32 $0x80, s20;
	v11 =	vcombine.low v5, v0;
	[tilespmem:s17+$0x420 ss:$0x21] =	vst.msk $0xffff, v13  }
0x52: {  	s18 =	sadd.s32 s22, s16;
	s19 =	sshll.u32 s9, $0x7;
	s20 =	sshll.u32 s10, $0x3  }
0x53: {  	s21 =	sshrl.u32 s21, $0x1;
	s24 =	sshll.u32 s10, $0x1;
	p1 =	sgt.s32 s9, $0xF41C0  }
0x54: {  	s22 =	smov.u32 s9;
	s26 =	sshra.s32 s9, $0x1F;
	s23 =	sand.u32 $0xFFFFFC00, s19  }
0x55: {  	s20 =	sand.u32 $0xFFFFFC00, s20;
	s19 =	sand.u32 $0x300, s19;
	s25 =	sand.u32 $0x80, s24  }
0x56: {  	s18 =	sadd.s32 s21, s18;
	s22 =	simm.s32 @!p1 $0xF41C0;
	p1 =	sgt.s32 s10, $0x60  }
0x57: {  	s21 =	smov.u32 s10;
	s20 =	sadd.s32 s20, s23;
	s23 =	sshra.s32 s10, $0x1F  }
0x58: {  	s21 =	simm.s32 @!p1 $0x60;
	s19 =	sor.u32 s19, s20;
	s20 =	sand.u32 s26, s9  }
0x59: {  	v7 =	vperm.xlane.i2c.b16 v7;
	[tilespmem:s17+$0x421 ss:$0x21] =	vst.msk $0xffff, v10;
	v0 =	vcombine.high v5, v0;
	s23 =	sand.u32 s23, s10;
	s19 =	sor.u32 s25, s19;
	s20 =	ssub.s32 s22, s20  }
0x5a: {  	v57 =	vcombine.low v9, v8;
	v6 =	vperm.xlane.i2c.b16 v6;
	[tilespmem:s17+$0x0 ss:$0x21] =	vst.msk $0xffff, v11;
	s21 =	ssub.s32 s21, s23;
	s19 =	sshrl.u32 s19, $0x7;
	s22 =	sadd.s32 $0xFFF0BE40, s20  }
0x5b: {  	v58 =	vcombine.high v9, v8;
	v4 =	vperm.xlane.i2c.b16 v4;
	[tilespmem:s17+$0x1 ss:$0x21] =	vst.msk $0xffff, v0;
	s23 =	sadd.s32 $0xFFFFFFA0, s21;
	s20 =	ssub.s32 $0xF4240, s20;
	s21 =	ssub.s32 $0x80, s21  }
0x5c: {  	[tilespmem:s18+$0x630 ss:$0x21] =	vst.msk $0xffff, v57;
	v59 =	vcombine.low v7, v6;
	v3 =	vperm.xlane.i2c.b16 v3;
	s27 =	smulhi.u32 $0x218DEF5, s19;
	p1 =	sgt.s32 s22, $0x7F;
	p2 =	sgt.s32 s23, $0x1F  }
0x5d: {  	[tilespmem:s18+$0x631 ss:$0x21] =	vst.msk $0xffff, v58;
	v60 =	vcombine.high v7, v6;
	s20 =	simm.s32 @p1 $0x0;
	s21 =	simm.s32 @p2 $0x0  }
0x5e: {  	v2 =	vperm.xlane.i2c.b16 v2;
	[tilespmem:s18+$0x210 ss:$0x21] =	vst.msk $0xffff, v59;
	v61 =	vcombine.low v4, v3;
	s17 =	sshrl.u32 s27, $0xD;
	s20 =	smul.u32 s21, s20  }
0x5f: {  	v3 =	vcombine.high v4, v3;
	[tilespmem:s18+$0x211 ss:$0x21] =	vst.msk $0xffff, v60;
	s17 =	smul.u32 $0xF4240, s17  }
.Ltmp4:
0x60: {  	s28 =	sshrl.u32 s10, $0x3;
	s29 =	sand.u32 $0x7, s10;
	v62 =	vcombine.low v2, v1;
	[tilespmem:s18+$0x420 ss:$0x21] =	vst.msk $0xffff, v61;
	(pc) =	sbr.rel .LBB1_5-.Ltmp4, $4  }
0x61: {  	v63 =	vcombine.high v2, v1;
	[tilespmem:s18+$0x421 ss:$0x21] =	vst.msk $0xffff, v3;
	s21 =	sshll.u32 s29, $0x12;
	s17 =	ssub.s32 s19, s17;
	s19 =	sand.u32 $0x7, s28  }
0x62: {  	[tilespmem:s18+$0x0 ss:$0x21] =	vst.msk $0xffff, v62;
	s20 =	sshrl.u32 s20, $0x1;
	s17 =	sshll.u32 s17, $0x3;
	s19 =	sadd.s32 s5, s19  }
0x63: {  	[tilespmem:s18+$0x1 ss:$0x21] =	vst.msk $0xffff, v63;
	s31 =	sor.u32 $0x20, s21;
	s30 =	sand.u32 $0x3FFFFFFF, s20;
	s17 =	sadd.s32 s17, s19  }
0x64: {  	[hbm4b:s17+s31] =	stream.strided.scatter [tilespmem:s16], [sflag:$0x2], s30, s8, s31, $0x10;
	[tilespmem:$0x2080] =	vst v63  }
.LBB1_6:
0x65: {  	_ =	sfence.sel $0x180000  }
0x66: {  	s2 =	simm.s32 $0x1;
	[bflag:$0x0] =	sbarrier.arrive $0xFFFF  }
0x67: {  	s31 =	simm.s32 $0x2;
	[sflag:s2] =	ssyncpa.u1 $0x1  }
0x68: {  	[sflag:s31] =	ssyncpa.u1 $0x1  }
0x69: {  	p0 =	sne.s32 s1, $0x0;
	_ =	strace $0x9000004A  }
0x6a: {  	s0 =	sadd.s32 @!p0 $0x100000, s0;
	[bflag:$0x2] =	sbarrier.arrive $0xFFFF  }
0x6b: {  	[sflag:s0] =	ssyncadd.tile.s32 @!p0 $0x1;
	_ =	shalt  }
.Lfunc_end1:
_tile_overlayer_lowered:
.L_overlay_start_2:
0x6c: {  	(tag) =	ssettag $0x2  }
0x6d: {  	s0 =	rddreg [dreg:$0x0];
	s2 =	stileid.u32  }
0x6e: {  	s1 =	rddreg [dreg:$0x1];
	p0 =	sne.s32 s2, $0x0  }
0x6f: {  	s3 =	rddreg [dreg:$0x2];
	[bflag:$0x3] =	sbarrier.arrive $0xFFFF;
	s2 =	simm.s32 @!p0 $0x1C01  }
0x70: {  	[timem:s3], [sflag:s2] =	dma.local @!p0 [hbm:s0], s1  }
0x71: {  	s0 =	simm.s32 @!p0 $0x1  }
0x72: {  	_ =	swait.ge @!p0 [sflag:s0], s1  }
0x73: {  	s1 =	ssub.s32 @!p0 $0x0, s1;
	[sflag:s0] =	ssyncset.done @!p0 $0x0  }
0x74: {  	[sflag:s0] =	ssyncadd.s32 @!p0 s1  }
0x75: {  	[bflag:$0x3] =	sbarrier.arrive $0xFFFF  }
0x76: {  	_ =	shalt  }

// kernel: sparse-core-data-format-call.2.cloned.1.call-start
scs
called_computation.2_lowered:
.L_overlay_start_0:
0x0: {  	s2 =	sld [smem:$0x3FD9]  }
0x1: {  	s3 =	sld [smem:$0x3FFE];
	_ =	sdelay $0x1  }
0x2: {  	s1 =	srdreg.scid  }
0x3: {  	s0 =	sand.u32 $0x1, s1  }
0x4: {  	s18 =	sshll.u32 s0, $0xA;
	s2 =	sadd.s32 s3, s2  }
0x5: {  	s2 =	sadd.s32 s2, s18  }
0x6: {  	[smem:$0x3FC1] =	sst s2  }
0x7: {  	_ = 	snop  }
0x8: {  	(tm) =	ssettm $0x1  }
0x9: {  	s19 =	sld [smem:$0x3FFB];
	_ =	sdelay $0x3  }
0xa: {  	_ =	strace s19  }
0xb: {  	s2 =	sld [smem:$0x3FFC];
	_ =	sdelay $0x3  }
0xc: {  	_ =	strace s2  }
0xd: {  	s2 =	sld [smem:$0x3FFD];
	_ =	sdelay $0x3  }
0xe: {  	_ =	strace s2  }
0xf: {  	_ =	strace $0x8FFFFFFF  }
0x10: {  	s20 =	sld [smem:$0x3FDB];
	_ =	sdelay $0x1  }
0x11: {  	s21 =	simm.s32 $_scs_section_size  }
0x12: {  	s4 =	simm.s32 $_size__tile_overlayer_lowered;
	s5 =	simm.s32 $_tile_overlayer_lowered  }
0x13: {  	s6 =	simm.s32 $0x1BFF;
	s22 =	sshll.u32 s5, $0x1;
	s3 =	sadd.s32 s21, s20  }
0x14: {  	s23 =	simm.s32 $0x0;
	s4 =	sshll.u32 s4, $0x1;
	s5 =	sadd.s32 s22, s3  }
0x15: {  	[timem:s23], [sflag:s6] =	dma.local [hbm:s5], s4  }
0x16: {  	_ =	swait.ge [sflag:s6], s4  }
0x17: {  	s4 =	ssub.s32 $0x0, s4;
	[sflag:s6] =	ssyncset.done $0x0  }
0x18: {  	[sflag:s6] =	ssyncadd.s32 s4;
	_ =	sdelay $0x1  }
0x19: {  	s24 =	simm.s32 $0x1B8B  }
0x1a: {  	_ =	swait.ge [sflag:s24], $0x1  }
0x1b: {  	[sflag:s24] =	ssyncset.done $0x0  }
0x1c: {  	[sflag:s24] =	ssyncadd.s32 $0xFFFFFFFF  }
0x1d: {  	s4 =	sld [smem:$0x0]  }
0x1e: {  	s5 =	sand.u32 $0xFFFFFFFE, s1  }
0x1f: {  	p0 =	sne.s32 s1, s5  }
0x20: {  	s5 =	sshll.u32 @p0 s5, $0xE  }
0x21: {  	s5 =	sadd.s32 @p0 $0x11B8D, s5;
	s6 =	sshll.u32 @p0 s4, $0x11  }
0x22: {  	s5 =	sor.u32 @p0 s6, s5  }
0x23: {  	[sflag:s5] =	ssyncadd.remote.s32 @p0 $0x1;
	_ =	sdelay $0x1  }
0x24: {  	s5 =	simm.s32 @p0 $0x1B8D  }
0x25: {  	_ =	swait.eq @p0 [sflag:s5], $0x1  }
0x26: {  	[sflag:s5] =	ssyncadd.s32 @p0 $0xFFFFFFFF  }
0x27: {  	s6 =	sshll.u32 @!p0 s1, $0xE  }
0x28: {  	s6 =	sor.u32 @!p0 $0x4000, s6;
	s5 =	simm.s32 @!p0 $0x1B8D  }
0x29: {  	s4 =	sshll.u32 @!p0 s4, $0x11;
	s6 =	sadd.s32 @!p0 $0x11B8D, s6;
	_ =	swait.eq @!p0 [sflag:s5], $0x1  }
0x2a: {  	s4 =	sor.u32 @!p0 s4, s6;
	[sflag:s5] =	ssyncadd.s32 @!p0 $0xFFFFFFFF  }
0x2b: {  	s26 =	simm.s32 $0x1B8E;
	s25 =	sld [smem:$0x3FFE];
	[sflag:s4] =	ssyncadd.remote.s32 @!p0 $0x1  }
0x2c: {  	s27 =	simm.s32 $execute0_lowered;
	[smem:$0x3FD2] =	sst s26  }
0x2d: {  	s5 =	sshll.u32 s27, $0x1;
	_ =	strace $0x8000004C;
	[dreg:$0x1] =	wrdreg $0xFFFFFFFF  }
0x2e: {  	s28 =	simm.s32 $_size_execute0_lowered;
	s3 =	sadd.s32 s3, s5;
	[dreg:$0x0] =	wrdreg $0x0  }
0x2f: {  	s5 =	sshll.u32 s28, $0x1;
	[dreg:$0x2] =	wrdreg s3  }
0x30: {  	[dreg:$0x3] =	wrdreg s5  }
0x31: {  	[dreg:$0x4] =	wrdreg $0xC0  }
0x32: {  	_ =	task [dreg:s23], $0x5FFFF  }
0x33: {  	[dreg:$0x1] =	wrdreg $0xFFFFFFFF  }
0x34: {  	[dreg:$0x0] =	wrdreg $0x60  }
0x35: {  	[dreg:$0x2] =	wrdreg s25  }
0x36: {  	[dreg:$0x3] =	wrdreg $0xA  }
0x37: {  	_ =	task.clear_ibuf [dreg:s23], $0x4FFFF;
	_ =	strace $0x9000004C  }
0x38: {  	s29 =	simm.s32 $0xA;
	_ =	strace $0x8000004E  }
0x39: {  	_ =	swait.ge [sflag:s29], $0x1  }
0x3a: {  	[sflag:s29] =	ssyncadd.s32 $0xFFFFFFFF  }
0x3b: {  	_ =	strace $0x9000004E  }
0x3c: {  	_ =	sfence  }
0x3d: {  	s30 =	sld [smem:$0x0];
	_ =	sdelay $0x2  }
0x3e: {  	s31 =	sshll.u32 s1, $0xD;
	s1 =	sshrl.u32 s1, $0x2  }
0x3f: {  	s4 =	sand.u32 $0x4000, s31;
	s1 =	sadd.s32 s1, s30  }
0x40: {  	s0 =	sor.u32 s4, s0;
	s1 =	sshll.u32 s1, $0x11  }
0x41: {  	s0 =	sor.u32 s1, s0  }
0x42: {  	s0 =	sadd.s32 $0x8F2B, s0  }
0x43: {  	[sflag:s0] =	ssyncadd.remote.s32 $0x1  }
0x44: {  	_ =	sfence.sel $0xFFFF  }
0x45: {  	[dreg:$0x0] =	wrdreg $0xFFFFFFFF;
	(pc) =	sbr.abs _section_cstart, $3  }
0x46: {  	[dreg:$0x1] =	wrdreg $0xFFFFFFFF  }
0x47: {  	_ =	task.clear_ibuf [dreg:s23], $0x2FFFF;
	_ =	strace $0x9FFFFFFF  }
0x48: {  	(tm) =	ssettm $0x7FFFFFFF  }
0x49: {  	_ =	shalt  }
tec
execute0_lowered:
.L_overlay_start_1:
0x0: {  	(tag) =	ssettag $0x1  }
0x1: {  	s0 =	srdreg.scid  }
0x2: {  	s5 =	rddreg [dreg:$0x0];
	s1 =	stileid.u32;
	s4 =	simm.s32 $0x1  }
0x3: {  	s6 =	simm.s32 $0x2;
	s8 =	simm.s32 $0x0;
	s2 =	sshll.u32 s0, $0x4  }
0x4: {  	s9 =	simm.s32 $0x0;
	s13 =	simm.s32 $0x0;
	s2 =	sand.u32 $0x10, s2  }
.Ltmp0:
0x5: {  	s10 =	simm.s32 $0x0;
	s3 =	sor.u32 s1, s2;
	(pc) =	sbr.rel .LBB1_1-.Ltmp0, $4  }
0x6: {  	s0 =	rddreg [dreg:$0x1];
	_ =	strace $0x8000004D;
	s3 =	sshll.u32 s3, $0x4  }
0x7: {  	s12 =	simm.s32 $0x0;
	[sflag:s4] =	ssyncpa.u1 $0x0;
	s7 =	ssub.s32 $0x3D00, s3  }
0x8: {  	s2 =	sadd.s32 $0x1E9C00, s5;
	[sflag:s6] =	ssyncpa.u1 $0x0;
	s6 =	sshrl.u32 s7, $0x9  }
0x9: {  	s5 =	sadd.s32 $0x1600, s5;
	s11 =	smov.u32 s3;
	s7 =	sadd.s32 $0x2, s6  }
.LBB1_7:
0xa: {  	s15 =	sshll.u32 s12, $0xF  }
0xb: {  	s15 =	sand.u32 $0x8000, s15  }
0xc: {  	s16 =	sshll.u32 s10, $0x7;
	s15 =	sshrl.u32 s15, $0x1  }
0xd: {  	s16 =	sadd.s32 s5, s16;
	s15 =	sor.u32 $0x8000, s15  }
0xe: {  	[hbm4b:s16+s8] =	stream.linear.scatter [tilespmem:s15], [sflag:$0x2], s14, $0x38;
	[tilespmem:$0x10000] =	vst v63  }
.LBB1_8:
0xf: {  	p0 =	slt.u32 s12, $0x2  }
0x10: {  	p1 =	sgt.s32 @!p0 s13, $0x3CF9  }
0x11: {  	s14 =	smov.u32 s13;
	s15 =	sshra.s32 @!p0 s13, $0x1F;
	p1 =	por !p1, p0  }
0x12: {  	s13 =	sand.u32 @!p0 s15, s13;
	s14 =	simm.s32 @p1 $0x3CF9  }
0x13: {  	s13 =	ssub.s32 @!p0 s14, s13  }
0x14: {  	s13 =	sadd.s32 @!p0 $0xFFFFC307, s13  }
0x15: {  	s14 =	sshll.u32 @!p0 s13, $0xC  }
0x16: {  	p1 =	sgt.s32 @!p0 s13, $0xF;
	s13 =	ssub.s32 @!p0 $0x10000, s14  }
0x17: {  	s15 =	sadd.s32 $0x200, s11;
	p1 =	por !p1, p0;
	s13 =	sshrl.u32 @!p0 s13, $0x2  }
0x18: {  	s13 =	simm.s32 @!p1 $0x0;
	p1 =	sgt.s32 s15, $0x3D08  }
0x19: {  	s15 =	smov.u32 @p1 s3;
	p1 =	sne.s32 s12, s7  }
.Ltmp1:
0x1a: {  	_ = 	snop;
	(pc) =	sbr.rel @!p1 .LBB1_9-.Ltmp1, $4  }
0x1b: {  	s14 =	simm.s32 @!p0 $0x2  }
0x1c: {  	s9 =	sadd.s32 $0x8000, s9;
	_ =	swait.ge @!p0 [sflag:s14], s13;
	s16 =	ssub.s32 @!p0 $0x0, s13  }
0x1d: {  	s13 =	smov.u32 s10;
	s12 =	sadd.s32 $0x1, s12;
	[sflag:s14] =	ssyncset.done @!p0 $0x0  }
0x1e: {  	s10 =	smov.u32 s11;
	s11 =	smov.u32 s15;
	[sflag:s14] =	ssyncadd.s32 @!p0 s16  }
.LBB1_1:
0x1f: {  	p0 =	sgt.u32 s12, s6  }
0x20: {  	p1 =	sgt.s32 @!p0 s11, $0x3CF9  }
0x21: {  	s14 =	smov.u32 s11;
	s15 =	sshra.s32 @!p0 s11, $0x1F;
	p1 =	por !p1, p0  }
0x22: {  	s15 =	sand.u32 @!p0 s15, s11;
	s14 =	simm.s32 @p1 $0x3CF9  }
0x23: {  	s14 =	ssub.s32 @!p0 s14, s15  }
0x24: {  	s14 =	sadd.s32 @!p0 $0xFFFFC307, s14  }
0x25: {  	s16 =	sshll.u32 @!p0 s11, $0x7;
	s17 =	simm.s32 @!p0 $0x0;
	s15 =	sshll.u32 @!p0 s14, $0xC  }
0x26: {  	p1 =	sgt.s32 @!p0 s14, $0xF;
	s14 =	ssub.s32 @!p0 $0x10000, s15;
	s15 =	sxor.u32 @!p0 $0xFFFFFFFF, s12  }
0x27: {  	p1 =	por !p1, p0;
	s14 =	sshrl.u32 @!p0 s14, $0x2;
	s15 =	sshll.u32 @!p0 s15, $0xE  }
0x28: {  	s16 =	sadd.s32 @!p0 s2, s16;
	s14 =	simm.s32 @!p1 $0x0;
	s15 =	sand.u32 @!p0 $0x4000, s15  }
0x29: {  	[tilespmem:s15], [sflag:$0x1] =	stream.linear.gather @!p0 [hbm4b:s16+s17], s14, $0x38;
	[tilespmem:$0x10000] =	vst v63  }
0x2a: {  	p0 =	seq.s32 s12, $0x0  }
0x2b: {  	p1 =	sge.u32 @!p0 s12, s7  }
0x2c: {  	p0 =	por p0, p1  }
.Ltmp2:
0x2d: {  	_ = 	snop;
	(pc) =	sbr.rel @p0 .LBB1_8-.Ltmp2, $1  }
0x2e: {  	_ =	sdelay $0x3  }
0x2f: {  	p0 =	sgt.s32 s10, $0x3CF9;
	s14 =	smov.u32 s10;
	s15 =	sshra.s32 s10, $0x1F  }
0x30: {  	s14 =	simm.s32 @!p0 $0x3CF9;
	s15 =	sand.u32 s15, s10  }
0x31: {  	s14 =	ssub.s32 s14, s15  }
0x32: {  	s16 =	sadd.s32 $0x10, s10;
	s14 =	sadd.s32 $0xFFFFC307, s14  }
0x33: {  	p1 =	slt.s32 s16, $0x3D09;
	s30 =	sshll.u32 s14, $0xC  }
0x34: {  	s16 =	simm.s32 @!p1 $0x3D09;
	s15 =	ssub.s32 $0x10000, s30  }
0x35: {  	p0 =	sgt.s32 s14, $0xF;
	s14 =	sshrl.u32 s15, $0x2;
	s15 =	ssub.s32 s16, s10  }
0x36: {  	s14 =	simm.s32 @p0 $0x0;
	p0 =	slt.s32 s15, $0x1  }
.Ltmp3:
0x37: {  	_ = 	snop;
	(pc) =	sbr.rel @p0 .LBB1_7-.Ltmp3, $4  }
0x38: {  	_ = 	snop  }
0x39: {  	_ =	swait.ge [sflag:s4], s14  }
0x3a: {  	s31 =	ssub.s32 $0x0, s14;
	[sflag:s4] =	ssyncset.done $0x0  }
0x3b: {  	[sflag:s4] =	ssyncadd.s32 s31  }
0x3c: {  	s16 =	sshrl.u32 s9, $0x1  }
0x3d: {  	s17 =	sand.u32 $0x4000, s16  }
0x3e: {  	s18 =	simm.s32 $0x0;
	s16 =	sor.u32 $0x200, s17;
	s17 =	sor.u32 $0x8080, s17  }
.LBB1_4:
0x3f: {  	v0 =	vld [tilespmem:s16+$0xFFFFFE70]  }
0x40: {  	v1 =	vld [tilespmem:s16+$0x70]  }
0x41: {  	v2 =	vld [tilespmem:s16+$0x0]  }
0x42: {  	v3 =	vld [tilespmem:s16+$0xFFFFFE10]  }
0x43: {  	v4 =	vld [tilespmem:s16+$0x10]  }
0x44: {  	v5 =	vld [tilespmem:s16+$0xFFFFFE20]  }
0x45: {  	v7 =	vld [tilespmem:s16+$0x20]  }
0x46: {  	v11 =	vld [tilespmem:s16+$0x30];
	v6 =	vunpack.i.l.s16.s32 v0;
	v8 =	vunpack.i.u.s16.s32 v0;
	v9 =	vunpack.i.u.s16.s32 v1  }
0x47: {  	v10 =	vunpack.i.l.s16.s32 v1;
	v0 =	vunpack.i.u.s16.s32 v2;
	v1 =	vunpack.i.l.s16.s32 v2;
	v2 =	vld [tilespmem:s16+$0xFFFFFE30]  }
0x48: {  	v8 =	vpack.i.b32.b16 v9, v8;
	v9 =	vunpack.i.u.s16.s32 v3;
	v3 =	vunpack.i.l.s16.s32 v3  }
0x49: {  	v12 =	vld [tilespmem:s16+$0xFFFFFE40];
	v6 =	vpack.i.b32.b16 v10, v6;
	[tilespmem:s17+$0x70] =	vst v8;
	v8 =	vunpack.i.u.s16.s32 v4;
	v4 =	vunpack.i.l.s16.s32 v4  }
0x4a: {  	v13 =	vld [tilespmem:s16+$0x40];
	v10 =	vunpack.i.u.s16.s32 v5;
	v5 =	vunpack.i.l.s16.s32 v5;
	[tilespmem:s17+$0xFFFFFFF0] =	vst v6;
	v3 =	vpack.i.b32.b16 v4, v3  }
0x4b: {  	v6 =	vunpack.i.l.s16.s32 v7;
	v4 =	vld [tilespmem:s16+$0xFFFFFE50];
	[tilespmem:s17+$0xFFFFFF90] =	vst v3;
	v3 =	vpack.i.b32.b16 v8, v9;
	v8 =	vunpack.i.u.s16.s32 v7  }
0x4c: {  	v7 =	vunpack.i.l.s16.s32 v11;
	[tilespmem:s17+$0x10] =	vst v3;
	v3 =	vpack.i.b32.b16 v6, v5;
	v9 =	vunpack.i.u.s16.s32 v2;
	v6 =	vld [tilespmem:s16+$0x50]  }
0x4d: {  	v5 =	vunpack.i.l.s16.s32 v2;
	v2 =	vld [tilespmem:s16+$0xFFFFFE60];
	[tilespmem:s17+$0xFFFFFFA0] =	vst v3;
	v3 =	vpack.i.b32.b16 v8, v10;
	v10 =	vunpack.i.u.s16.s32 v11  }
0x4e: {  	s21 =	simm.s32 $0x0;
	v11 =	vpack.i.b32.b16 v7, v5;
	v7 =	vunpack.i.u.s16.s32 v12;
	v8 =	vunpack.i.l.s16.s32 v12;
	[tilespmem:s17+$0x20] =	vst v3;
	v3 =	vld [tilespmem:s16+$0x60]  }
0x4f: {  	s22 =	sadd.s32 $0x80, s16;
	s20 =	smov.u32 s17;
	s19 =	smov.u32 s17;
	v5 =	vld [tilespmem:s16+$0xFFFFFE00];
	[tilespmem:s17+$0xFFFFFFB0] =	vst v11;
	v10 =	vpack.i.b32.b16 v10, v9;
	v9 =	vunpack.i.u.s16.s32 v13;
	v11 =	vunpack.i.l.s16.s32 v13  }
.LBB1_5:
0x50: {  	v12 =	vld [tilespmem:s22+$0xFFFFFE70];
	[tilespmem:s20+$0x30] =	vst v10;
	v8 =	vpack.i.b32.b16 v11, v8;
	v10 =	vunpack.i.u.s16.s32 v4;
	v4 =	vunpack.i.l.s16.s32 v4  }
0x51: {  	s21 =	sadd.s32 $0x2, s21;
	v7 =	vpack.i.b32.b16 v9, v7;
	v11 =	vld [tilespmem:s22+$0x70];
	[tilespmem:s20+$0xFFFFFFC0] =	vst v8;
	v8 =	vunpack.i.u.s16.s32 v6;
	v6 =	vunpack.i.l.s16.s32 v6  }
0x52: {  	p0 =	slt.u32 s21, $0x6;
	v9 =	vld [tilespmem:s22+$0x0];
	[tilespmem:s20+$0x40] =	vst v7;
	v4 =	vpack.i.b32.b16 v6, v4;
	v6 =	vunpack.i.u.s16.s32 v2;
	v2 =	vunpack.i.l.s16.s32 v2  }
0x53: {  	v7 =	vld [tilespmem:s22+$0xFFFFFE10];
	[tilespmem:s20+$0xFFFFFFD0] =	vst v4;
	v4 =	vpack.i.b32.b16 v8, v10;
	v8 =	vunpack.i.u.s16.s32 v3;
	v3 =	vunpack.i.l.s16.s32 v3  }
0x54: {  	v10 =	vld [tilespmem:s22+$0x10];
	v13 =	vunpack.i.u.s16.s32 v5;
	v5 =	vunpack.i.l.s16.s32 v5;
	[tilespmem:s20+$0x50] =	vst v4;
	v2 =	vpack.i.b32.b16 v3, v2  }
0x55: {  	v3 =	vld [tilespmem:s22+$0xFFFFFE20];
	v4 =	vunpack.i.l.s16.s32 v12;
	v1 =	vpack.i.b32.b16 v1, v5;
	v5 =	vpack.i.b32.b16 v0, v13;
	[tilespmem:s20+$0xFFFFFFE0] =	vst v2  }
0x56: {  	v12 =	vunpack.i.u.s16.s32 v12;
	v2 =	vld [tilespmem:s22+$0x20];
	v13 =	vunpack.i.u.s16.s32 v11;
	v11 =	vunpack.i.l.s16.s32 v11;
	[tilespmem:s20+$0xFFFFFF80] =	vst v1  }
0x57: {  	s20 =	sadd.s32 $0x100, s20;
	v0 =	vunpack.i.u.s16.s32 v9;
	v1 =	vunpack.i.l.s16.s32 v9;
	v9 =	vld [tilespmem:s22+$0xFFFFFE30];
	v12 =	vpack.i.b32.b16 v13, v12;
	[tilespmem:s19+$0x0] =	vst v5  }
0x58: {  	v6 =	vpack.i.b32.b16 v8, v6;
	v5 =	vunpack.i.u.s16.s32 v7;
	v7 =	vunpack.i.l.s16.s32 v7;
	v13 =	vld [tilespmem:s22+$0x30];
	[tilespmem:s20+$0x70] =	vst v12  }
0x59: {  	v4 =	vpack.i.b32.b16 v11, v4;
	v8 =	vunpack.i.u.s16.s32 v10;
	v10 =	vunpack.i.l.s16.s32 v10;
	v12 =	vld [tilespmem:s22+$0xFFFFFE40];
	[tilespmem:s19+$0x60] =	vst v6;
	s19 =	smov.u32 s20  }
0x5a: {  	v6 =	vpack.i.b32.b16 v10, v7;
	v7 =	vunpack.i.u.s16.s32 v3;
	v3 =	vunpack.i.l.s16.s32 v3;
	v11 =	vld [tilespmem:s22+$0x40];
	[tilespmem:s20+$0xFFFFFFF0] =	vst v4  }
.Ltmp4:
0x5b: {  	v5 =	vpack.i.b32.b16 v8, v5;
	[tilespmem:s20+$0xFFFFFF90] =	vst v6;
	v8 =	vunpack.i.u.s16.s32 v2;
	v2 =	vunpack.i.l.s16.s32 v2;
	v4 =	vld [tilespmem:s22+$0xFFFFFE50];
	(pc) =	sbr.rel @p0 .LBB1_5-.Ltmp4, $4  }
0x5c: {  	[tilespmem:s20+$0x10] =	vst v5;
	v2 =	vpack.i.b32.b16 v2, v3;
	v10 =	vunpack.i.u.s16.s32 v9;
	v3 =	vunpack.i.l.s16.s32 v9;
	v6 =	vld [tilespmem:s22+$0x50]  }
0x5d: {  	v5 =	vpack.i.b32.b16 v8, v7;
	[tilespmem:s20+$0xFFFFFFA0] =	vst v2;
	v9 =	vunpack.i.u.s16.s32 v13;
	v7 =	vunpack.i.l.s16.s32 v13;
	v2 =	vld [tilespmem:s22+$0xFFFFFE60]  }
0x5e: {  	[tilespmem:s20+$0x20] =	vst v5;
	v13 =	vpack.i.b32.b16 v7, v3;
	v7 =	vunpack.i.u.s16.s32 v12;
	v8 =	vunpack.i.l.s16.s32 v12;
	v3 =	vld [tilespmem:s22+$0x60]  }
0x5f: {  	v10 =	vpack.i.b32.b16 v9, v10;
	v5 =	vld [tilespmem:s22+$0xFFFFFE00];
	[tilespmem:s20+$0xFFFFFFB0] =	vst v13;
	v9 =	vunpack.i.u.s16.s32 v11;
	v11 =	vunpack.i.l.s16.s32 v11;
	s22 =	sadd.s32 $0x80, s22  }
0x60: {  	[tilespmem:s20+$0x30] =	vst v10;
	v8 =	vpack.i.b32.b16 v11, v8  }
0x61: {  	v51 =	vunpack.i.l.s16.s32 v4;
	v7 =	vpack.i.b32.b16 v9, v7;
	[tilespmem:s20+$0xFFFFFFC0] =	vst v8;
	v52 =	vunpack.i.l.s16.s32 v6  }
0x62: {  	v53 =	vunpack.i.u.s16.s32 v4;
	s18 =	sadd.s32 $0x1, s18;
	v54 =	vunpack.i.u.s16.s32 v6;
	[tilespmem:s20+$0x40] =	vst v7;
	v55 =	vpack.i.b32.b16 v52, v51  }
0x63: {  	p0 =	sne.s32 s18, s15;
	v56 =	vunpack.i.l.s16.s32 v2;
	v4 =	vpack.i.b32.b16 v54, v53;
	[tilespmem:s20+$0xFFFFFFD0] =	vst v55;
	v57 =	vunpack.i.l.s16.s32 v3  }
.Ltmp5:
0x64: {  	[tilespmem:s20+$0x50] =	vst v4;
	v58 =	vunpack.i.l.s16.s32 v5;
	v59 =	vpack.i.b32.b16 v57, v56;
	(pc) =	sbr.rel @p0 .LBB1_4-.Ltmp5, $4  }
.Ltmp6:
0x65: {  	v61 =	vunpack.i.u.s16.s32 v2;
	v62 =	vunpack.i.u.s16.s32 v3;
	v1 =	vpack.i.b32.b16 v1, v58;
	[tilespmem:s20+$0xFFFFFFE0] =	vst v59;
	(pc) =	sbr.rel @!p0 .LBB1_7-.Ltmp6, $4  }
0x66: {  	v60 =	vunpack.i.u.s16.s32 v5;
	v63 =	vpack.i.b32.b16 v62, v61;
	[tilespmem:s20+$0xFFFFFF80] =	vst v1  }
0x67: {  	v0 =	vpack.i.b32.b16 v0, v60;
	[tilespmem:s19+$0x60] =	vst v63  }
0x68: {  	s16 =	sadd.s32 $0x400, s16;
	s17 =	sadd.s32 $0x400, s17;
	[tilespmem:s19+$0x0] =	vst v0  }
0x69: {  	_ = 	snop  }
.LBB1_9:
0x6a: {  	_ =	sfence.sel $0x180000  }
0x6b: {  	s2 =	simm.s32 $0x1;
	[bflag:$0x0] =	sbarrier.arrive $0xFFFF  }
0x6c: {  	s31 =	simm.s32 $0x2;
	[sflag:s2] =	ssyncpa.u1 $0x1  }
0x6d: {  	[sflag:s31] =	ssyncpa.u1 $0x1  }
0x6e: {  	p0 =	sne.s32 s1, $0x0;
	_ =	strace $0x9000004D  }
0x6f: {  	s0 =	sadd.s32 @!p0 $0x100000, s0;
	[bflag:$0x2] =	sbarrier.arrive $0xFFFF  }
0x70: {  	[sflag:s0] =	ssyncadd.tile.s32 @!p0 $0x1;
	_ =	shalt  }
.Lfunc_end1:
_tile_overlayer_lowered:
.L_overlay_start_2:
0x71: {  	(tag) =	ssettag $0x2  }
0x72: {  	s0 =	rddreg [dreg:$0x0];
	s2 =	stileid.u32  }
0x73: {  	s1 =	rddreg [dreg:$0x1];
	p0 =	sne.s32 s2, $0x0  }
0x74: {  	s3 =	rddreg [dreg:$0x2];
	[bflag:$0x3] =	sbarrier.arrive $0xFFFF;
	s2 =	simm.s32 @!p0 $0x1C01  }
0x75: {  	[timem:s3], [sflag:s2] =	dma.local @!p0 [hbm:s0], s1  }
0x76: {  	s0 =	simm.s32 @!p0 $0x1  }
0x77: {  	_ =	swait.ge @!p0 [sflag:s0], s1  }
0x78: {  	s1 =	ssub.s32 @!p0 $0x0, s1;
	[sflag:s0] =	ssyncset.done @!p0 $0x0  }
0x79: {  	[sflag:s0] =	ssyncadd.s32 @!p0 s1  }
0x7a: {  	[bflag:$0x3] =	sbarrier.arrive $0xFFFF  }
0x7b: {  	_ =	shalt  }

// kernel: sparse-core-data-format-call.3.cloned.1.call-start
scs
called_computation.3_lowered:
.L_overlay_start_0:
0x0: {  	s1 =	sld [smem:$0x3FD9]  }
0x1: {  	s2 =	sld [smem:$0x3FFE];
	_ =	sdelay $0x1  }
0x2: {  	s3 =	srdreg.scid  }
0x3: {  	s0 =	sand.u32 $0x1, s3  }
0x4: {  	s17 =	sshll.u32 s0, $0xA;
	s1 =	sadd.s32 s2, s1  }
0x5: {  	s1 =	sadd.s32 s1, s17  }
0x6: {  	[smem:$0x3FC1] =	sst s1  }
0x7: {  	_ = 	snop  }
0x8: {  	(tm) =	ssettm $0x1  }
0x9: {  	s18 =	sld [smem:$0x3FFB];
	_ =	sdelay $0x3  }
0xa: {  	_ =	strace s18  }
0xb: {  	s1 =	sld [smem:$0x3FFC];
	_ =	sdelay $0x3  }
0xc: {  	_ =	strace s1  }
0xd: {  	s1 =	sld [smem:$0x3FFD];
	_ =	sdelay $0x3  }
0xe: {  	_ =	strace s1  }
0xf: {  	_ =	strace $0x8FFFFFFF  }
0x10: {  	s19 =	sld [smem:$0x3FDB];
	_ =	sdelay $0x1  }
0x11: {  	s20 =	simm.s32 $_scs_section_size  }
0x12: {  	s4 =	simm.s32 $_size__tile_overlayer_lowered;
	s5 =	simm.s32 $_tile_overlayer_lowered  }
0x13: {  	s23 =	simm.s32 $0x1BFF;
	s22 =	sshll.u32 s5, $0x1;
	s1 =	sadd.s32 s20, s19  }
0x14: {  	s6 =	simm.s32 $0x0;
	s21 =	sshll.u32 s4, $0x1;
	s4 =	sadd.s32 s22, s1  }
0x15: {  	[timem:s6], [sflag:s23] =	dma.local [hbm:s4], s21  }
0x16: {  	_ =	swait.ge [sflag:s23], s21  }
0x17: {  	s2 =	ssub.s32 $0x0, s21;
	[sflag:s23] =	ssyncset.done $0x0  }
0x18: {  	[sflag:s23] =	ssyncadd.s32 s2;
	_ =	sdelay $0x1  }
0x19: {  	s24 =	simm.s32 $0x1B8B  }
0x1a: {  	_ =	swait.ge [sflag:s24], $0x1  }
0x1b: {  	[sflag:s24] =	ssyncset.done $0x0  }
0x1c: {  	s26 =	simm.s32 $0x1B8E;
	s25 =	sld [smem:$0x3FFE];
	[sflag:s24] =	ssyncadd.s32 $0xFFFFFFFF  }
0x1d: {  	s27 =	simm.s32 $execute0_lowered;
	[smem:$0x3FD2] =	sst s26  }
0x1e: {  	s4 =	sshll.u32 s27, $0x1;
	_ =	strace $0x80000046;
	[dreg:$0x1] =	wrdreg $0xFFFFFFFF  }
0x1f: {  	s28 =	simm.s32 $_size_execute0_lowered;
	s1 =	sadd.s32 s1, s4;
	[dreg:$0x0] =	wrdreg $0x0  }
0x20: {  	s4 =	sshll.u32 s28, $0x1;
	[dreg:$0x2] =	wrdreg s1  }
0x21: {  	[dreg:$0x3] =	wrdreg s4  }
0x22: {  	[dreg:$0x4] =	wrdreg $0xC0  }
0x23: {  	_ =	task [dreg:s6], $0x5FFFF  }
0x24: {  	[dreg:$0x1] =	wrdreg $0xFFFFFFFF  }
0x25: {  	[dreg:$0x0] =	wrdreg $0x60  }
0x26: {  	[dreg:$0x2] =	wrdreg s25  }
0x27: {  	[dreg:$0x3] =	wrdreg $0xA  }
0x28: {  	_ =	task.clear_ibuf [dreg:s6], $0x4FFFF;
	_ =	strace $0x90000046  }
0x29: {  	s29 =	simm.s32 $0xA;
	_ =	strace $0x80000048  }
0x2a: {  	_ =	swait.ge [sflag:s29], $0x1  }
0x2b: {  	[sflag:s29] =	ssyncadd.s32 $0xFFFFFFFF  }
0x2c: {  	_ =	strace $0x90000048  }
0x2d: {  	_ =	sfence  }
0x2e: {  	s30 =	sld [smem:$0x0];
	_ =	sdelay $0x2  }
0x2f: {  	s31 =	sshll.u32 s3, $0xD;
	s3 =	sshrl.u32 s3, $0x2  }
0x30: {  	s2 =	sand.u32 $0x4000, s31;
	s1 =	sadd.s32 s3, s30  }
0x31: {  	s0 =	sor.u32 s2, s0;
	s1 =	sshll.u32 s1, $0x11  }
0x32: {  	s0 =	sor.u32 s1, s0  }
0x33: {  	s0 =	sadd.s32 $0x8F2B, s0  }
0x34: {  	[sflag:s0] =	ssyncadd.remote.s32 $0x1  }
0x35: {  	_ =	sfence.sel $0xFFFF  }
0x36: {  	[dreg:$0x0] =	wrdreg $0xFFFFFFFF;
	(pc) =	sbr.abs _section_cstart, $3  }
0x37: {  	[dreg:$0x1] =	wrdreg $0xFFFFFFFF  }
0x38: {  	_ =	task.clear_ibuf [dreg:s6], $0x2FFFF;
	_ =	strace $0x9FFFFFFF  }
0x39: {  	(tm) =	ssettm $0x7FFFFFFF  }
tec
execute0_lowered:
.L_overlay_start_1:
0x0: {  	(tag) =	ssettag $0x1  }
0x1: {  	s0 =	srdreg.scid  }
0x2: {  	s5 =	rddreg [dreg:$0x0];
	s1 =	stileid.u32;
	s4 =	simm.s32 $0x1  }
0x3: {  	s6 =	simm.s32 $0x2;
	s15 =	simm.s32 $0x0;
	p0 =	por $0x0, $0x0  }
0x4: {  	s8 =	simm.s32 $0x80;
	s14 =	simm.s32 $0x0;
	s2 =	sshll.u32 s0, $0x4  }
0x5: {  	s9 =	simm.s32 $0x0;
	s10 =	simm.s32 $0x0;
	s2 =	sand.u32 $0x10, s2  }
.Ltmp0:
0x6: {  	s12 =	simm.s32 $0x0;
	s3 =	sor.u32 s1, s2;
	(pc) =	sbr.rel .LBB1_1-.Ltmp0, $4  }
0x7: {  	s0 =	rddreg [dreg:$0x1];
	_ =	strace $0x80000047;
	s3 =	sshll.u32 s3, $0x7  }
0x8: {  	s13 =	simm.s32 $0x0;
	[sflag:s4] =	ssyncpa.u1 $0x0;
	s7 =	ssub.s32 $0xF4200, s3  }
0x9: {  	s2 =	sadd.s32 $0x1600, s5;
	[sflag:s6] =	ssyncpa.u1 $0x0;
	s6 =	sshrl.u32 s7, $0xC  }
0xa: {  	s5 =	sadd.s32 $0x1E9C00, s5;
	s11 =	smov.u32 s3;
	s7 =	sadd.s32 $0x2, s6  }
.LBB1_5:
0xb: {  	p1 =	slt.u32 s13, $0x2  }
0xc: {  	s17 =	smov.u32 s15;
	p2 =	sgt.s32 @!p1 s15, $0xF41C0;
	s16 =	sshra.s32 @!p1 s15, $0x1F  }
0xd: {  	p3 =	sgt.s32 @!p1 s14, $0x60;
	s18 =	sshra.s32 @!p1 s14, $0x1F;
	p2 =	por !p2, p1  }
0xe: {  	s15 =	sand.u32 @!p1 s16, s15;
	p3 =	por !p3, p1;
	s16 =	smov.u32 s14  }
0xf: {  	s14 =	sand.u32 @!p1 s18, s14;
	s17 =	simm.s32 @p2 $0xF41C0;
	s16 =	simm.s32 @p3 $0x60  }
0x10: {  	s15 =	ssub.s32 @!p1 s17, s15;
	s14 =	ssub.s32 @!p1 s16, s14  }
0x11: {  	s18 =	smov.u32 s12;
	s16 =	sadd.s32 @!p1 $0xFFF0BE40, s15;
	s17 =	sadd.s32 @!p1 $0xFFFFFFA0, s14  }
0x12: {  	s15 =	ssub.s32 @!p1 $0xF4240, s15;
	p2 =	sgt.s32 @!p1 s16, $0x7F;
	p3 =	sgt.s32 @!p1 s17, $0x1F  }
0x13: {  	s14 =	ssub.s32 @!p1 $0x80, s14;
	p2 =	por !p2, p1;
	p3 =	por !p3, p1  }
0x14: {  	s16 =	sadd.s32 $0x1000, s11;
	s15 =	simm.s32 @!p2 $0x0;
	s14 =	simm.s32 @!p3 $0x0  }
0x15: {  	p2 =	sgt.s32 s16, $0xF423F;
	s14 =	smul.u32 @!p1 s14, s15;
	s15 =	sadd.s32 $0x20, s12  }
0x16: {  	s18 =	smov.u32 @p2 s15  }
0x17: {  	s16 =	smov.u32 @p2 s3;
	p2 =	sgt.s32 s18, $0x1F  }
0x18: {  	p0 =	por !p0, !p0;
	s18 =	simm.s32 @p2 $0x0;
	p2 =	sne.s32 s13, s7  }
.Ltmp1:
0x19: {  	s17 =	simm.s32 @!p1 $0x2;
	s14 =	sshrl.u32 @!p1 s14, $0x1;
	(pc) =	sbr.rel @!p2 .LBB1_6-.Ltmp1, $4  }
0x1a: {  	s15 =	smov.u32 s9;
	s9 =	smov.u32 s11;
	s14 =	sand.u32 @!p1 $0x3FFFFFFF, s14  }
0x1b: {  	s11 =	smov.u32 s16;
	s13 =	sadd.s32 $0x1, s13;
	_ =	swait.ge @!p1 [sflag:s17], s14  }
0x1c: {  	s19 =	ssub.s32 @!p1 $0x0, s14;
	s14 =	smov.u32 s10;
	[sflag:s17] =	ssyncset.done @!p1 $0x0  }
0x1d: {  	s10 =	smov.u32 s12;
	s12 =	smov.u32 s18;
	[sflag:s17] =	ssyncadd.s32 @!p1 s19  }
.LBB1_1:
0x1e: {  	p1 =	sgt.u32 s13, s6  }
0x1f: {  	s16 =	sshrl.u32 @!p1 s12, $0x3  }
0x20: {  	s17 =	sshll.u32 @!p1 s11, $0x3;
	s16 =	smul.u32 @!p1 $0x7A1400, s16  }
0x21: {  	s18 =	sshll.u32 @!p1 s12, $0x7;
	s17 =	sand.u32 @!p1 $0xFFFFFC00, s17  }
0x22: {  	s16 =	sadd.s32 @!p1 s16, s17;
	s17 =	sand.u32 @!p1 $0x300, s18;
	s18 =	sshll.u32 @!p1 s11, $0x1  }
0x23: {  	s16 =	sor.u32 @!p1 s17, s16;
	s17 =	sand.u32 @!p1 $0xFE, s18  }
0x24: {  	s18 =	sand.u32 @!p1 $0x1, s12;
	s16 =	sor.u32 @!p1 s17, s16  }
0x25: {  	s17 =	sor.u32 @!p1 s18, s16  }
0x26: {  	s18 =	smulhi.u32 @!p1 $0x218D6287, s17;
	_ =	sdelay $0x1  }
0x27: {  	s16 =	smulhi.u32 @!p1 $0x218D6287, s16;
	s18 =	sshrl.u32 @!p1 s18, $0x11  }
0x28: {  	s18 =	smul.u32 @!p1 $0xF4280, s18  }
0x29: {  	s16 =	sshrl.u32 @!p1 s16, $0x11  }
0x2a: {  	s16 =	sand.u32 @!p1 $0x1F, s16;
	s17 =	ssub.s32 @!p1 s17, s18  }
0x2b: {  	s16 =	smul.u32 @!p1 $0xF428, s16;
	s18 =	sshrl.u32 @!p1 s17, $0x4  }
0x2c: {  	s19 =	sxor.u32 @!p1 $0xFFFFFFFF, s13;
	s17 =	sshll.u32 @!p1 s17, $0x11;
	s18 =	sadd.s32 @!p1 s2, s18  }
0x2d: {  	s17 =	sand.u32 @!p1 $0x1C0000, s17;
	s16 =	sadd.s32 @!p1 s16, s18;
	s18 =	sshll.u32 @!p1 s19, $0xB  }
0x2e: {  	s17 =	sor.u32 @!p1 $0x200, s17;
	s19 =	simm.s32 @!p1 $0x3D0A00;
	s18 =	sand.u32 @!p1 $0x800, s18  }
0x2f: {  	[tilespmem:s18], [sflag:$0x1] =	stream.strided.gather @!p1 [hbm4b:s16+s17], $0x800, s19, s17, $0x38;
	[tilespmem:$0x2080] =	vst v63  }
0x30: {  	p1 =	seq.s32 s13, $0x0  }
0x31: {  	p2 =	sge.u32 @!p1 s13, s7  }
0x32: {  	p1 =	por p1, p2  }
.Ltmp2:
0x33: {  	_ = 	snop;
	(pc) =	sbr.rel @p1 .LBB1_5-.Ltmp2, $1  }
0x34: {  	_ =	sdelay $0x3  }
0x35: {  	s16 =	simm.s32 $0x1  }
0x36: {  	_ =	swait.ge [sflag:s4], $0x800;
	s16 =	simm.s32 @!p0 $0x0  }
0x37: {  	[sflag:s4] =	ssyncset.done $0x0;
	s16 =	sshll.u32 s16, $0xB  }
0x38: {  	[sflag:s4] =	ssyncadd.s32 $0xFFFFF800;
	s16 =	sor.u32 $0x40, s16  }
0x39: {  	v0 =	vld [tilespmem:s16+$0x20]  }
0x3a: {  	v1 =	vld [tilespmem:s16+$0x30]  }
0x3b: {  	v2 =	vld [tilespmem:s16+$0xFFFFFFD0]  }
0x3c: {  	v5 =	vld [tilespmem:s16+$0x0]  }
0x3d: {  	v6 =	vld [tilespmem:s16+$0x10]  }
0x3e: {  	s17 =	sand.u32 $0x1, s13;
	v3 =	vld [tilespmem:s16+$0xFFFFFFE0]  }
0x3f: {  	s17 =	smul.u32 $0x2100, s17;
	v4 =	vld [tilespmem:s16+$0xFFFFFFF0]  }
0x40: {  	s18 =	simm.s32 $0x0;
	v1 =	vperm.xlane.i2c.b16 v1  }
0x41: {  	s19 =	sand.u32 $0x1C, s18;
	s17 =	sshrl.u32 s17, $0x2;
	v8 =	vld [tilespmem:s16+$0xFFFFFFC0];
	s20 =	sadd.s32 $0x80, s16;
	v7 =	vperm.xlane.i2c.b16 v0;
	v0 =	vperm.xlane.i2c.b16 v2  }
0x42: {  	s30 =	sand.u32 $0x20, s18;
	s31 =	sshrl.u32 s19, $0x1;
	s16 =	sor.u32 $0x1000, s17;
	v11 =	vld [tilespmem:s20+$0x30];
	v10 =	vperm.xlane.i2c.b16 v5;
	v13 =	vperm.xlane.i2c.b16 v6  }
0x43: {  	s17 =	sshrl.u32 s30, $0x1;
	s18 =	sadd.s32 s31, s16;
	v2 =	vld [tilespmem:s20+$0x20];
	v3 =	vperm.xlane.i2c.b16 v3;
	v9 =	vcombine.low v7, v1  }
0x44: {  	v12 =	vld [tilespmem:s20+$0xFFFFFFD0];
	s17 =	sadd.s32 s17, s18;
	v4 =	vperm.xlane.i2c.b16 v4;
	v14 =	vcombine.low v10, v13  }
0x45: {  	v1 =	vcombine.high v7, v1;
	v7 =	vld [tilespmem:s20+$0xFFFFFFE0];
	[tilespmem:s17+$0x630 ss:$0x21] =	vst.msk $0xffff, v9  }
0x46: {  	v6 =	vld [tilespmem:s20+$0xFFFFFFF0];
	v5 =	vperm.xlane.i2c.b16 v8;
	v9 =	vcombine.low v3, v4;
	[tilespmem:s17+$0x420 ss:$0x21] =	vst.msk $0xffff, v14  }
0x47: {  	s18 =	simm.s32 $0x4;
	v8 =	vperm.xlane.i2c.b16 v11;
	[tilespmem:s17+$0x631 ss:$0x21] =	vst.msk $0xffff, v1;
	v1 =	vcombine.high v3, v4;
	v4 =	vld [tilespmem:s20+$0x0]  }
0x48: {  	s19 =	simm.s32 $0x2;
	s22 =	sand.u32 $0x1C, s18;
	v10 =	vcombine.high v10, v13;
	v3 =	vld [tilespmem:s20+$0x10];
	[tilespmem:s17+$0x210 ss:$0x21] =	vst.msk $0xffff, v9;
	v9 =	vperm.xlane.i2c.b16 v2  }
0x49: {  	s21 =	sand.u32 $0x20, s18;
	s22 =	sshrl.u32 s22, $0x1;
	v11 =	vcombine.low v5, v0;
	v2 =	vld [tilespmem:s20+$0xFFFFFFC0];
	s20 =	sadd.s32 $0x80, s20;
	[tilespmem:s17+$0x211 ss:$0x21] =	vst.msk $0xffff, v1;
	v1 =	vperm.xlane.i2c.b16 v12  }
.LBB1_3:
0x4a: {  	v12 =	vld [tilespmem:s20+$0x20];
	s22 =	sadd.s32 s22, s16;
	s21 =	sshrl.u32 s21, $0x1;
	v13 =	vperm.xlane.i2c.b16 v7;
	v7 =	vcombine.low v9, v8;
	[tilespmem:s17+$0x421 ss:$0x21] =	vst.msk $0xffff, v10  }
0x4b: {  	s19 =	sadd.s32 $0x2, s19;
	v14 =	vld [tilespmem:s20+$0x30];
	s21 =	sadd.s32 s21, s22;
	v10 =	vperm.xlane.i2c.b16 v6;
	v6 =	vcombine.high v9, v8;
	[tilespmem:s17+$0x0 ss:$0x21] =	vst.msk $0xffff, v11  }
0x4c: {  	p1 =	slt.u32 s19, $0x1E;
	v11 =	vld [tilespmem:s20+$0xFFFFFFD0];
	v8 =	vperm.xlane.i2c.b16 v4;
	[tilespmem:s21+$0x630 ss:$0x21] =	vst.msk $0xffff, v7;
	v4 =	vcombine.high v5, v0;
	v0 =	vmov v1  }
.Ltmp3:
0x4d: {  	v7 =	vld [tilespmem:s20+$0xFFFFFFE0];
	v1 =	vcombine.low v13, v10;
	v3 =	vperm.xlane.i2c.b16 v3;
	[tilespmem:s21+$0x631 ss:$0x21] =	vst.msk $0xffff, v6;
	(pc) =	sbr.rel @p1 .LBB1_3-.Ltmp3, $4  }
0x4e: {  	v6 =	vld [tilespmem:s20+$0xFFFFFFF0];
	v5 =	vperm.xlane.i2c.b16 v2;
	v2 =	vcombine.high v13, v10;
	[tilespmem:s17+$0x1 ss:$0x21] =	vst.msk $0xffff, v4;
	s17 =	smov.u32 s21  }
0x4f: {  	s18 =	sadd.s32 $0x4, s18;
	v4 =	vld [tilespmem:s20+$0x0];
	[tilespmem:s17+$0x210 ss:$0x21] =	vst.msk $0xffff, v1;
	v13 =	vcombine.low v8, v3;
	v10 =	vcombine.high v8, v3  }
0x50: {  	s22 =	sand.u32 $0x1C, s18;
	v9 =	vperm.xlane.i2c.b16 v12;
	v3 =	vld [tilespmem:s20+$0x10];
	v8 =	vperm.xlane.i2c.b16 v14;
	[tilespmem:s17+$0x211 ss:$0x21] =	vst.msk $0xffff, v2  }
0x51: {  	s22 =	sshrl.u32 s22, $0x1;
	s21 =	sand.u32 $0x20, s18;
	v2 =	vld [tilespmem:s20+$0xFFFFFFC0];
	v1 =	vperm.xlane.i2c.b16 v11;
	s20 =	sadd.s32 $0x80, s20;
	v11 =	vcombine.low v5, v0;
	[tilespmem:s17+$0x420 ss:$0x21] =	vst.msk $0xffff, v13  }
0x52: {  	s18 =	sadd.s32 s22, s16;
	s19 =	sshll.u32 s9, $0x7;
	s20 =	sshll.u32 s10, $0x3  }
0x53: {  	s21 =	sshrl.u32 s21, $0x1;
	s24 =	sshll.u32 s10, $0x1;
	p1 =	sgt.s32 s9, $0xF41C0  }
0x54: {  	s22 =	smov.u32 s9;
	s26 =	sshra.s32 s9, $0x1F;
	s23 =	sand.u32 $0xFFFFFC00, s19  }
0x55: {  	s20 =	sand.u32 $0xFFFFFC00, s20;
	s19 =	sand.u32 $0x300, s19;
	s25 =	sand.u32 $0x80, s24  }
0x56: {  	s18 =	sadd.s32 s21, s18;
	s22 =	simm.s32 @!p1 $0xF41C0;
	p1 =	sgt.s32 s10, $0x60  }
0x57: {  	s21 =	smov.u32 s10;
	s20 =	sadd.s32 s20, s23;
	s23 =	sshra.s32 s10, $0x1F  }
0x58: {  	s21 =	simm.s32 @!p1 $0x60;
	s19 =	sor.u32 s19, s20;
	s20 =	sand.u32 s26, s9  }
0x59: {  	v7 =	vperm.xlane.i2c.b16 v7;
	[tilespmem:s17+$0x421 ss:$0x21] =	vst.msk $0xffff, v10;
	v0 =	vcombine.high v5, v0;
	s23 =	sand.u32 s23, s10;
	s19 =	sor.u32 s25, s19;
	s20 =	ssub.s32 s22, s20  }
0x5a: {  	v57 =	vcombine.low v9, v8;
	v6 =	vperm.xlane.i2c.b16 v6;
	[tilespmem:s17+$0x0 ss:$0x21] =	vst.msk $0xffff, v11;
	s21 =	ssub.s32 s21, s23;
	s19 =	sshrl.u32 s19, $0x7;
	s22 =	sadd.s32 $0xFFF0BE40, s20  }
0x5b: {  	v58 =	vcombine.high v9, v8;
	v4 =	vperm.xlane.i2c.b16 v4;
	[tilespmem:s17+$0x1 ss:$0x21] =	vst.msk $0xffff, v0;
	s23 =	sadd.s32 $0xFFFFFFA0, s21;
	s20 =	ssub.s32 $0xF4240, s20;
	s21 =	ssub.s32 $0x80, s21  }
0x5c: {  	[tilespmem:s18+$0x630 ss:$0x21] =	vst.msk $0xffff, v57;
	v59 =	vcombine.low v7, v6;
	v3 =	vperm.xlane.i2c.b16 v3;
	s27 =	smulhi.u32 $0x218DEF5, s19;
	p1 =	sgt.s32 s22, $0x7F;
	p2 =	sgt.s32 s23, $0x1F  }
0x5d: {  	[tilespmem:s18+$0x631 ss:$0x21] =	vst.msk $0xffff, v58;
	v60 =	vcombine.high v7, v6;
	s20 =	simm.s32 @p1 $0x0;
	s21 =	simm.s32 @p2 $0x0  }
0x5e: {  	v2 =	vperm.xlane.i2c.b16 v2;
	[tilespmem:s18+$0x210 ss:$0x21] =	vst.msk $0xffff, v59;
	v61 =	vcombine.low v4, v3;
	s17 =	sshrl.u32 s27, $0xD;
	s20 =	smul.u32 s21, s20  }
0x5f: {  	v3 =	vcombine.high v4, v3;
	[tilespmem:s18+$0x211 ss:$0x21] =	vst.msk $0xffff, v60;
	s17 =	smul.u32 $0xF4240, s17  }
.Ltmp4:
0x60: {  	s28 =	sshrl.u32 s10, $0x3;
	s29 =	sand.u32 $0x7, s10;
	v62 =	vcombine.low v2, v1;
	[tilespmem:s18+$0x420 ss:$0x21] =	vst.msk $0xffff, v61;
	(pc) =	sbr.rel .LBB1_5-.Ltmp4, $4  }
0x61: {  	v63 =	vcombine.high v2, v1;
	[tilespmem:s18+$0x421 ss:$0x21] =	vst.msk $0xffff, v3;
	s21 =	sshll.u32 s29, $0x12;
	s17 =	ssub.s32 s19, s17;
	s19 =	sand.u32 $0x7, s28  }
0x62: {  	[tilespmem:s18+$0x0 ss:$0x21] =	vst.msk $0xffff, v62;
	s20 =	sshrl.u32 s20, $0x1;
	s17 =	sshll.u32 s17, $0x3;
	s19 =	sadd.s32 s5, s19  }
0x63: {  	[tilespmem:s18+$0x1 ss:$0x21] =	vst.msk $0xffff, v63;
	s31 =	sor.u32 $0x20, s21;
	s30 =	sand.u32 $0x3FFFFFFF, s20;
	s17 =	sadd.s32 s17, s19  }
0x64: {  	[hbm4b:s17+s31] =	stream.strided.scatter [tilespmem:s16], [sflag:$0x2], s30, s8, s31, $0x10;
	[tilespmem:$0x2080] =	vst v63  }
.LBB1_6:
0x65: {  	_ =	sfence.sel $0x180000  }
0x66: {  	s2 =	simm.s32 $0x1;
	[bflag:$0x0] =	sbarrier.arrive $0xFFFF  }
0x67: {  	s31 =	simm.s32 $0x2;
	[sflag:s2] =	ssyncpa.u1 $0x1  }
0x68: {  	[sflag:s31] =	ssyncpa.u1 $0x1  }
0x69: {  	p0 =	sne.s32 s1, $0x0;
	_ =	strace $0x90000047  }
0x6a: {  	s0 =	sadd.s32 @!p0 $0x100000, s0;
	[bflag:$0x2] =	sbarrier.arrive $0xFFFF  }
0x6b: {  	[sflag:s0] =	ssyncadd.tile.s32 @!p0 $0x1;
	_ =	shalt  }
.Lfunc_end1:
_tile_overlayer_lowered:
.L_overlay_start_2:
0x6c: {  	(tag) =	ssettag $0x2  }
0x6d: {  	s0 =	rddreg [dreg:$0x0];
	s2 =	stileid.u32  }
0x6e: {  	s1 =	rddreg [dreg:$0x1];
	p0 =	sne.s32 s2, $0x0  }
0x6f: {  	s3 =	rddreg [dreg:$0x2];
	[bflag:$0x3] =	sbarrier.arrive $0xFFFF;
	s2 =	simm.s32 @!p0 $0x1C01  }
0x70: {  	[timem:s3], [sflag:s2] =	dma.local @!p0 [hbm:s0], s1  }
0x71: {  	s0 =	simm.s32 @!p0 $0x1  }
0x72: {  	_ =	swait.ge @!p0 [sflag:s0], s1  }
0x73: {  	s1 =	ssub.s32 @!p0 $0x0, s1;
	[sflag:s0] =	ssyncset.done @!p0 $0x0  }
0x74: {  	[sflag:s0] =	ssyncadd.s32 @!p0 s1  }
0x75: {  	[bflag:$0x3] =	sbarrier.arrive $0xFFFF  }
0x76: {  	_ =	shalt  }

// kernel: sparse-core-data-format-call.cloned.1.call-start
scs
called_computation_lowered:
.L_overlay_start_0:
0x0: {  	s2 =	sld [smem:$0x3FD9]  }
0x1: {  	s3 =	sld [smem:$0x3FFE];
	_ =	sdelay $0x1  }
0x2: {  	s1 =	srdreg.scid  }
0x3: {  	s0 =	sand.u32 $0x1, s1  }
0x4: {  	s18 =	sshll.u32 s0, $0xA;
	s2 =	sadd.s32 s3, s2  }
0x5: {  	s2 =	sadd.s32 s2, s18  }
0x6: {  	[smem:$0x3FC1] =	sst s2  }
0x7: {  	_ = 	snop  }
0x8: {  	(tm) =	ssettm $0x1  }
0x9: {  	s19 =	sld [smem:$0x3FFB];
	_ =	sdelay $0x3  }
0xa: {  	_ =	strace s19  }
0xb: {  	s2 =	sld [smem:$0x3FFC];
	_ =	sdelay $0x3  }
0xc: {  	_ =	strace s2  }
0xd: {  	s2 =	sld [smem:$0x3FFD];
	_ =	sdelay $0x3  }
0xe: {  	_ =	strace s2  }
0xf: {  	_ =	strace $0x8FFFFFFF  }
0x10: {  	s20 =	sld [smem:$0x3FDB];
	_ =	sdelay $0x1  }
0x11: {  	s21 =	simm.s32 $_scs_section_size  }
0x12: {  	s4 =	simm.s32 $_size__tile_overlayer_lowered;
	s5 =	simm.s32 $_tile_overlayer_lowered  }
0x13: {  	s6 =	simm.s32 $0x1BFF;
	s22 =	sshll.u32 s5, $0x1;
	s3 =	sadd.s32 s21, s20  }
0x14: {  	s23 =	simm.s32 $0x0;
	s4 =	sshll.u32 s4, $0x1;
	s5 =	sadd.s32 s22, s3  }
0x15: {  	[timem:s23], [sflag:s6] =	dma.local [hbm:s5], s4  }
0x16: {  	_ =	swait.ge [sflag:s6], s4  }
0x17: {  	s4 =	ssub.s32 $0x0, s4;
	[sflag:s6] =	ssyncset.done $0x0  }
0x18: {  	[sflag:s6] =	ssyncadd.s32 s4;
	_ =	sdelay $0x1  }
0x19: {  	s24 =	simm.s32 $0x1B8B  }
0x1a: {  	_ =	swait.ge [sflag:s24], $0x1  }
0x1b: {  	[sflag:s24] =	ssyncset.done $0x0  }
0x1c: {  	[sflag:s24] =	ssyncadd.s32 $0xFFFFFFFF  }
0x1d: {  	s4 =	sld [smem:$0x0]  }
0x1e: {  	s5 =	sand.u32 $0xFFFFFFFE, s1  }
0x1f: {  	p0 =	sne.s32 s1, s5  }
0x20: {  	s5 =	sshll.u32 @p0 s5, $0xE  }
0x21: {  	s5 =	sadd.s32 @p0 $0x11B8D, s5;
	s6 =	sshll.u32 @p0 s4, $0x11  }
0x22: {  	s5 =	sor.u32 @p0 s6, s5  }
0x23: {  	[sflag:s5] =	ssyncadd.remote.s32 @p0 $0x1;
	_ =	sdelay $0x1  }
0x24: {  	s5 =	simm.s32 @p0 $0x1B8D  }
0x25: {  	_ =	swait.eq @p0 [sflag:s5], $0x1  }
0x26: {  	[sflag:s5] =	ssyncadd.s32 @p0 $0xFFFFFFFF  }
0x27: {  	s6 =	sshll.u32 @!p0 s1, $0xE  }
0x28: {  	s6 =	sor.u32 @!p0 $0x4000, s6;
	s5 =	simm.s32 @!p0 $0x1B8D  }
0x29: {  	s4 =	sshll.u32 @!p0 s4, $0x11;
	s6 =	sadd.s32 @!p0 $0x11B8D, s6;
	_ =	swait.eq @!p0 [sflag:s5], $0x1  }
0x2a: {  	s4 =	sor.u32 @!p0 s4, s6;
	[sflag:s5] =	ssyncadd.s32 @!p0 $0xFFFFFFFF  }
0x2b: {  	s26 =	simm.s32 $0x1B8E;
	s25 =	sld [smem:$0x3FFE];
	[sflag:s4] =	ssyncadd.remote.s32 @!p0 $0x1  }
0x2c: {  	s27 =	simm.s32 $execute0_lowered;
	[smem:$0x3FD2] =	sst s26  }
0x2d: {  	s5 =	sshll.u32 s27, $0x1;
	_ =	strace $0x8000004F;
	[dreg:$0x1] =	wrdreg $0xFFFFFFFF  }
0x2e: {  	s28 =	simm.s32 $_size_execute0_lowered;
	s3 =	sadd.s32 s3, s5;
	[dreg:$0x0] =	wrdreg $0x0  }
0x2f: {  	s5 =	sshll.u32 s28, $0x1;
	[dreg:$0x2] =	wrdreg s3  }
0x30: {  	[dreg:$0x3] =	wrdreg s5  }
0x31: {  	[dreg:$0x4] =	wrdreg $0xC0  }
0x32: {  	_ =	task [dreg:s23], $0x5FFFF  }
0x33: {  	[dreg:$0x1] =	wrdreg $0xFFFFFFFF  }
0x34: {  	[dreg:$0x0] =	wrdreg $0x60  }
0x35: {  	[dreg:$0x2] =	wrdreg s25  }
0x36: {  	[dreg:$0x3] =	wrdreg $0x9  }
0x37: {  	_ =	task.clear_ibuf [dreg:s23], $0x4FFFF;
	_ =	strace $0x9000004F  }
0x38: {  	s29 =	simm.s32 $0x9;
	_ =	strace $0x80000051  }
0x39: {  	_ =	swait.ge [sflag:s29], $0x1  }
0x3a: {  	[sflag:s29] =	ssyncadd.s32 $0xFFFFFFFF  }
0x3b: {  	_ =	strace $0x90000051  }
0x3c: {  	_ =	sfence  }
0x3d: {  	s30 =	sld [smem:$0x0];
	_ =	sdelay $0x2  }
0x3e: {  	s31 =	sshll.u32 s1, $0xD;
	s1 =	sshrl.u32 s1, $0x2  }
0x3f: {  	s4 =	sand.u32 $0x4000, s31;
	s1 =	sadd.s32 s1, s30  }
0x40: {  	s0 =	sor.u32 s4, s0;
	s1 =	sshll.u32 s1, $0x11  }
0x41: {  	s0 =	sor.u32 s1, s0  }
0x42: {  	s0 =	sadd.s32 $0x8F2B, s0  }
0x43: {  	[sflag:s0] =	ssyncadd.remote.s32 $0x1  }
0x44: {  	_ =	sfence.sel $0xFFFF  }
0x45: {  	[dreg:$0x0] =	wrdreg $0xFFFFFFFF;
	(pc) =	sbr.abs _section_cstart, $3  }
0x46: {  	[dreg:$0x1] =	wrdreg $0xFFFFFFFF  }
0x47: {  	_ =	task.clear_ibuf [dreg:s23], $0x2FFFF;
	_ =	strace $0x9FFFFFFF  }
0x48: {  	(tm) =	ssettm $0x7FFFFFFF  }
0x49: {  	_ =	shalt  }
tec
execute0_lowered:
.L_overlay_start_1:
0x0: {  	(tag) =	ssettag $0x1  }
0x1: {  	s0 =	srdreg.scid  }
0x2: {  	s5 =	rddreg [dreg:$0x0];
	s1 =	stileid.u32;
	s4 =	simm.s32 $0x1  }
0x3: {  	s6 =	simm.s32 $0x2;
	s8 =	simm.s32 $0x0;
	s2 =	sshll.u32 s0, $0x4  }
0x4: {  	s9 =	simm.s32 $0x0;
	s13 =	simm.s32 $0x0;
	s2 =	sand.u32 $0x10, s2  }
.Ltmp0:
0x5: {  	s10 =	simm.s32 $0x0;
	s3 =	sor.u32 s1, s2;
	(pc) =	sbr.rel .LBB1_1-.Ltmp0, $4  }
0x6: {  	s0 =	rddreg [dreg:$0x1];
	_ =	strace $0x80000050;
	s3 =	sshll.u32 s3, $0x4  }
0x7: {  	s12 =	simm.s32 $0x0;
	[sflag:s4] =	ssyncpa.u1 $0x0;
	s7 =	ssub.s32 $0x3D00, s3  }
0x8: {  	s2 =	sadd.s32 $0x5BA800, s5;
	[sflag:s6] =	ssyncpa.u1 $0x0;
	s6 =	sshrl.u32 s7, $0x9  }
0x9: {  	s5 =	sadd.s32 $0x3D2200, s5;
	s11 =	smov.u32 s3;
	s7 =	sadd.s32 $0x2, s6  }
.LBB1_7:
0xa: {  	s15 =	sshll.u32 s12, $0xF  }
0xb: {  	s15 =	sand.u32 $0x8000, s15  }
0xc: {  	s16 =	sshll.u32 s10, $0x7;
	s15 =	sshrl.u32 s15, $0x1  }
0xd: {  	s16 =	sadd.s32 s5, s16;
	s15 =	sor.u32 $0x8000, s15  }
0xe: {  	[hbm4b:s16+s8] =	stream.linear.scatter [tilespmem:s15], [sflag:$0x2], s14, $0x38;
	[tilespmem:$0x10000] =	vst v63  }
.LBB1_8:
0xf: {  	p0 =	slt.u32 s12, $0x2  }
0x10: {  	p1 =	sgt.s32 @!p0 s13, $0x3CF9  }
0x11: {  	s14 =	smov.u32 s13;
	s15 =	sshra.s32 @!p0 s13, $0x1F;
	p1 =	por !p1, p0  }
0x12: {  	s13 =	sand.u32 @!p0 s15, s13;
	s14 =	simm.s32 @p1 $0x3CF9  }
0x13: {  	s13 =	ssub.s32 @!p0 s14, s13  }
0x14: {  	s13 =	sadd.s32 @!p0 $0xFFFFC307, s13  }
0x15: {  	s14 =	sshll.u32 @!p0 s13, $0xC  }
0x16: {  	p1 =	sgt.s32 @!p0 s13, $0xF;
	s13 =	ssub.s32 @!p0 $0x10000, s14  }
0x17: {  	s15 =	sadd.s32 $0x200, s11;
	p1 =	por !p1, p0;
	s13 =	sshrl.u32 @!p0 s13, $0x2  }
0x18: {  	s13 =	simm.s32 @!p1 $0x0;
	p1 =	sgt.s32 s15, $0x3D08  }
0x19: {  	s15 =	smov.u32 @p1 s3;
	p1 =	sne.s32 s12, s7  }
.Ltmp1:
0x1a: {  	_ = 	snop;
	(pc) =	sbr.rel @!p1 .LBB1_9-.Ltmp1, $4  }
0x1b: {  	s14 =	simm.s32 @!p0 $0x2  }
0x1c: {  	s9 =	sadd.s32 $0x8000, s9;
	_ =	swait.ge @!p0 [sflag:s14], s13;
	s16 =	ssub.s32 @!p0 $0x0, s13  }
0x1d: {  	s13 =	smov.u32 s10;
	s12 =	sadd.s32 $0x1, s12;
	[sflag:s14] =	ssyncset.done @!p0 $0x0  }
0x1e: {  	s10 =	smov.u32 s11;
	s11 =	smov.u32 s15;
	[sflag:s14] =	ssyncadd.s32 @!p0 s16  }
.LBB1_1:
0x1f: {  	p0 =	sgt.u32 s12, s6  }
0x20: {  	p1 =	sgt.s32 @!p0 s11, $0x3CF9  }
0x21: {  	s14 =	smov.u32 s11;
	s15 =	sshra.s32 @!p0 s11, $0x1F;
	p1 =	por !p1, p0  }
0x22: {  	s15 =	sand.u32 @!p0 s15, s11;
	s14 =	simm.s32 @p1 $0x3CF9  }
0x23: {  	s14 =	ssub.s32 @!p0 s14, s15  }
0x24: {  	s14 =	sadd.s32 @!p0 $0xFFFFC307, s14  }
0x25: {  	s16 =	sshll.u32 @!p0 s11, $0x7;
	s17 =	simm.s32 @!p0 $0x0;
	s15 =	sshll.u32 @!p0 s14, $0xC  }
0x26: {  	p1 =	sgt.s32 @!p0 s14, $0xF;
	s14 =	ssub.s32 @!p0 $0x10000, s15;
	s15 =	sxor.u32 @!p0 $0xFFFFFFFF, s12  }
0x27: {  	p1 =	por !p1, p0;
	s14 =	sshrl.u32 @!p0 s14, $0x2;
	s15 =	sshll.u32 @!p0 s15, $0xE  }
0x28: {  	s16 =	sadd.s32 @!p0 s2, s16;
	s14 =	simm.s32 @!p1 $0x0;
	s15 =	sand.u32 @!p0 $0x4000, s15  }
0x29: {  	[tilespmem:s15], [sflag:$0x1] =	stream.linear.gather @!p0 [hbm4b:s16+s17], s14, $0x38;
	[tilespmem:$0x10000] =	vst v63  }
0x2a: {  	p0 =	seq.s32 s12, $0x0  }
0x2b: {  	p1 =	sge.u32 @!p0 s12, s7  }
0x2c: {  	p0 =	por p0, p1  }
.Ltmp2:
0x2d: {  	_ = 	snop;
	(pc) =	sbr.rel @p0 .LBB1_8-.Ltmp2, $1  }
0x2e: {  	_ =	sdelay $0x3  }
0x2f: {  	p0 =	sgt.s32 s10, $0x3CF9;
	s14 =	smov.u32 s10;
	s15 =	sshra.s32 s10, $0x1F  }
0x30: {  	s14 =	simm.s32 @!p0 $0x3CF9;
	s15 =	sand.u32 s15, s10  }
0x31: {  	s14 =	ssub.s32 s14, s15  }
0x32: {  	s16 =	sadd.s32 $0x10, s10;
	s14 =	sadd.s32 $0xFFFFC307, s14  }
0x33: {  	p1 =	slt.s32 s16, $0x3D09;
	s30 =	sshll.u32 s14, $0xC  }
0x34: {  	s16 =	simm.s32 @!p1 $0x3D09;
	s15 =	ssub.s32 $0x10000, s30  }
0x35: {  	p0 =	sgt.s32 s14, $0xF;
	s14 =	sshrl.u32 s15, $0x2;
	s15 =	ssub.s32 s16, s10  }
0x36: {  	s14 =	simm.s32 @p0 $0x0;
	p0 =	slt.s32 s15, $0x1  }
.Ltmp3:
0x37: {  	_ = 	snop;
	(pc) =	sbr.rel @p0 .LBB1_7-.Ltmp3, $4  }
0x38: {  	_ = 	snop  }
0x39: {  	_ =	swait.ge [sflag:s4], s14  }
0x3a: {  	s31 =	ssub.s32 $0x0, s14;
	[sflag:s4] =	ssyncset.done $0x0  }
0x3b: {  	[sflag:s4] =	ssyncadd.s32 s31  }
0x3c: {  	s16 =	sshrl.u32 s9, $0x1  }
0x3d: {  	s17 =	sand.u32 $0x4000, s16  }
0x3e: {  	s18 =	simm.s32 $0x0;
	s16 =	sor.u32 $0x200, s17;
	s17 =	sor.u32 $0x8080, s17  }
.LBB1_4:
0x3f: {  	v0 =	vld [tilespmem:s16+$0xFFFFFE70]  }
0x40: {  	v1 =	vld [tilespmem:s16+$0x70]  }
0x41: {  	v2 =	vld [tilespmem:s16+$0x0]  }
0x42: {  	v3 =	vld [tilespmem:s16+$0xFFFFFE10]  }
0x43: {  	v4 =	vld [tilespmem:s16+$0x10]  }
0x44: {  	v5 =	vld [tilespmem:s16+$0xFFFFFE20]  }
0x45: {  	v7 =	vld [tilespmem:s16+$0x20]  }
0x46: {  	v11 =	vld [tilespmem:s16+$0x30];
	v6 =	vunpack.i.l.s16.s32 v0;
	v8 =	vunpack.i.u.s16.s32 v0;
	v9 =	vunpack.i.u.s16.s32 v1  }
0x47: {  	v10 =	vunpack.i.l.s16.s32 v1;
	v0 =	vunpack.i.u.s16.s32 v2;
	v1 =	vunpack.i.l.s16.s32 v2;
	v2 =	vld [tilespmem:s16+$0xFFFFFE30]  }
0x48: {  	v8 =	vpack.i.b32.b16 v9, v8;
	v9 =	vunpack.i.u.s16.s32 v3;
	v3 =	vunpack.i.l.s16.s32 v3  }
0x49: {  	v12 =	vld [tilespmem:s16+$0xFFFFFE40];
	v6 =	vpack.i.b32.b16 v10, v6;
	[tilespmem:s17+$0x70] =	vst v8;
	v8 =	vunpack.i.u.s16.s32 v4;
	v4 =	vunpack.i.l.s16.s32 v4  }
0x4a: {  	v13 =	vld [tilespmem:s16+$0x40];
	v10 =	vunpack.i.u.s16.s32 v5;
	v5 =	vunpack.i.l.s16.s32 v5;
	[tilespmem:s17+$0xFFFFFFF0] =	vst v6;
	v3 =	vpack.i.b32.b16 v4, v3  }
0x4b: {  	v6 =	vunpack.i.l.s16.s32 v7;
	v4 =	vld [tilespmem:s16+$0xFFFFFE50];
	[tilespmem:s17+$0xFFFFFF90] =	vst v3;
	v3 =	vpack.i.b32.b16 v8, v9;
	v8 =	vunpack.i.u.s16.s32 v7  }
0x4c: {  	v7 =	vunpack.i.l.s16.s32 v11;
	[tilespmem:s17+$0x10] =	vst v3;
	v3 =	vpack.i.b32.b16 v6, v5;
	v9 =	vunpack.i.u.s16.s32 v2;
	v6 =	vld [tilespmem:s16+$0x50]  }
0x4d: {  	v5 =	vunpack.i.l.s16.s32 v2;
	v2 =	vld [tilespmem:s16+$0xFFFFFE60];
	[tilespmem:s17+$0xFFFFFFA0] =	vst v3;
	v3 =	vpack.i.b32.b16 v8, v10;
	v10 =	vunpack.i.u.s16.s32 v11  }
0x4e: {  	s21 =	simm.s32 $0x0;
	v11 =	vpack.i.b32.b16 v7, v5;
	v7 =	vunpack.i.u.s16.s32 v12;
	v8 =	vunpack.i.l.s16.s32 v12;
	[tilespmem:s17+$0x20] =	vst v3;
	v3 =	vld [tilespmem:s16+$0x60]  }
0x4f: {  	s22 =	sadd.s32 $0x80, s16;
	s20 =	smov.u32 s17;
	s19 =	smov.u32 s17;
	v5 =	vld [tilespmem:s16+$0xFFFFFE00];
	[tilespmem:s17+$0xFFFFFFB0] =	vst v11;
	v10 =	vpack.i.b32.b16 v10, v9;
	v9 =	vunpack.i.u.s16.s32 v13;
	v11 =	vunpack.i.l.s16.s32 v13  }
.LBB1_5:
0x50: {  	v12 =	vld [tilespmem:s22+$0xFFFFFE70];
	[tilespmem:s20+$0x30] =	vst v10;
	v8 =	vpack.i.b32.b16 v11, v8;
	v10 =	vunpack.i.u.s16.s32 v4;
	v4 =	vunpack.i.l.s16.s32 v4  }
0x51: {  	s21 =	sadd.s32 $0x2, s21;
	v7 =	vpack.i.b32.b16 v9, v7;
	v11 =	vld [tilespmem:s22+$0x70];
	[tilespmem:s20+$0xFFFFFFC0] =	vst v8;
	v8 =	vunpack.i.u.s16.s32 v6;
	v6 =	vunpack.i.l.s16.s32 v6  }
0x52: {  	p0 =	slt.u32 s21, $0x6;
	v9 =	vld [tilespmem:s22+$0x0];
	[tilespmem:s20+$0x40] =	vst v7;
	v4 =	vpack.i.b32.b16 v6, v4;
	v6 =	vunpack.i.u.s16.s32 v2;
	v2 =	vunpack.i.l.s16.s32 v2  }
0x53: {  	v7 =	vld [tilespmem:s22+$0xFFFFFE10];
	[tilespmem:s20+$0xFFFFFFD0] =	vst v4;
	v4 =	vpack.i.b32.b16 v8, v10;
	v8 =	vunpack.i.u.s16.s32 v3;
	v3 =	vunpack.i.l.s16.s32 v3  }
0x54: {  	v10 =	vld [tilespmem:s22+$0x10];
	v13 =	vunpack.i.u.s16.s32 v5;
	v5 =	vunpack.i.l.s16.s32 v5;
	[tilespmem:s20+$0x50] =	vst v4;
	v2 =	vpack.i.b32.b16 v3, v2  }
0x55: {  	v3 =	vld [tilespmem:s22+$0xFFFFFE20];
	v4 =	vunpack.i.l.s16.s32 v12;
	v1 =	vpack.i.b32.b16 v1, v5;
	v5 =	vpack.i.b32.b16 v0, v13;
	[tilespmem:s20+$0xFFFFFFE0] =	vst v2  }
0x56: {  	v12 =	vunpack.i.u.s16.s32 v12;
	v2 =	vld [tilespmem:s22+$0x20];
	v13 =	vunpack.i.u.s16.s32 v11;
	v11 =	vunpack.i.l.s16.s32 v11;
	[tilespmem:s20+$0xFFFFFF80] =	vst v1  }
0x57: {  	s20 =	sadd.s32 $0x100, s20;
	v0 =	vunpack.i.u.s16.s32 v9;
	v1 =	vunpack.i.l.s16.s32 v9;
	v9 =	vld [tilespmem:s22+$0xFFFFFE30];
	v12 =	vpack.i.b32.b16 v13, v12;
	[tilespmem:s19+$0x0] =	vst v5  }
0x58: {  	v6 =	vpack.i.b32.b16 v8, v6;
	v5 =	vunpack.i.u.s16.s32 v7;
	v7 =	vunpack.i.l.s16.s32 v7;
	v13 =	vld [tilespmem:s22+$0x30];
	[tilespmem:s20+$0x70] =	vst v12  }
0x59: {  	v4 =	vpack.i.b32.b16 v11, v4;
	v8 =	vunpack.i.u.s16.s32 v10;
	v10 =	vunpack.i.l.s16.s32 v10;
	v12 =	vld [tilespmem:s22+$0xFFFFFE40];
	[tilespmem:s19+$0x60] =	vst v6;
	s19 =	smov.u32 s20  }
0x5a: {  	v6 =	vpack.i.b32.b16 v10, v7;
	v7 =	vunpack.i.u.s16.s32 v3;
	v3 =	vunpack.i.l.s16.s32 v3;
	v11 =	vld [tilespmem:s22+$0x40];
	[tilespmem:s20+$0xFFFFFFF0] =	vst v4  }
.Ltmp4:
0x5b: {  	v5 =	vpack.i.b32.b16 v8, v5;
	[tilespmem:s20+$0xFFFFFF90] =	vst v6;
	v8 =	vunpack.i.u.s16.s32 v2;
	v2 =	vunpack.i.l.s16.s32 v2;
	v4 =	vld [tilespmem:s22+$0xFFFFFE50];
	(pc) =	sbr.rel @p0 .LBB1_5-.Ltmp4, $4  }
0x5c: {  	[tilespmem:s20+$0x10] =	vst v5;
	v2 =	vpack.i.b32.b16 v2, v3;
	v10 =	vunpack.i.u.s16.s32 v9;
	v3 =	vunpack.i.l.s16.s32 v9;
	v6 =	vld [tilespmem:s22+$0x50]  }
0x5d: {  	v5 =	vpack.i.b32.b16 v8, v7;
	[tilespmem:s20+$0xFFFFFFA0] =	vst v2;
	v9 =	vunpack.i.u.s16.s32 v13;
	v7 =	vunpack.i.l.s16.s32 v13;
	v2 =	vld [tilespmem:s22+$0xFFFFFE60]  }
0x5e: {  	[tilespmem:s20+$0x20] =	vst v5;
	v13 =	vpack.i.b32.b16 v7, v3;
	v7 =	vunpack.i.u.s16.s32 v12;
	v8 =	vunpack.i.l.s16.s32 v12;
	v3 =	vld [tilespmem:s22+$0x60]  }
0x5f: {  	v10 =	vpack.i.b32.b16 v9, v10;
	v5 =	vld [tilespmem:s22+$0xFFFFFE00];
	[tilespmem:s20+$0xFFFFFFB0] =	vst v13;
	v9 =	vunpack.i.u.s16.s32 v11;
	v11 =	vunpack.i.l.s16.s32 v11;
	s22 =	sadd.s32 $0x80, s22  }
0x60: {  	[tilespmem:s20+$0x30] =	vst v10;
	v8 =	vpack.i.b32.b16 v11, v8  }
0x61: {  	v51 =	vunpack.i.l.s16.s32 v4;
	v7 =	vpack.i.b32.b16 v9, v7;
	[tilespmem:s20+$0xFFFFFFC0] =	vst v8;
	v52 =	vunpack.i.l.s16.s32 v6  }
0x62: {  	v53 =	vunpack.i.u.s16.s32 v4;
	s18 =	sadd.s32 $0x1, s18;
	v54 =	vunpack.i.u.s16.s32 v6;
	[tilespmem:s20+$0x40] =	vst v7;
	v55 =	vpack.i.b32.b16 v52, v51  }
0x63: {  	p0 =	sne.s32 s18, s15;
	v56 =	vunpack.i.l.s16.s32 v2;
	v4 =	vpack.i.b32.b16 v54, v53;
	[tilespmem:s20+$0xFFFFFFD0] =	vst v55;
	v57 =	vunpack.i.l.s16.s32 v3  }
.Ltmp5:
0x64: {  	[tilespmem:s20+$0x50] =	vst v4;
	v58 =	vunpack.i.l.s16.s32 v5;
	v59 =	vpack.i.b32.b16 v57, v56;
	(pc) =	sbr.rel @p0 .LBB1_4-.Ltmp5, $4  }
.Ltmp6:
0x65: {  	v61 =	vunpack.i.u.s16.s32 v2;
	v62 =	vunpack.i.u.s16.s32 v3;
	v1 =	vpack.i.b32.b16 v1, v58;
	[tilespmem:s20+$0xFFFFFFE0] =	vst v59;
	(pc) =	sbr.rel @!p0 .LBB1_7-.Ltmp6, $4  }
0x66: {  	v60 =	vunpack.i.u.s16.s32 v5;
	v63 =	vpack.i.b32.b16 v62, v61;
	[tilespmem:s20+$0xFFFFFF80] =	vst v1  }
0x67: {  	v0 =	vpack.i.b32.b16 v0, v60;
	[tilespmem:s19+$0x60] =	vst v63  }
0x68: {  	s16 =	sadd.s32 $0x400, s16;
	s17 =	sadd.s32 $0x400, s17;
	[tilespmem:s19+$0x0] =	vst v0  }
0x69: {  	_ = 	snop  }
.LBB1_9:
0x6a: {  	_ =	sfence.sel $0x180000  }
0x6b: {  	s2 =	simm.s32 $0x1;
	[bflag:$0x0] =	sbarrier.arrive $0xFFFF  }
0x6c: {  	s31 =	simm.s32 $0x2;
	[sflag:s2] =	ssyncpa.u1 $0x1  }
0x6d: {  	[sflag:s31] =	ssyncpa.u1 $0x1  }
0x6e: {  	p0 =	sne.s32 s1, $0x0;
	_ =	strace $0x90000050  }
0x6f: {  	s0 =	sadd.s32 @!p0 $0x100000, s0;
	[bflag:$0x2] =	sbarrier.arrive $0xFFFF  }
0x70: {  	[sflag:s0] =	ssyncadd.tile.s32 @!p0 $0x1;
	_ =	shalt  }
.Lfunc_end1:
_tile_overlayer_lowered:
.L_overlay_start_2:
0x71: {  	(tag) =	ssettag $0x2  }
0x72: {  	s0 =	rddreg [dreg:$0x0];
	s2 =	stileid.u32  }
0x73: {  	s1 =	rddreg [dreg:$0x1];
	p0 =	sne.s32 s2, $0x0  }
0x74: {  	s3 =	rddreg [dreg:$0x2];
	[bflag:$0x3] =	sbarrier.arrive $0xFFFF;
	s2 =	simm.s32 @!p0 $0x1C01  }
0x75: {  	[timem:s3], [sflag:s2] =	dma.local @!p0 [hbm:s0], s1  }
0x76: {  	s0 =	simm.s32 @!p0 $0x1  }
0x77: {  	_ =	swait.ge @!p0 [sflag:s0], s1  }
0x78: {  	s1 =	ssub.s32 @!p0 $0x0, s1;
	[sflag:s0] =	ssyncset.done @!p0 $0x0  }
0x79: {  	[sflag:s0] =	ssyncadd.s32 @!p0 s1  }
0x7a: {  	[bflag:$0x3] =	sbarrier.arrive $0xFFFF  }
0x7b: {  	_ =	shalt  }

</sc_bundles>
